<compile_context>
chip_gen: v7x
topology: tpu7x:2x2x1
jax: 0.10.2.dev20260603
libtpu: 0.0.44.dev20260713+nightly
codegen_flags: <defaults>
</compile_context>

<pallas_src>
import functools

import jax
import jax.numpy as jnp
from jax import lax
from jax.experimental import pallas as pl
from jax.experimental.pallas import tpu as pltpu
from jax.experimental.pallas import tpu_sc as plsc

_NUM_CLASSES = 19
_THING_LO = 11
_THING_HI = 18
_CENTER_THRESHOLD = 0.1
_NMS_PAD = 3
_TOP_K = 200
_H = 384
_W = 384
_P = _H * _W
_NEG_INF = float("-inf")
_SLAB = 8
_WIN = 40
_MAX_OFF = 14.0

_NC = 2
_NS = 16
_NW = _NC * _NS
_CHUNK = _P // _NW
_GROUPS = _CHUNK // 16
_SLICE = _P // _NS
_NROWS = 4 * _CHUNK // 128



def _sc_count_body(oy_hbm, ox_hbm, out_hbm, oyv, oxv, idxb, valb, zb, cnt_sh,
                   dma_sem):
    c = lax.axis_index("c")
    s = lax.axis_index("s")
    base = (c * _NS + s) * _CHUNK

    def zloop(i, carry):
        zb[pl.ds(i * 16, 16)] = jnp.zeros((16,), jnp.int32)
        return carry

    lax.fori_loop(0, _SLICE // 16, zloop, 0)
    pltpu.sync_copy(zb, cnt_sh.at[pl.ds(s * _SLICE, _SLICE)])
    plsc.subcore_barrier()

    pltpu.sync_copy(oy_hbm.at[pl.ds(base, _CHUNK)], oyv)
    pltpu.sync_copy(ox_hbm.at[pl.ds(base, _CHUNK)], oxv)

    lane = lax.iota(jnp.int32, 16)

    def do_group(g, half):
        pid0 = base + g * 16
        y0 = pid0 // _W
        x0 = pid0 - y0 * _W
        sy = y0.astype(jnp.float32) + oyv[pl.ds(g * 16, 16)]
        sx = (x0 + lane).astype(jnp.float32) + oxv[pl.ds(g * 16, 16)]
        fy = sy.astype(jnp.int32)
        fy = jnp.where(fy.astype(jnp.float32) > sy, fy - 1, fy)
        fx = sx.astype(jnp.int32)
        fx = jnp.where(fx.astype(jnp.float32) > sx, fx - 1, fx)
        r = g // 2
        c0 = half * 64
        for ii, (dy_, dx_) in enumerate(((0, 0), (0, 1), (1, 0), (1, 1))):
            iy = fy + dy_
            ix = fx + dx_
            inb = (iy >= 0) & (iy < _H) & (ix >= 0) & (ix < _W)
            dyf = sy - iy.astype(jnp.float32)
            dxf = sx - ix.astype(jnp.float32)
            ind = (dyf * dyf + dxf * dxf < 1.0) & inb
            val = jnp.where(ind, jnp.int32(1), jnp.int32(0))
            idx = (jnp.clip(iy, 0, _H - 1) * _W
                   + jnp.clip(ix, 0, _W - 1))
            idxb[r, pl.ds(c0 + ii * 16, 16)] = idx
            valb[r, pl.ds(c0 + ii * 16, 16)] = val

    def gloop(i, carry):
        do_group(i * 2, 0)
        do_group(i * 2 + 1, 1)
        pltpu.async_copy(valb.at[i], cnt_sh.at[idxb.at[i]], dma_sem,
                         add=True)
        return carry

    lax.fori_loop(0, _GROUPS // 2, gloop, 0)

    def dloop(j, carry):
        pltpu.make_async_copy(valb.at[j], cnt_sh.at[idxb.at[j]],
                              dma_sem).wait()
        return carry

    lax.fori_loop(0, _NROWS, dloop, 0)
    plsc.subcore_barrier()

    pltpu.sync_copy(cnt_sh.at[pl.ds(s * _SLICE, _SLICE)],
                    out_hbm.at[c, pl.ds(s * _SLICE, _SLICE)])


def _sc_count(oy, ox):
    run = functools.partial(
        pl.kernel,
        mesh=plsc.VectorSubcoreMesh(core_axis_name="c", subcore_axis_name="s",
                                    num_cores=_NC, num_subcores=_NS),
        out_type=jax.ShapeDtypeStruct((_NC, _P), jnp.int32),
        scratch_types=[
            pltpu.VMEM((_CHUNK,), jnp.float32),
            pltpu.VMEM((_CHUNK,), jnp.float32),
            pltpu.VMEM((_NROWS, 128), jnp.int32),
            pltpu.VMEM((_NROWS, 128), jnp.int32),
            pltpu.VMEM((_SLICE,), jnp.int32),
            pltpu.VMEM_SHARED((_P,), jnp.int32),
            pltpu.SemaphoreType.DMA,
        ],
    )(_sc_count_body)
    return run(oy, ox)



_ROWBLK = 48
_NBLK = _H // _ROWBLK


def _fuse_body(sem_hbm, heat_ref, off_ref, cntp_ref,
               pan_ref, semout_hbm, heatout_hbm, offout_hbm,
               sempred_ref, ascores_ref, sy_ref, sx_ref,
               semb0, semb1, dsem0, dsem1, wsem0, wsem1, psem):
    pltpu.make_async_copy(heat_ref, heatout_hbm, psem).start()
    pltpu.make_async_copy(off_ref, offout_hbm, psem).start()

    bufs = (semb0, semb1)
    sems = (dsem0, dsem1)
    wsems = (wsem0, wsem1)

    def _chunk(i):
        return (slice(None), pl.ds(i * _ROWBLK, _ROWBLK), slice(None))

    pltpu.make_async_copy(sem_hbm.at[_chunk(0)], semb0, dsem0).start()
    for blk in range(_NBLK):
        if blk + 1 < _NBLK:
            nbuf = bufs[(blk + 1) % 2]
            if blk >= 1:
                pltpu.make_async_copy(
                    nbuf, semout_hbm.at[_chunk(blk - 1)],
                    wsems[(blk + 1) % 2]).wait()
            pltpu.make_async_copy(
                sem_hbm.at[_chunk(blk + 1)], nbuf, sems[(blk + 1) % 2]
            ).start()
        buf = bufs[blk % 2]
        pltpu.make_async_copy(
            sem_hbm.at[_chunk(blk)], buf, sems[blk % 2]).wait()
        x = buf[...]
        best = x[0]
        bidx = jnp.zeros(best.shape, jnp.int32)
        for c in range(1, _NUM_CLASSES):
            better = x[c] > best
            best = jnp.where(better, x[c], best)
            bidx = jnp.where(better, c, bidx)
        sempred_ref[pl.ds(blk * _ROWBLK, _ROWBLK), :] = bidx
        pltpu.make_async_copy(
            buf, semout_hbm.at[_chunk(blk)], wsems[blk % 2]).start()

    heat = heat_ref[...]

    ninf_rows = jnp.full((_NMS_PAD, _W), _NEG_INF, jnp.float32)
    hp = jnp.concatenate([ninf_rows, heat, ninf_rows], axis=0)
    rm = hp[0:_H, :]
    for d in range(1, 2 * _NMS_PAD + 1):
        rm = jnp.maximum(rm, hp[d:d + _H, :])
    ninf_cols = jnp.full((_H, _NMS_PAD), _NEG_INF, jnp.float32)
    cp = jnp.concatenate([ninf_cols, rm, ninf_cols], axis=1)
    nms = cp[:, 0:_W]
    for d in range(1, 2 * _NMS_PAD + 1):
        nms = jnp.maximum(nms, cp[:, d:d + _W])

    cmask = (heat > _CENTER_THRESHOLD) & (heat == nms)
    scores = jnp.where(cmask, heat, _NEG_INF)

    sempred = sempred_ref[...]
    cnt = cntp_ref[0] + cntp_ref[1]
    thing = (sempred >= _THING_LO) & (sempred <= _THING_HI)
    acc = cmask & (heat < jnp.inf) & (cnt >= 32) & thing
    nacc = jnp.sum(acc.astype(jnp.int32))

    pan_ref[...] = sempred

    @pl.when(nacc > 0)
    def _():
        ri = lax.broadcasted_iota(jnp.int32, (_H, _W), 0)
        ci = lax.broadcasted_iota(jnp.int32, (_H, _W), 1)
        fidx = ri * _W + ci
        sy_ref[...] = ri.astype(jnp.float32) + off_ref[0]
        sx_ref[...] = ci.astype(jnp.float32) + off_ref[1]
        ascores_ref[...] = jnp.where(acc, scores, _NEG_INF)
        has_outlier = jnp.max(jnp.abs(off_ref[0])) > _MAX_OFF
        big = jnp.int32(1 << 30)

        def cond(carry):
            return carry[0] == 1

        def body(carry):
            _, next_id = carry
            a = ascores_ref[...]
            m = jnp.max(a)
            idx = jnp.min(jnp.where(a == m, fidx, big))
            row = idx // _W
            col = idx % _W
            ascores_ref[...] = jnp.where(fidx == idx, _NEG_INF, a)
            scnt = (jnp.sum((scores > m).astype(jnp.int32))
                    + jnp.sum(((scores == m) & (fidx < idx))
                              .astype(jnp.int32)))
            ok = (m > _NEG_INF) & (scnt < _TOP_K)
            rowf = row.astype(jnp.float32)
            colf = col.astype(jnp.float32)

            @pl.when(ok & jnp.logical_not(has_outlier))
            def _():
                wbase = (row // _SLAB) * _SLAB - 2 * _SLAB
                wstart = pl.multiple_of(
                    jnp.clip(wbase, 0, _H - _WIN), _SLAB)
                dyw = sy_ref[pl.ds(wstart, _WIN), :] - rowf
                dxw = sx_ref[pl.ds(wstart, _WIN), :] - colf
                ind_w = dyw * dyw + dxw * dxw < 1.0
                panw = pan_ref[pl.ds(wstart, _WIN), :]
                pan_ref[pl.ds(wstart, _WIN), :] = (
                    jnp.where(ind_w, next_id, panw))

            @pl.when(ok & has_outlier)
            def _():
                dy = sy_ref[...] - rowf
                dx = sx_ref[...] - colf
                ind_f = dy * dy + dx * dx < 1.0
                pan_ref[...] = jnp.where(ind_f, next_id, pan_ref[...])

            return (ok.astype(jnp.int32), next_id + ok.astype(jnp.int32))

        lax.while_loop(cond, body, (jnp.int32(1), jnp.int32(1000)))

    pltpu.make_async_copy(semb0, semout_hbm.at[:, pl.ds(6 * _ROWBLK, _ROWBLK), :],
                          wsem0).wait()
    pltpu.make_async_copy(semb1, semout_hbm.at[:, pl.ds(7 * _ROWBLK, _ROWBLK), :],
                          wsem1).wait()
    pltpu.make_async_copy(heat_ref, heatout_hbm, psem).wait()
    pltpu.make_async_copy(off_ref, offout_hbm, psem).wait()


@jax.jit
def kernel(semantic_logits, center_heatmap, offset_map):
    sem = semantic_logits[0]
    heat = center_heatmap[0, 0]
    off = offset_map[0]

    partial_counts = _sc_count(off[0].reshape(_P), off[1].reshape(_P))
    cntp = partial_counts.reshape(_NC, _H, _W)

    pan, semc, heatc, offc = pl.pallas_call(
        _fuse_body,
        out_shape=[
            jax.ShapeDtypeStruct((_H, _W), jnp.int32),
            jax.ShapeDtypeStruct((_NUM_CLASSES, _H, _W), jnp.float32),
            jax.ShapeDtypeStruct((_H, _W), jnp.float32),
            jax.ShapeDtypeStruct((2, _H, _W), jnp.float32),
        ],
        in_specs=[
            pl.BlockSpec(memory_space=pl.ANY),
            pl.BlockSpec(memory_space=pltpu.VMEM),
            pl.BlockSpec(memory_space=pltpu.VMEM),
            pl.BlockSpec(memory_space=pltpu.VMEM),
        ],
        out_specs=[
            pl.BlockSpec(memory_space=pltpu.VMEM),
            pl.BlockSpec(memory_space=pl.ANY),
            pl.BlockSpec(memory_space=pl.ANY),
            pl.BlockSpec(memory_space=pl.ANY),
        ],
        scratch_shapes=[
            pltpu.VMEM((_H, _W), jnp.int32),
            pltpu.VMEM((_H, _W), jnp.float32),
            pltpu.VMEM((_H, _W), jnp.float32),
            pltpu.VMEM((_H, _W), jnp.float32),
            pltpu.VMEM((_NUM_CLASSES, _ROWBLK, _W), jnp.float32),
            pltpu.VMEM((_NUM_CLASSES, _ROWBLK, _W), jnp.float32),
            pltpu.SemaphoreType.DMA,
            pltpu.SemaphoreType.DMA,
            pltpu.SemaphoreType.DMA,
            pltpu.SemaphoreType.DMA,
            pltpu.SemaphoreType.DMA,
        ],
    )(sem, heat, off, cntp)

    return (semc[None], heatc[None, None], offc[None], pan[None])

# --- scband reference (transcript-rebuilt; emitter-appended) ---
"""Pipeline reference for scband-panoptic-deep-lab-70342974374300 (READ-ONLY COPY).

The authoritative reference and input builder live on the scoring server;
editing this copy changes nothing except your own understanding.
"""

import jax, jax.numpy as jnp
import numpy as np
from jax import lax

NUM_CLASSES = 19
THING_CLASSES = (11, 12, 13, 14, 15, 16, 17, 18)
CENTER_THRESHOLD = 0.1
NMS_KERNEL = 7
TOP_K = 200

B, H, W = 1, 384, 384


def setup_inputs(seed: int = 0) -> dict:
    key = jax.random.key(seed)
    k1, k2, k3 = jax.random.split(key, 3)
    semantic_logits = jax.random.normal(k1, (B, NUM_CLASSES, H, W), dtype=jnp.float32)
    center_heatmap = jax.random.uniform(k2, (B, 1, H, W), dtype=jnp.float32)
    offset_map = jax.random.normal(k3, (B, 2, H, W), dtype=jnp.float32)
    return {"semantic_logits": semantic_logits, "center_heatmap": center_heatmap, "offset_map": offset_map}


def _max_pool_nms(heat):
    pad = NMS_KERNEL // 2
    # torch F.max_pool2d pads with -inf for max pooling; reduce_window with -inf init matches
    return lax.reduce_window(heat, -jnp.inf, lax.max, (NMS_KERNEL, NMS_KERNEL), (1, 1), ((pad, pad), (pad, pad)))


def reference(semantic_logits, center_heatmap, offset_map):
    Bb, C, Hh, Ww = semantic_logits.shape
    semantic_pred = jnp.argmax(semantic_logits, axis=1)  # [B, H, W]
    yg, xg = jnp.meshgrid(jnp.arange(Hh), jnp.arange(Ww), indexing='ij')
    yg = yg.astype(jnp.float32)
    xg = xg.astype(jnp.float32)
    thing_classes = jnp.asarray(THING_CLASSES, dtype=semantic_pred.dtype)
    panoptic_list = []
    for b in range(Bb):
        heat = center_heatmap[b, 0]
        nms = _max_pool_nms(heat)
        cmask = (heat > CENTER_THRESHOLD) & (heat == nms)
        scores = jnp.where(cmask, heat, -jnp.inf)
        vals, idx = lax.top_k(scores.reshape(-1), TOP_K)
        valid = jnp.isfinite(vals)
        cy = idx // Ww
        cx = idx % Ww
        # generate_instance_masks: shifted coords and distance to each center
        sy = yg + offset_map[b, 0]
        sx = xg + offset_map[b, 1]
        dy = sy[None, :, :] - cy[:, None, None].astype(jnp.float32)
        dx = sx[None, :, :] - cx[:, None, None].astype(jnp.float32)
        dist = jnp.sqrt(dy ** 2 + dx ** 2)  # [K, H, W]
        masks = dist < 1.0
        # fuse_semantic_instance
        pan0 = semantic_pred[b]
        sem_b = semantic_pred[b]

        def body(k, carry):
            pan, instance_id = carry
            m = masks[k]
            big_enough = m.sum() >= 32
            center_class = sem_b[cy[k], cx[k]]
            is_thing = jnp.any(center_class == thing_classes)
            accept = valid[k] & big_enough & is_thing
            pan = jnp.where(accept & m, instance_id.astype(pan.dtype), pan)
            instance_id = instance_id + accept.astype(instance_id.dtype)
            return (pan, instance_id)

        pan, _ = lax.fori_loop(0, TOP_K, body, (pan0, jnp.asarray(1000, jnp.int32)))
        panoptic_list.append(pan)
    panoptic_pred = jnp.stack(panoptic_list, axis=0)
    return (semantic_logits, center_heatmap, offset_map, panoptic_pred)

if __name__ == "__main__":
    import jax
    _d = setup_inputs()
    print(jax.jit(kernel)(*tuple(_d.values())))

</pallas_src>

<mosaic_0001>
#map = affine_map<(d0, d1) -> (0)>
#map1 = affine_map<(d0, d1) -> (0, 0)>
module attributes {stable_mosaic.version = 14 : i64} {
  func.func @_sc_count_body(%arg0: i32, %arg1: i32, %arg2: memref<147456xf32, #tpu.memory_space<hbm>>, %arg3: memref<147456xf32, #tpu.memory_space<hbm>>, %arg4: memref<2x147456xi32, #tpu.memory_space<hbm>>, %arg5: memref<4608xf32, #tpu.memory_space<vmem>>, %arg6: memref<4608xf32, #tpu.memory_space<vmem>>, %arg7: memref<144x128xi32, #tpu.memory_space<vmem>>, %arg8: memref<144x128xi32, #tpu.memory_space<vmem>>, %arg9: memref<9216xi32, #tpu.memory_space<vmem>>, %arg10: memref<147456xi32, #tpu.memory_space<vmem_shared>>, %arg11: memref<!tpu.dma_semaphore, #tpu.memory_space<semaphore_mem>>) attributes {dimension_semantics = [#tpu.dimension_semantics<core_parallel>, #tpu.dimension_semantics<subcore_parallel>], iteration_bounds = array<i64: 2, 16>, scalar_prefetch = 0 : i64, scratch_operands = 7 : i64, tpu.core_type = #tpu.core_type<sc_vector_subcore>, window_params = [{transform_indices = #map}, {transform_indices = #map}, {transform_indices = #map1}]} {
    %mul3A = arith.constant 16 : i32
    %mul3A_0 = arith.muli %arg0, %mul3A : i32
    %add3A = arith.addi %mul3A_0, %arg1 : i32
    %mul3A_1 = arith.constant 4608 : i32
    %mul3A_2 = arith.muli %add3A, %mul3A_1 : i32
    %scan3A = arith.constant 0 : i32
    %scan3A_3 = arith.constant 0 : i32
    %scan3A_4 = arith.constant 576 : i32
    %scan3A_5 = arith.addi %scan3A_3, %scan3A_4 : i32
    %scan3A_6 = arith.constant 1 : i32
    scf.for %scan3A_27 = %scan3A_3 to %scan3A_5 step %scan3A_6  : i32 {
      %broadcast_in_dim3A = arith.constant 0 : i32
      %broadcast_in_dim3A_28 = vector.broadcast %broadcast_in_dim3A : i32 to vector<16xi32>
      %mul3A_29 = arith.constant 16 : i32
      %mul3A_30 = arith.muli %scan3A_27, %mul3A_29 : i32
      %swap3A = arith.index_cast %mul3A_30 : i32 to index
      %swap3A_31 = tpu.vector_load %arg9[%swap3A] {strides = array<i32>} : memref<9216xi32, #tpu.memory_space<vmem>>, vector<16xi32>,
      %swap3A_32 = vector.shape_cast %swap3A_31 : vector<16xi32> to vector<16xi32>
      %swap3A_33 = vector.shape_cast %broadcast_in_dim3A_28 : vector<16xi32> to vector<16xi32>
      tpu.vector_store %arg9[%swap3A], %swap3A_33 {strides = array<i32>} : memref<9216xi32, #tpu.memory_space<vmem>>, vector<16xi32>,
    }
    %scan3A_7 = arith.constant 576 : i32
    %mul3A_8 = arith.constant 9216 : i32
    %mul3A_9 = arith.muli %arg1, %mul3A_8 : i32
    "tpu.region"() ({
      %run_scoped3A = tpu.sem_alloc : memref<!tpu.dma_semaphore, #tpu.memory_space<semaphore_mem>>
      %dma_start3A = tpu.memref_slice %arg10[%mul3A_9] : memref<147456xi32, #tpu.memory_space<vmem_shared>> -> memref<9216xi32, #tpu.memory_space<vmem_shared>>
      %dma_start3A_27 = tpu.memref_slice %arg10[%mul3A_9] : memref<147456xi32, #tpu.memory_space<vmem_shared>> -> memref<9216xi32, #tpu.memory_space<vmem_shared>>
      tpu.enqueue_dma source(%arg9 : memref<9216xi32, #tpu.memory_space<vmem>>) target(%dma_start3A_27 : memref<9216xi32, #tpu.memory_space<vmem_shared>>) target_semaphore(%run_scoped3A : memref<!tpu.dma_semaphore, #tpu.memory_space<semaphore_mem>>)
      %dma_wait3A = tpu.memref_slice %arg10[%mul3A_9] : memref<147456xi32, #tpu.memory_space<vmem_shared>> -> memref<9216xi32, #tpu.memory_space<vmem_shared>>
      %dma_wait3A_28 = tpu.memref_slice %arg10[%mul3A_9] : memref<147456xi32, #tpu.memory_space<vmem_shared>> -> memref<9216xi32, #tpu.memory_space<vmem_shared>>
      tpu.wait_dma2 semaphore(%run_scoped3A : memref<!tpu.dma_semaphore, #tpu.memory_space<semaphore_mem>>) src(%arg9 : memref<9216xi32, #tpu.memory_space<vmem>>) dst(%dma_wait3A_28 : memref<9216xi32, #tpu.memory_space<vmem_shared>>)
      tpu.yield
    }) : () -> ()
    %barrier3A = arith.constant 0 : index
    tpu.barrier barrier_id(%barrier3A)
    "tpu.region"() ({
      %run_scoped3A = tpu.sem_alloc : memref<!tpu.dma_semaphore, #tpu.memory_space<semaphore_mem>>
      %dma_start3A = tpu.memref_slice %arg2[%mul3A_2] : memref<147456xf32, #tpu.memory_space<hbm>> -> memref<4608xf32, #tpu.memory_space<hbm>>
      %dma_start3A_27 = tpu.memref_slice %arg2[%mul3A_2] : memref<147456xf32, #tpu.memory_space<hbm>> -> memref<4608xf32, #tpu.memory_space<hbm>>
      tpu.enqueue_dma source(%dma_start3A_27 : memref<4608xf32, #tpu.memory_space<hbm>>) target(%arg5 : memref<4608xf32, #tpu.memory_space<vmem>>) target_semaphore(%run_scoped3A : memref<!tpu.dma_semaphore, #tpu.memory_space<semaphore_mem>>)
      %dma_wait3A = tpu.memref_slice %arg2[%mul3A_2] : memref<147456xf32, #tpu.memory_space<hbm>> -> memref<4608xf32, #tpu.memory_space<hbm>>
      %dma_wait3A_28 = tpu.memref_slice %arg2[%mul3A_2] : memref<147456xf32, #tpu.memory_space<hbm>> -> memref<4608xf32, #tpu.memory_space<hbm>>
      tpu.wait_dma2 semaphore(%run_scoped3A : memref<!tpu.dma_semaphore, #tpu.memory_space<semaphore_mem>>) src(%dma_wait3A_28 : memref<4608xf32, #tpu.memory_space<hbm>>) dst(%arg5 : memref<4608xf32, #tpu.memory_space<vmem>>)
      tpu.yield
    }) : () -> ()
    "tpu.region"() ({
      %run_scoped3A = tpu.sem_alloc : memref<!tpu.dma_semaphore, #tpu.memory_space<semaphore_mem>>
      %dma_start3A = tpu.memref_slice %arg3[%mul3A_2] : memref<147456xf32, #tpu.memory_space<hbm>> -> memref<4608xf32, #tpu.memory_space<hbm>>
      %dma_start3A_27 = tpu.memref_slice %arg3[%mul3A_2] : memref<147456xf32, #tpu.memory_space<hbm>> -> memref<4608xf32, #tpu.memory_space<hbm>>
      tpu.enqueue_dma source(%dma_start3A_27 : memref<4608xf32, #tpu.memory_space<hbm>>) target(%arg6 : memref<4608xf32, #tpu.memory_space<vmem>>) target_semaphore(%run_scoped3A : memref<!tpu.dma_semaphore, #tpu.memory_space<semaphore_mem>>)
      %dma_wait3A = tpu.memref_slice %arg3[%mul3A_2] : memref<147456xf32, #tpu.memory_space<hbm>> -> memref<4608xf32, #tpu.memory_space<hbm>>
      %dma_wait3A_28 = tpu.memref_slice %arg3[%mul3A_2] : memref<147456xf32, #tpu.memory_space<hbm>> -> memref<4608xf32, #tpu.memory_space<hbm>>
      tpu.wait_dma2 semaphore(%run_scoped3A : memref<!tpu.dma_semaphore, #tpu.memory_space<semaphore_mem>>) src(%dma_wait3A_28 : memref<4608xf32, #tpu.memory_space<hbm>>) dst(%arg6 : memref<4608xf32, #tpu.memory_space<vmem>>)
      tpu.yield
    }) : () -> ()
    %iota3A = tpu.iota {dimensions = array<i32: 0>} : vector<16xi32>
    %scan3A_10 = arith.constant 0 : i32
    %scan3A_11 = arith.constant 0 : i32
    %scan3A_12 = arith.constant 144 : i32
    %scan3A_13 = arith.addi %scan3A_11, %scan3A_12 : i32
    %scan3A_14 = arith.constant 1 : i32
    scf.for %scan3A_27 = %scan3A_11 to %scan3A_13 step %scan3A_14  : i32 {
      %mul3A_28 = arith.constant 2 : i32
      %mul3A_29 = arith.muli %scan3A_27, %mul3A_28 : i32
      %mul3A_30 = arith.constant 16 : i32
      %mul3A_31 = arith.muli %mul3A_29, %mul3A_30 : i32
      %add3A_32 = arith.addi %mul3A_2, %mul3A_31 : i32
      %jit3A = arith.constant 384 : i32
      %div3A = arith.divsi %add3A_32, %jit3A : i32
      %sign3A = arith.constant 0 : i32
      %sign3A_33 = arith.cmpi sgt, %add3A_32, %sign3A : i32
      %sign3A_34 = arith.extui %sign3A_33 : i1 to i32
      %sign3A_35 = arith.constant 0 : i32
      %sign3A_36 = arith.cmpi slt, %add3A_32, %sign3A_35 : i32
      %sign3A_37 = arith.extui %sign3A_36 : i1 to i32
      %sign3A_38 = arith.subi %sign3A_34, %sign3A_37 : i32
      %sign3A_39 = arith.constant 0 : i32
      %sign3A_40 = arith.cmpi sgt, %jit3A, %sign3A_39 : i32
      %sign3A_41 = arith.extui %sign3A_40 : i1 to i32
      %sign3A_42 = arith.constant 0 : i32
      %sign3A_43 = arith.cmpi slt, %jit3A, %sign3A_42 : i32
      %sign3A_44 = arith.extui %sign3A_43 : i1 to i32
      %sign3A_45 = arith.subi %sign3A_41, %sign3A_44 : i32
      %ne3A = arith.cmpi ne, %sign3A_38, %sign3A_45 : i32
      %rem3A = arith.remsi %add3A_32, %jit3A : i32
      %ne3A_46 = arith.constant 0 : i32
      %ne3A_47 = arith.cmpi ne, %rem3A, %ne3A_46 : i32
      %and3A = arith.andi %ne3A, %ne3A_47 : i1
      %sub3A = arith.constant 1 : i32
      %sub3A_48 = arith.subi %div3A, %sub3A : i32
      %select_n3A = arith.select %and3A, %sub3A_48, %div3A : i32
      %mul3A_49 = arith.constant 384 : i32
      %mul3A_50 = arith.muli %select_n3A, %mul3A_49 : i32
      %sub3A_51 = arith.subi %add3A_32, %mul3A_50 : i32
      %convert_element_type3A = arith.sitofp %select_n3A : i32 to f32
      %mul3A_52 = arith.constant 16 : i32
      %mul3A_53 = arith.muli %mul3A_29, %mul3A_52 : i32
      %get3A = arith.index_cast %mul3A_53 : i32 to index
      %get3A_54 = tpu.vector_load %arg5[%get3A] {strides = array<i32>} : memref<4608xf32, #tpu.memory_space<vmem>>, vector<16xf32>,
      %get3A_55 = vector.shape_cast %get3A_54 : vector<16xf32> to vector<16xf32>
      %add3A_56 = vector.broadcast %convert_element_type3A : f32 to vector<16xf32>
      %add3A_57 = arith.addf %add3A_56, %get3A_55 : vector<16xf32>
      %add3A_58 = vector.broadcast %sub3A_51 : i32 to vector<16xi32>
      %add3A_59 = arith.addi %add3A_58, %iota3A : vector<16xi32>
      %convert_element_type3A_60 = arith.sitofp %add3A_59 : vector<16xi32> to vector<16xf32>
      %mul3A_61 = arith.constant 16 : i32
      %mul3A_62 = arith.muli %mul3A_29, %mul3A_61 : i32
      %get3A_63 = arith.index_cast %mul3A_62 : i32 to index
      %get3A_64 = tpu.vector_load %arg6[%get3A_63] {strides = array<i32>} : memref<4608xf32, #tpu.memory_space<vmem>>, vector<16xf32>,
      %get3A_65 = vector.shape_cast %get3A_64 : vector<16xf32> to vector<16xf32>
      %add3A_66 = arith.addf %convert_element_type3A_60, %get3A_65 : vector<16xf32>
      %convert_element_type3A_67 = arith.fptosi %add3A_57 : vector<16xf32> to vector<16xi32>
      %convert_element_type3A_68 = arith.sitofp %convert_element_type3A_67 : vector<16xi32> to vector<16xf32>
      %gt3A = arith.cmpf ogt, %convert_element_type3A_68, %add3A_57 : vector<16xf32>
      %sub3A_69 = arith.constant 1 : i32
      %sub3A_70 = vector.broadcast %sub3A_69 : i32 to vector<16xi32>
      %sub3A_71 = arith.subi %convert_element_type3A_67, %sub3A_70 : vector<16xi32>
      %select_n3A_72 = arith.select %gt3A, %sub3A_71, %convert_element_type3A_67 : vector<16xi1>, vector<16xi32>
      %convert_element_type3A_73 = arith.fptosi %add3A_66 : vector<16xf32> to vector<16xi32>
      %convert_element_type3A_74 = arith.sitofp %convert_element_type3A_73 : vector<16xi32> to vector<16xf32>
      %gt3A_75 = arith.cmpf ogt, %convert_element_type3A_74, %add3A_66 : vector<16xf32>
      %sub3A_76 = arith.constant 1 : i32
      %sub3A_77 = vector.broadcast %sub3A_76 : i32 to vector<16xi32>
      %sub3A_78 = arith.subi %convert_element_type3A_73, %sub3A_77 : vector<16xi32>
      %select_n3A_79 = arith.select %gt3A_75, %sub3A_78, %convert_element_type3A_73 : vector<16xi1>, vector<16xi32>
      %jit3A_80 = arith.constant 2 : i32
      %div3A_81 = arith.divsi %mul3A_29, %jit3A_80 : i32
      %sign3A_82 = arith.constant 0 : i32
      %sign3A_83 = arith.cmpi sgt, %mul3A_29, %sign3A_82 : i32
      %sign3A_84 = arith.extui %sign3A_83 : i1 to i32
      %sign3A_85 = arith.constant 0 : i32
      %sign3A_86 = arith.cmpi slt, %mul3A_29, %sign3A_85 : i32
      %sign3A_87 = arith.extui %sign3A_86 : i1 to i32
      %sign3A_88 = arith.subi %sign3A_84, %sign3A_87 : i32
      %sign3A_89 = arith.constant 0 : i32
      %sign3A_90 = arith.cmpi sgt, %jit3A_80, %sign3A_89 : i32
      %sign3A_91 = arith.extui %sign3A_90 : i1 to i32
      %sign3A_92 = arith.constant 0 : i32
      %sign3A_93 = arith.cmpi slt, %jit3A_80, %sign3A_92 : i32
      %sign3A_94 = arith.extui %sign3A_93 : i1 to i32
      %sign3A_95 = arith.subi %sign3A_91, %sign3A_94 : i32
      %ne3A_96 = arith.cmpi ne, %sign3A_88, %sign3A_95 : i32
      %rem3A_97 = arith.remsi %mul3A_29, %jit3A_80 : i32
      %ne3A_98 = arith.constant 0 : i32
      %ne3A_99 = arith.cmpi ne, %rem3A_97, %ne3A_98 : i32
      %and3A_100 = arith.andi %ne3A_96, %ne3A_99 : i1
      %sub3A_101 = arith.constant 1 : i32
      %sub3A_102 = arith.subi %div3A_81, %sub3A_101 : i32
      %select_n3A_103 = arith.select %and3A_100, %sub3A_102, %div3A_81 : i32
      %add3A_104 = arith.constant 0 : i32
      %add3A_105 = vector.broadcast %add3A_104 : i32 to vector<16xi32>
      %add3A_106 = arith.addi %select_n3A_72, %add3A_105 : vector<16xi32>
      %add3A_107 = arith.constant 0 : i32
      %add3A_108 = vector.broadcast %add3A_107 : i32 to vector<16xi32>
      %add3A_109 = arith.addi %select_n3A_79, %add3A_108 : vector<16xi32>
      %ge3A = arith.constant 0 : i32
      %ge3A_110 = vector.broadcast %ge3A : i32 to vector<16xi32>
      %ge3A_111 = arith.cmpi sge, %add3A_106, %ge3A_110 : vector<16xi32>
      %lt3A = arith.constant 384 : i32
      %lt3A_112 = vector.broadcast %lt3A : i32 to vector<16xi32>
      %lt3A_113 = arith.cmpi slt, %add3A_106, %lt3A_112 : vector<16xi32>
      %and3A_114 = arith.andi %ge3A_111, %lt3A_113 : vector<16xi1>
      %ge3A_115 = arith.constant 0 : i32
      %ge3A_116 = vector.broadcast %ge3A_115 : i32 to vector<16xi32>
      %ge3A_117 = arith.cmpi sge, %add3A_109, %ge3A_116 : vector<16xi32>
      %and3A_118 = arith.andi %and3A_114, %ge3A_117 : vector<16xi1>
      %lt3A_119 = arith.constant 384 : i32
      %lt3A_120 = vector.broadcast %lt3A_119 : i32 to vector<16xi32>
      %lt3A_121 = arith.cmpi slt, %add3A_109, %lt3A_120 : vector<16xi32>
      %and3A_122 = arith.andi %and3A_118, %lt3A_121 : vector<16xi1>
      %convert_element_type3A_123 = arith.sitofp %add3A_106 : vector<16xi32> to vector<16xf32>
      %sub3A_124 = arith.subf %add3A_57, %convert_element_type3A_123 : vector<16xf32>
      %convert_element_type3A_125 = arith.sitofp %add3A_109 : vector<16xi32> to vector<16xf32>
      %sub3A_126 = arith.subf %add3A_66, %convert_element_type3A_125 : vector<16xf32>
      %mul3A_127 = arith.mulf %sub3A_124, %sub3A_124 : vector<16xf32>
      %mul3A_128 = arith.mulf %sub3A_126, %sub3A_126 : vector<16xf32>
      %add3A_129 = arith.addf %mul3A_127, %mul3A_128 : vector<16xf32>
      %lt3A_130 = arith.constant 1.000000e+00 : f32
      %lt3A_131 = vector.broadcast %lt3A_130 : f32 to vector<16xf32>
      %lt3A_132 = arith.cmpf olt, %add3A_129, %lt3A_131 : vector<16xf32>
      %and3A_133 = arith.andi %lt3A_132, %and3A_122 : vector<16xi1>
      %jit3A_134 = arith.constant 1 : i32
      %jit3A_135 = arith.constant 0 : i32
      %broadcast_in_dim3A = vector.broadcast %jit3A_134 : i32 to vector<16xi32>
      %broadcast_in_dim3A_136 = vector.broadcast %jit3A_135 : i32 to vector<16xi32>
      %select_n3A_137 = arith.select %and3A_133, %broadcast_in_dim3A, %broadcast_in_dim3A_136 : vector<16xi1>, vector<16xi32>
      %jit3A_138 = arith.constant 0 : i32
      %jit3A_139 = arith.constant 383 : i32
      %max3A = vector.broadcast %jit3A_138 : i32 to vector<16xi32>
      %max3A_140 = arith.maxsi %max3A, %add3A_106 : vector<16xi32>
      %min3A = vector.broadcast %jit3A_139 : i32 to vector<16xi32>
      %min3A_141 = arith.minsi %min3A, %max3A_140 : vector<16xi32>
      %mul3A_142 = arith.constant 384 : i32
      %mul3A_143 = vector.broadcast %mul3A_142 : i32 to vector<16xi32>
      %mul3A_144 = arith.muli %min3A_141, %mul3A_143 : vector<16xi32>
      %jit3A_145 = arith.constant 0 : i32
      %jit3A_146 = arith.constant 383 : i32
      %max3A_147 = vector.broadcast %jit3A_145 : i32 to vector<16xi32>
      %max3A_148 = arith.maxsi %max3A_147, %add3A_109 : vector<16xi32>
      %min3A_149 = vector.broadcast %jit3A_146 : i32 to vector<16xi32>
      %min3A_150 = arith.minsi %min3A_149, %max3A_148 : vector<16xi32>
      %add3A_151 = arith.addi %mul3A_144, %min3A_150 : vector<16xi32>
      %swap3A = arith.index_cast %select_n3A_103 : i32 to index
      %swap3A_152 = arith.constant 0 : index
      %swap3A_153 = tpu.vector_load %arg7[%swap3A, %swap3A_152] {strides = array<i32>} : memref<144x128xi32, #tpu.memory_space<vmem>>, vector<1x16xi32>,
      %swap3A_154 = vector.shape_cast %swap3A_153 : vector<1x16xi32> to vector<16xi32>
      %swap3A_155 = vector.shape_cast %add3A_151 : vector<16xi32> to vector<1x16xi32>
      tpu.vector_store %arg7[%swap3A, %swap3A_152], %swap3A_155 {strides = array<i32>} : memref<144x128xi32, #tpu.memory_space<vmem>>, vector<1x16xi32>,
      %swap3A_156 = arith.index_cast %select_n3A_103 : i32 to index
      %swap3A_157 = arith.constant 0 : index
      %swap3A_158 = tpu.vector_load %arg8[%swap3A_156, %swap3A_157] {strides = array<i32>} : memref<144x128xi32, #tpu.memory_space<vmem>>, vector<1x16xi32>,
      %swap3A_159 = vector.shape_cast %swap3A_158 : vector<1x16xi32> to vector<16xi32>
      %swap3A_160 = vector.shape_cast %select_n3A_137 : vector<16xi32> to vector<1x16xi32>
      tpu.vector_store %arg8[%swap3A_156, %swap3A_157], %swap3A_160 {strides = array<i32>} : memref<144x128xi32, #tpu.memory_space<vmem>>, vector<1x16xi32>,
      %add3A_161 = arith.constant 0 : i32
      %add3A_162 = vector.broadcast %add3A_161 : i32 to vector<16xi32>
      %add3A_163 = arith.addi %select_n3A_72, %add3A_162 : vector<16xi32>
      %add3A_164 = arith.constant 1 : i32
      %add3A_165 = vector.broadcast %add3A_164 : i32 to vector<16xi32>
      %add3A_166 = arith.addi %select_n3A_79, %add3A_165 : vector<16xi32>
      %ge3A_167 = arith.constant 0 : i32
      %ge3A_168 = vector.broadcast %ge3A_167 : i32 to vector<16xi32>
      %ge3A_169 = arith.cmpi sge, %add3A_163, %ge3A_168 : vector<16xi32>
      %lt3A_170 = arith.constant 384 : i32
      %lt3A_171 = vector.broadcast %lt3A_170 : i32 to vector<16xi32>
      %lt3A_172 = arith.cmpi slt, %add3A_163, %lt3A_171 : vector<16xi32>
      %and3A_173 = arith.andi %ge3A_169, %lt3A_172 : vector<16xi1>
      %ge3A_174 = arith.constant 0 : i32
      %ge3A_175 = vector.broadcast %ge3A_174 : i32 to vector<16xi32>
      %ge3A_176 = arith.cmpi sge, %add3A_166, %ge3A_175 : vector<16xi32>
      %and3A_177 = arith.andi %and3A_173, %ge3A_176 : vector<16xi1>
      %lt3A_178 = arith.constant 384 : i32
      %lt3A_179 = vector.broadcast %lt3A_178 : i32 to vector<16xi32>
      %lt3A_180 = arith.cmpi slt, %add3A_166, %lt3A_179 : vector<16xi32>
      %and3A_181 = arith.andi %and3A_177, %lt3A_180 : vector<16xi1>
      %convert_element_type3A_182 = arith.sitofp %add3A_163 : vector<16xi32> to vector<16xf32>
      %sub3A_183 = arith.subf %add3A_57, %convert_element_type3A_182 : vector<16xf32>
      %convert_element_type3A_184 = arith.sitofp %add3A_166 : vector<16xi32> to vector<16xf32>
      %sub3A_185 = arith.subf %add3A_66, %convert_element_type3A_184 : vector<16xf32>
      %mul3A_186 = arith.mulf %sub3A_183, %sub3A_183 : vector<16xf32>
      %mul3A_187 = arith.mulf %sub3A_185, %sub3A_185 : vector<16xf32>
      %add3A_188 = arith.addf %mul3A_186, %mul3A_187 : vector<16xf32>
      %lt3A_189 = arith.constant 1.000000e+00 : f32
      %lt3A_190 = vector.broadcast %lt3A_189 : f32 to vector<16xf32>
      %lt3A_191 = arith.cmpf olt, %add3A_188, %lt3A_190 : vector<16xf32>
      %and3A_192 = arith.andi %lt3A_191, %and3A_181 : vector<16xi1>
      %jit3A_193 = arith.constant 1 : i32
      %jit3A_194 = arith.constant 0 : i32
      %broadcast_in_dim3A_195 = vector.broadcast %jit3A_193 : i32 to vector<16xi32>
      %broadcast_in_dim3A_196 = vector.broadcast %jit3A_194 : i32 to vector<16xi32>
      %select_n3A_197 = arith.select %and3A_192, %broadcast_in_dim3A_195, %broadcast_in_dim3A_196 : vector<16xi1>, vector<16xi32>
      %jit3A_198 = arith.constant 0 : i32
      %jit3A_199 = arith.constant 383 : i32
      %max3A_200 = vector.broadcast %jit3A_198 : i32 to vector<16xi32>
      %max3A_201 = arith.maxsi %max3A_200, %add3A_163 : vector<16xi32>
      %min3A_202 = vector.broadcast %jit3A_199 : i32 to vector<16xi32>
      %min3A_203 = arith.minsi %min3A_202, %max3A_201 : vector<16xi32>
      %mul3A_204 = arith.constant 384 : i32
      %mul3A_205 = vector.broadcast %mul3A_204 : i32 to vector<16xi32>
      %mul3A_206 = arith.muli %min3A_203, %mul3A_205 : vector<16xi32>
      %jit3A_207 = arith.constant 0 : i32
      %jit3A_208 = arith.constant 383 : i32
      %max3A_209 = vector.broadcast %jit3A_207 : i32 to vector<16xi32>
      %max3A_210 = arith.maxsi %max3A_209, %add3A_166 : vector<16xi32>
      %min3A_211 = vector.broadcast %jit3A_208 : i32 to vector<16xi32>
      %min3A_212 = arith.minsi %min3A_211, %max3A_210 : vector<16xi32>
      %add3A_213 = arith.addi %mul3A_206, %min3A_212 : vector<16xi32>
      %swap3A_214 = arith.index_cast %select_n3A_103 : i32 to index
      %swap3A_215 = arith.constant 16 : index
      %swap3A_216 = tpu.vector_load %arg7[%swap3A_214, %swap3A_215] {strides = array<i32>} : memref<144x128xi32, #tpu.memory_space<vmem>>, vector<1x16xi32>,
      %swap3A_217 = vector.shape_cast %swap3A_216 : vector<1x16xi32> to vector<16xi32>
      %swap3A_218 = vector.shape_cast %add3A_213 : vector<16xi32> to vector<1x16xi32>
      tpu.vector_store %arg7[%swap3A_214, %swap3A_215], %swap3A_218 {strides = array<i32>} : memref<144x128xi32, #tpu.memory_space<vmem>>, vector<1x16xi32>,
      %swap3A_219 = arith.index_cast %select_n3A_103 : i32 to index
      %swap3A_220 = arith.constant 16 : index
      %swap3A_221 = tpu.vector_load %arg8[%swap3A_219, %swap3A_220] {strides = array<i32>} : memref<144x128xi32, #tpu.memory_space<vmem>>, vector<1x16xi32>,
      %swap3A_222 = vector.shape_cast %swap3A_221 : vector<1x16xi32> to vector<16xi32>
      %swap3A_223 = vector.shape_cast %select_n3A_197 : vector<16xi32> to vector<1x16xi32>
      tpu.vector_store %arg8[%swap3A_219, %swap3A_220], %swap3A_223 {strides = array<i32>} : memref<144x128xi32, #tpu.memory_space<vmem>>, vector<1x16xi32>,
      %add3A_224 = arith.constant 1 : i32
      %add3A_225 = vector.broadcast %add3A_224 : i32 to vector<16xi32>
      %add3A_226 = arith.addi %select_n3A_72, %add3A_225 : vector<16xi32>
      %add3A_227 = arith.constant 0 : i32
      %add3A_228 = vector.broadcast %add3A_227 : i32 to vector<16xi32>
      %add3A_229 = arith.addi %select_n3A_79, %add3A_228 : vector<16xi32>
      %ge3A_230 = arith.constant 0 : i32
      %ge3A_231 = vector.broadcast %ge3A_230 : i32 to vector<16xi32>
      %ge3A_232 = arith.cmpi sge, %add3A_226, %ge3A_231 : vector<16xi32>
      %lt3A_233 = arith.constant 384 : i32
      %lt3A_234 = vector.broadcast %lt3A_233 : i32 to vector<16xi32>
      %lt3A_235 = arith.cmpi slt, %add3A_226, %lt3A_234 : vector<16xi32>
      %and3A_236 = arith.andi %ge3A_232, %lt3A_235 : vector<16xi1>
      %ge3A_237 = arith.constant 0 : i32
      %ge3A_238 = vector.broadcast %ge3A_237 : i32 to vector<16xi32>
      %ge3A_239 = arith.cmpi sge, %add3A_229, %ge3A_238 : vector<16xi32>
      %and3A_240 = arith.andi %and3A_236, %ge3A_239 : vector<16xi1>
      %lt3A_241 = arith.constant 384 : i32
      %lt3A_242 = vector.broadcast %lt3A_241 : i32 to vector<16xi32>
      %lt3A_243 = arith.cmpi slt, %add3A_229, %lt3A_242 : vector<16xi32>
      %and3A_244 = arith.andi %and3A_240, %lt3A_243 : vector<16xi1>
      %convert_element_type3A_245 = arith.sitofp %add3A_226 : vector<16xi32> to vector<16xf32>
      %sub3A_246 = arith.subf %add3A_57, %convert_element_type3A_245 : vector<16xf32>
      %convert_element_type3A_247 = arith.sitofp %add3A_229 : vector<16xi32> to vector<16xf32>
      %sub3A_248 = arith.subf %add3A_66, %convert_element_type3A_247 : vector<16xf32>
      %mul3A_249 = arith.mulf %sub3A_246, %sub3A_246 : vector<16xf32>
      %mul3A_250 = arith.mulf %sub3A_248, %sub3A_248 : vector<16xf32>
      %add3A_251 = arith.addf %mul3A_249, %mul3A_250 : vector<16xf32>
      %lt3A_252 = arith.constant 1.000000e+00 : f32
      %lt3A_253 = vector.broadcast %lt3A_252 : f32 to vector<16xf32>
      %lt3A_254 = arith.cmpf olt, %add3A_251, %lt3A_253 : vector<16xf32>
      %and3A_255 = arith.andi %lt3A_254, %and3A_244 : vector<16xi1>
      %jit3A_256 = arith.constant 1 : i32
      %jit3A_257 = arith.constant 0 : i32
      %broadcast_in_dim3A_258 = vector.broadcast %jit3A_256 : i32 to vector<16xi32>
      %broadcast_in_dim3A_259 = vector.broadcast %jit3A_257 : i32 to vector<16xi32>
      %select_n3A_260 = arith.select %and3A_255, %broadcast_in_dim3A_258, %broadcast_in_dim3A_259 : vector<16xi1>, vector<16xi32>
      %jit3A_261 = arith.constant 0 : i32
      %jit3A_262 = arith.constant 383 : i32
      %max3A_263 = vector.broadcast %jit3A_261 : i32 to vector<16xi32>
      %max3A_264 = arith.maxsi %max3A_263, %add3A_226 : vector<16xi32>
      %min3A_265 = vector.broadcast %jit3A_262 : i32 to vector<16xi32>
      %min3A_266 = arith.minsi %min3A_265, %max3A_264 : vector<16xi32>
      %mul3A_267 = arith.constant 384 : i32
      %mul3A_268 = vector.broadcast %mul3A_267 : i32 to vector<16xi32>
      %mul3A_269 = arith.muli %min3A_266, %mul3A_268 : vector<16xi32>
      %jit3A_270 = arith.constant 0 : i32
      %jit3A_271 = arith.constant 383 : i32
      %max3A_272 = vector.broadcast %jit3A_270 : i32 to vector<16xi32>
      %max3A_273 = arith.maxsi %max3A_272, %add3A_229 : vector<16xi32>
      %min3A_274 = vector.broadcast %jit3A_271 : i32 to vector<16xi32>
      %min3A_275 = arith.minsi %min3A_274, %max3A_273 : vector<16xi32>
      %add3A_276 = arith.addi %mul3A_269, %min3A_275 : vector<16xi32>
      %swap3A_277 = arith.index_cast %select_n3A_103 : i32 to index
      %swap3A_278 = arith.constant 32 : index
      %swap3A_279 = tpu.vector_load %arg7[%swap3A_277, %swap3A_278] {strides = array<i32>} : memref<144x128xi32, #tpu.memory_space<vmem>>, vector<1x16xi32>,
      %swap3A_280 = vector.shape_cast %swap3A_279 : vector<1x16xi32> to vector<16xi32>
      %swap3A_281 = vector.shape_cast %add3A_276 : vector<16xi32> to vector<1x16xi32>
      tpu.vector_store %arg7[%swap3A_277, %swap3A_278], %swap3A_281 {strides = array<i32>} : memref<144x128xi32, #tpu.memory_space<vmem>>, vector<1x16xi32>,
      %swap3A_282 = arith.index_cast %select_n3A_103 : i32 to index
      %swap3A_283 = arith.constant 32 : index
      %swap3A_284 = tpu.vector_load %arg8[%swap3A_282, %swap3A_283] {strides = array<i32>} : memref<144x128xi32, #tpu.memory_space<vmem>>, vector<1x16xi32>,
      %swap3A_285 = vector.shape_cast %swap3A_284 : vector<1x16xi32> to vector<16xi32>
      %swap3A_286 = vector.shape_cast %select_n3A_260 : vector<16xi32> to vector<1x16xi32>
      tpu.vector_store %arg8[%swap3A_282, %swap3A_283], %swap3A_286 {strides = array<i32>} : memref<144x128xi32, #tpu.memory_space<vmem>>, vector<1x16xi32>,
      %add3A_287 = arith.constant 1 : i32
      %add3A_288 = vector.broadcast %add3A_287 : i32 to vector<16xi32>
      %add3A_289 = arith.addi %select_n3A_72, %add3A_288 : vector<16xi32>
      %add3A_290 = arith.constant 1 : i32
      %add3A_291 = vector.broadcast %add3A_290 : i32 to vector<16xi32>
      %add3A_292 = arith.addi %select_n3A_79, %add3A_291 : vector<16xi32>
      %ge3A_293 = arith.constant 0 : i32
      %ge3A_294 = vector.broadcast %ge3A_293 : i32 to vector<16xi32>
      %ge3A_295 = arith.cmpi sge, %add3A_289, %ge3A_294 : vector<16xi32>
      %lt3A_296 = arith.constant 384 : i32
      %lt3A_297 = vector.broadcast %lt3A_296 : i32 to vector<16xi32>
      %lt3A_298 = arith.cmpi slt, %add3A_289, %lt3A_297 : vector<16xi32>
      %and3A_299 = arith.andi %ge3A_295, %lt3A_298 : vector<16xi1>
      %ge3A_300 = arith.constant 0 : i32
      %ge3A_301 = vector.broadcast %ge3A_300 : i32 to vector<16xi32>
      %ge3A_302 = arith.cmpi sge, %add3A_292, %ge3A_301 : vector<16xi32>
      %and3A_303 = arith.andi %and3A_299, %ge3A_302 : vector<16xi1>
      %lt3A_304 = arith.constant 384 : i32
      %lt3A_305 = vector.broadcast %lt3A_304 : i32 to vector<16xi32>
      %lt3A_306 = arith.cmpi slt, %add3A_292, %lt3A_305 : vector<16xi32>
      %and3A_307 = arith.andi %and3A_303, %lt3A_306 : vector<16xi1>
      %convert_element_type3A_308 = arith.sitofp %add3A_289 : vector<16xi32> to vector<16xf32>
      %sub3A_309 = arith.subf %add3A_57, %convert_element_type3A_308 : vector<16xf32>
      %convert_element_type3A_310 = arith.sitofp %add3A_292 : vector<16xi32> to vector<16xf32>
      %sub3A_311 = arith.subf %add3A_66, %convert_element_type3A_310 : vector<16xf32>
      %mul3A_312 = arith.mulf %sub3A_309, %sub3A_309 : vector<16xf32>
      %mul3A_313 = arith.mulf %sub3A_311, %sub3A_311 : vector<16xf32>
      %add3A_314 = arith.addf %mul3A_312, %mul3A_313 : vector<16xf32>
      %lt3A_315 = arith.constant 1.000000e+00 : f32
      %lt3A_316 = vector.broadcast %lt3A_315 : f32 to vector<16xf32>
      %lt3A_317 = arith.cmpf olt, %add3A_314, %lt3A_316 : vector<16xf32>
      %and3A_318 = arith.andi %lt3A_317, %and3A_307 : vector<16xi1>
      %jit3A_319 = arith.constant 1 : i32
      %jit3A_320 = arith.constant 0 : i32
      %broadcast_in_dim3A_321 = vector.broadcast %jit3A_319 : i32 to vector<16xi32>
      %broadcast_in_dim3A_322 = vector.broadcast %jit3A_320 : i32 to vector<16xi32>
      %select_n3A_323 = arith.select %and3A_318, %broadcast_in_dim3A_321, %broadcast_in_dim3A_322 : vector<16xi1>, vector<16xi32>
      %jit3A_324 = arith.constant 0 : i32
      %jit3A_325 = arith.constant 383 : i32
      %max3A_326 = vector.broadcast %jit3A_324 : i32 to vector<16xi32>
      %max3A_327 = arith.maxsi %max3A_326, %add3A_289 : vector<16xi32>
      %min3A_328 = vector.broadcast %jit3A_325 : i32 to vector<16xi32>
      %min3A_329 = arith.minsi %min3A_328, %max3A_327 : vector<16xi32>
      %mul3A_330 = arith.constant 384 : i32
      %mul3A_331 = vector.broadcast %mul3A_330 : i32 to vector<16xi32>
      %mul3A_332 = arith.muli %min3A_329, %mul3A_331 : vector<16xi32>
      %jit3A_333 = arith.constant 0 : i32
      %jit3A_334 = arith.constant 383 : i32
      %max3A_335 = vector.broadcast %jit3A_333 : i32 to vector<16xi32>
      %max3A_336 = arith.maxsi %max3A_335, %add3A_292 : vector<16xi32>
      %min3A_337 = vector.broadcast %jit3A_334 : i32 to vector<16xi32>
      %min3A_338 = arith.minsi %min3A_337, %max3A_336 : vector<16xi32>
      %add3A_339 = arith.addi %mul3A_332, %min3A_338 : vector<16xi32>
      %swap3A_340 = arith.index_cast %select_n3A_103 : i32 to index
      %swap3A_341 = arith.constant 48 : index
      %swap3A_342 = tpu.vector_load %arg7[%swap3A_340, %swap3A_341] {strides = array<i32>} : memref<144x128xi32, #tpu.memory_space<vmem>>, vector<1x16xi32>,
      %swap3A_343 = vector.shape_cast %swap3A_342 : vector<1x16xi32> to vector<16xi32>
      %swap3A_344 = vector.shape_cast %add3A_339 : vector<16xi32> to vector<1x16xi32>
      tpu.vector_store %arg7[%swap3A_340, %swap3A_341], %swap3A_344 {strides = array<i32>} : memref<144x128xi32, #tpu.memory_space<vmem>>, vector<1x16xi32>,
      %swap3A_345 = arith.index_cast %select_n3A_103 : i32 to index
      %swap3A_346 = arith.constant 48 : index
      %swap3A_347 = tpu.vector_load %arg8[%swap3A_345, %swap3A_346] {strides = array<i32>} : memref<144x128xi32, #tpu.memory_space<vmem>>, vector<1x16xi32>,
      %swap3A_348 = vector.shape_cast %swap3A_347 : vector<1x16xi32> to vector<16xi32>
      %swap3A_349 = vector.shape_cast %select_n3A_323 : vector<16xi32> to vector<1x16xi32>
      tpu.vector_store %arg8[%swap3A_345, %swap3A_346], %swap3A_349 {strides = array<i32>} : memref<144x128xi32, #tpu.memory_space<vmem>>, vector<1x16xi32>,
      %mul3A_350 = arith.constant 2 : i32
      %mul3A_351 = arith.muli %scan3A_27, %mul3A_350 : i32
      %add3A_352 = arith.constant 1 : i32
      %add3A_353 = arith.addi %mul3A_351, %add3A_352 : i32
      %mul3A_354 = arith.constant 16 : i32
      %mul3A_355 = arith.muli %add3A_353, %mul3A_354 : i32
      %add3A_356 = arith.addi %mul3A_2, %mul3A_355 : i32
      %jit3A_357 = arith.constant 384 : i32
      %div3A_358 = arith.divsi %add3A_356, %jit3A_357 : i32
      %sign3A_359 = arith.constant 0 : i32
      %sign3A_360 = arith.cmpi sgt, %add3A_356, %sign3A_359 : i32
      %sign3A_361 = arith.extui %sign3A_360 : i1 to i32
      %sign3A_362 = arith.constant 0 : i32
      %sign3A_363 = arith.cmpi slt, %add3A_356, %sign3A_362 : i32
      %sign3A_364 = arith.extui %sign3A_363 : i1 to i32
      %sign3A_365 = arith.subi %sign3A_361, %sign3A_364 : i32
      %sign3A_366 = arith.constant 0 : i32
      %sign3A_367 = arith.cmpi sgt, %jit3A_357, %sign3A_366 : i32
      %sign3A_368 = arith.extui %sign3A_367 : i1 to i32
      %sign3A_369 = arith.constant 0 : i32
      %sign3A_370 = arith.cmpi slt, %jit3A_357, %sign3A_369 : i32
      %sign3A_371 = arith.extui %sign3A_370 : i1 to i32
      %sign3A_372 = arith.subi %sign3A_368, %sign3A_371 : i32
      %ne3A_373 = arith.cmpi ne, %sign3A_365, %sign3A_372 : i32
      %rem3A_374 = arith.remsi %add3A_356, %jit3A_357 : i32
      %ne3A_375 = arith.constant 0 : i32
      %ne3A_376 = arith.cmpi ne, %rem3A_374, %ne3A_375 : i32
      %and3A_377 = arith.andi %ne3A_373, %ne3A_376 : i1
      %sub3A_378 = arith.constant 1 : i32
      %sub3A_379 = arith.subi %div3A_358, %sub3A_378 : i32
      %select_n3A_380 = arith.select %and3A_377, %sub3A_379, %div3A_358 : i32
      %mul3A_381 = arith.constant 384 : i32
      %mul3A_382 = arith.muli %select_n3A_380, %mul3A_381 : i32
      %sub3A_383 = arith.subi %add3A_356, %mul3A_382 : i32
      %convert_element_type3A_384 = arith.sitofp %select_n3A_380 : i32 to f32
      %mul3A_385 = arith.constant 16 : i32
      %mul3A_386 = arith.muli %add3A_353, %mul3A_385 : i32
      %get3A_387 = arith.index_cast %mul3A_386 : i32 to index
      %get3A_388 = tpu.vector_load %arg5[%get3A_387] {strides = array<i32>} : memref<4608xf32, #tpu.memory_space<vmem>>, vector<16xf32>,
      %get3A_389 = vector.shape_cast %get3A_388 : vector<16xf32> to vector<16xf32>
      %add3A_390 = vector.broadcast %convert_element_type3A_384 : f32 to vector<16xf32>
      %add3A_391 = arith.addf %add3A_390, %get3A_389 : vector<16xf32>
      %add3A_392 = vector.broadcast %sub3A_383 : i32 to vector<16xi32>
      %add3A_393 = arith.addi %add3A_392, %iota3A : vector<16xi32>
      %convert_element_type3A_394 = arith.sitofp %add3A_393 : vector<16xi32> to vector<16xf32>
      %mul3A_395 = arith.constant 16 : i32
      %mul3A_396 = arith.muli %add3A_353, %mul3A_395 : i32
      %get3A_397 = arith.index_cast %mul3A_396 : i32 to index
      %get3A_398 = tpu.vector_load %arg6[%get3A_397] {strides = array<i32>} : memref<4608xf32, #tpu.memory_space<vmem>>, vector<16xf32>,
      %get3A_399 = vector.shape_cast %get3A_398 : vector<16xf32> to vector<16xf32>
      %add3A_400 = arith.addf %convert_element_type3A_394, %get3A_399 : vector<16xf32>
      %convert_element_type3A_401 = arith.fptosi %add3A_391 : vector<16xf32> to vector<16xi32>
      %convert_element_type3A_402 = arith.sitofp %convert_element_type3A_401 : vector<16xi32> to vector<16xf32>
      %gt3A_403 = arith.cmpf ogt, %convert_element_type3A_402, %add3A_391 : vector<16xf32>
      %sub3A_404 = arith.constant 1 : i32
      %sub3A_405 = vector.broadcast %sub3A_404 : i32 to vector<16xi32>
      %sub3A_406 = arith.subi %convert_element_type3A_401, %sub3A_405 : vector<16xi32>
      %select_n3A_407 = arith.select %gt3A_403, %sub3A_406, %convert_element_type3A_401 : vector<16xi1>, vector<16xi32>
      %convert_element_type3A_408 = arith.fptosi %add3A_400 : vector<16xf32> to vector<16xi32>
      %convert_element_type3A_409 = arith.sitofp %convert_element_type3A_408 : vector<16xi32> to vector<16xf32>
      %gt3A_410 = arith.cmpf ogt, %convert_element_type3A_409, %add3A_400 : vector<16xf32>
      %sub3A_411 = arith.constant 1 : i32
      %sub3A_412 = vector.broadcast %sub3A_411 : i32 to vector<16xi32>
      %sub3A_413 = arith.subi %convert_element_type3A_408, %sub3A_412 : vector<16xi32>
      %select_n3A_414 = arith.select %gt3A_410, %sub3A_413, %convert_element_type3A_408 : vector<16xi1>, vector<16xi32>
      %jit3A_415 = arith.constant 2 : i32
      %div3A_416 = arith.divsi %add3A_353, %jit3A_415 : i32
      %sign3A_417 = arith.constant 0 : i32
      %sign3A_418 = arith.cmpi sgt, %add3A_353, %sign3A_417 : i32
      %sign3A_419 = arith.extui %sign3A_418 : i1 to i32
      %sign3A_420 = arith.constant 0 : i32
      %sign3A_421 = arith.cmpi slt, %add3A_353, %sign3A_420 : i32
      %sign3A_422 = arith.extui %sign3A_421 : i1 to i32
      %sign3A_423 = arith.subi %sign3A_419, %sign3A_422 : i32
      %sign3A_424 = arith.constant 0 : i32
      %sign3A_425 = arith.cmpi sgt, %jit3A_415, %sign3A_424 : i32
      %sign3A_426 = arith.extui %sign3A_425 : i1 to i32
      %sign3A_427 = arith.constant 0 : i32
      %sign3A_428 = arith.cmpi slt, %jit3A_415, %sign3A_427 : i32
      %sign3A_429 = arith.extui %sign3A_428 : i1 to i32
      %sign3A_430 = arith.subi %sign3A_426, %sign3A_429 : i32
      %ne3A_431 = arith.cmpi ne, %sign3A_423, %sign3A_430 : i32
      %rem3A_432 = arith.remsi %add3A_353, %jit3A_415 : i32
      %ne3A_433 = arith.constant 0 : i32
      %ne3A_434 = arith.cmpi ne, %rem3A_432, %ne3A_433 : i32
      %and3A_435 = arith.andi %ne3A_431, %ne3A_434 : i1
      %sub3A_436 = arith.constant 1 : i32
      %sub3A_437 = arith.subi %div3A_416, %sub3A_436 : i32
      %select_n3A_438 = arith.select %and3A_435, %sub3A_437, %div3A_416 : i32
      %add3A_439 = arith.constant 0 : i32
      %add3A_440 = vector.broadcast %add3A_439 : i32 to vector<16xi32>
      %add3A_441 = arith.addi %select_n3A_407, %add3A_440 : vector<16xi32>
      %add3A_442 = arith.constant 0 : i32
      %add3A_443 = vector.broadcast %add3A_442 : i32 to vector<16xi32>
      %add3A_444 = arith.addi %select_n3A_414, %add3A_443 : vector<16xi32>
      %ge3A_445 = arith.constant 0 : i32
      %ge3A_446 = vector.broadcast %ge3A_445 : i32 to vector<16xi32>
      %ge3A_447 = arith.cmpi sge, %add3A_441, %ge3A_446 : vector<16xi32>
      %lt3A_448 = arith.constant 384 : i32
      %lt3A_449 = vector.broadcast %lt3A_448 : i32 to vector<16xi32>
      %lt3A_450 = arith.cmpi slt, %add3A_441, %lt3A_449 : vector<16xi32>
      %and3A_451 = arith.andi %ge3A_447, %lt3A_450 : vector<16xi1>
      %ge3A_452 = arith.constant 0 : i32
      %ge3A_453 = vector.broadcast %ge3A_452 : i32 to vector<16xi32>
      %ge3A_454 = arith.cmpi sge, %add3A_444, %ge3A_453 : vector<16xi32>
      %and3A_455 = arith.andi %and3A_451, %ge3A_454 : vector<16xi1>
      %lt3A_456 = arith.constant 384 : i32
      %lt3A_457 = vector.broadcast %lt3A_456 : i32 to vector<16xi32>
      %lt3A_458 = arith.cmpi slt, %add3A_444, %lt3A_457 : vector<16xi32>
      %and3A_459 = arith.andi %and3A_455, %lt3A_458 : vector<16xi1>
      %convert_element_type3A_460 = arith.sitofp %add3A_441 : vector<16xi32> to vector<16xf32>
      %sub3A_461 = arith.subf %add3A_391, %convert_element_type3A_460 : vector<16xf32>
      %convert_element_type3A_462 = arith.sitofp %add3A_444 : vector<16xi32> to vector<16xf32>
      %sub3A_463 = arith.subf %add3A_400, %convert_element_type3A_462 : vector<16xf32>
      %mul3A_464 = arith.mulf %sub3A_461, %sub3A_461 : vector<16xf32>
      %mul3A_465 = arith.mulf %sub3A_463, %sub3A_463 : vector<16xf32>
      %add3A_466 = arith.addf %mul3A_464, %mul3A_465 : vector<16xf32>
      %lt3A_467 = arith.constant 1.000000e+00 : f32
      %lt3A_468 = vector.broadcast %lt3A_467 : f32 to vector<16xf32>
      %lt3A_469 = arith.cmpf olt, %add3A_466, %lt3A_468 : vector<16xf32>
      %and3A_470 = arith.andi %lt3A_469, %and3A_459 : vector<16xi1>
      %jit3A_471 = arith.constant 1 : i32
      %jit3A_472 = arith.constant 0 : i32
      %broadcast_in_dim3A_473 = vector.broadcast %jit3A_471 : i32 to vector<16xi32>
      %broadcast_in_dim3A_474 = vector.broadcast %jit3A_472 : i32 to vector<16xi32>
      %select_n3A_475 = arith.select %and3A_470, %broadcast_in_dim3A_473, %broadcast_in_dim3A_474 : vector<16xi1>, vector<16xi32>
      %jit3A_476 = arith.constant 0 : i32
      %jit3A_477 = arith.constant 383 : i32
      %max3A_478 = vector.broadcast %jit3A_476 : i32 to vector<16xi32>
      %max3A_479 = arith.maxsi %max3A_478, %add3A_441 : vector<16xi32>
      %min3A_480 = vector.broadcast %jit3A_477 : i32 to vector<16xi32>
      %min3A_481 = arith.minsi %min3A_480, %max3A_479 : vector<16xi32>
      %mul3A_482 = arith.constant 384 : i32
      %mul3A_483 = vector.broadcast %mul3A_482 : i32 to vector<16xi32>
      %mul3A_484 = arith.muli %min3A_481, %mul3A_483 : vector<16xi32>
      %jit3A_485 = arith.constant 0 : i32
      %jit3A_486 = arith.constant 383 : i32
      %max3A_487 = vector.broadcast %jit3A_485 : i32 to vector<16xi32>
      %max3A_488 = arith.maxsi %max3A_487, %add3A_444 : vector<16xi32>
      %min3A_489 = vector.broadcast %jit3A_486 : i32 to vector<16xi32>
      %min3A_490 = arith.minsi %min3A_489, %max3A_488 : vector<16xi32>
      %add3A_491 = arith.addi %mul3A_484, %min3A_490 : vector<16xi32>
      %swap3A_492 = arith.index_cast %select_n3A_438 : i32 to index
      %swap3A_493 = arith.constant 64 : index
      %swap3A_494 = tpu.vector_load %arg7[%swap3A_492, %swap3A_493] {strides = array<i32>} : memref<144x128xi32, #tpu.memory_space<vmem>>, vector<1x16xi32>,
      %swap3A_495 = vector.shape_cast %swap3A_494 : vector<1x16xi32> to vector<16xi32>
      %swap3A_496 = vector.shape_cast %add3A_491 : vector<16xi32> to vector<1x16xi32>
      tpu.vector_store %arg7[%swap3A_492, %swap3A_493], %swap3A_496 {strides = array<i32>} : memref<144x128xi32, #tpu.memory_space<vmem>>, vector<1x16xi32>,
      %swap3A_497 = arith.index_cast %select_n3A_438 : i32 to index
      %swap3A_498 = arith.constant 64 : index
      %swap3A_499 = tpu.vector_load %arg8[%swap3A_497, %swap3A_498] {strides = array<i32>} : memref<144x128xi32, #tpu.memory_space<vmem>>, vector<1x16xi32>,
      %swap3A_500 = vector.shape_cast %swap3A_499 : vector<1x16xi32> to vector<16xi32>
      %swap3A_501 = vector.shape_cast %select_n3A_475 : vector<16xi32> to vector<1x16xi32>
      tpu.vector_store %arg8[%swap3A_497, %swap3A_498], %swap3A_501 {strides = array<i32>} : memref<144x128xi32, #tpu.memory_space<vmem>>, vector<1x16xi32>,
      %add3A_502 = arith.constant 0 : i32
      %add3A_503 = vector.broadcast %add3A_502 : i32 to vector<16xi32>
      %add3A_504 = arith.addi %select_n3A_407, %add3A_503 : vector<16xi32>
      %add3A_505 = arith.constant 1 : i32
      %add3A_506 = vector.broadcast %add3A_505 : i32 to vector<16xi32>
      %add3A_507 = arith.addi %select_n3A_414, %add3A_506 : vector<16xi32>
      %ge3A_508 = arith.constant 0 : i32
      %ge3A_509 = vector.broadcast %ge3A_508 : i32 to vector<16xi32>
      %ge3A_510 = arith.cmpi sge, %add3A_504, %ge3A_509 : vector<16xi32>
      %lt3A_511 = arith.constant 384 : i32
      %lt3A_512 = vector.broadcast %lt3A_511 : i32 to vector<16xi32>
      %lt3A_513 = arith.cmpi slt, %add3A_504, %lt3A_512 : vector<16xi32>
      %and3A_514 = arith.andi %ge3A_510, %lt3A_513 : vector<16xi1>
      %ge3A_515 = arith.constant 0 : i32
      %ge3A_516 = vector.broadcast %ge3A_515 : i32 to vector<16xi32>
      %ge3A_517 = arith.cmpi sge, %add3A_507, %ge3A_516 : vector<16xi32>
      %and3A_518 = arith.andi %and3A_514, %ge3A_517 : vector<16xi1>
      %lt3A_519 = arith.constant 384 : i32
      %lt3A_520 = vector.broadcast %lt3A_519 : i32 to vector<16xi32>
      %lt3A_521 = arith.cmpi slt, %add3A_507, %lt3A_520 : vector<16xi32>
      %and3A_522 = arith.andi %and3A_518, %lt3A_521 : vector<16xi1>
      %convert_element_type3A_523 = arith.sitofp %add3A_504 : vector<16xi32> to vector<16xf32>
      %sub3A_524 = arith.subf %add3A_391, %convert_element_type3A_523 : vector<16xf32>
      %convert_element_type3A_525 = arith.sitofp %add3A_507 : vector<16xi32> to vector<16xf32>
      %sub3A_526 = arith.subf %add3A_400, %convert_element_type3A_525 : vector<16xf32>
      %mul3A_527 = arith.mulf %sub3A_524, %sub3A_524 : vector<16xf32>
      %mul3A_528 = arith.mulf %sub3A_526, %sub3A_526 : vector<16xf32>
      %add3A_529 = arith.addf %mul3A_527, %mul3A_528 : vector<16xf32>
      %lt3A_530 = arith.constant 1.000000e+00 : f32
      %lt3A_531 = vector.broadcast %lt3A_530 : f32 to vector<16xf32>
      %lt3A_532 = arith.cmpf olt, %add3A_529, %lt3A_531 : vector<16xf32>
      %and3A_533 = arith.andi %lt3A_532, %and3A_522 : vector<16xi1>
      %jit3A_534 = arith.constant 1 : i32
      %jit3A_535 = arith.constant 0 : i32
      %broadcast_in_dim3A_536 = vector.broadcast %jit3A_534 : i32 to vector<16xi32>
      %broadcast_in_dim3A_537 = vector.broadcast %jit3A_535 : i32 to vector<16xi32>
      %select_n3A_538 = arith.select %and3A_533, %broadcast_in_dim3A_536, %broadcast_in_dim3A_537 : vector<16xi1>, vector<16xi32>
      %jit3A_539 = arith.constant 0 : i32
      %jit3A_540 = arith.constant 383 : i32
      %max3A_541 = vector.broadcast %jit3A_539 : i32 to vector<16xi32>
      %max3A_542 = arith.maxsi %max3A_541, %add3A_504 : vector<16xi32>
      %min3A_543 = vector.broadcast %jit3A_540 : i32 to vector<16xi32>
      %min3A_544 = arith.minsi %min3A_543, %max3A_542 : vector<16xi32>
      %mul3A_545 = arith.constant 384 : i32
      %mul3A_546 = vector.broadcast %mul3A_545 : i32 to vector<16xi32>
      %mul3A_547 = arith.muli %min3A_544, %mul3A_546 : vector<16xi32>
      %jit3A_548 = arith.constant 0 : i32
      %jit3A_549 = arith.constant 383 : i32
      %max3A_550 = vector.broadcast %jit3A_548 : i32 to vector<16xi32>
      %max3A_551 = arith.maxsi %max3A_550, %add3A_507 : vector<16xi32>
      %min3A_552 = vector.broadcast %jit3A_549 : i32 to vector<16xi32>
      %min3A_553 = arith.minsi %min3A_552, %max3A_551 : vector<16xi32>
      %add3A_554 = arith.addi %mul3A_547, %min3A_553 : vector<16xi32>
      %swap3A_555 = arith.index_cast %select_n3A_438 : i32 to index
      %swap3A_556 = arith.constant 80 : index
      %swap3A_557 = tpu.vector_load %arg7[%swap3A_555, %swap3A_556] {strides = array<i32>} : memref<144x128xi32, #tpu.memory_space<vmem>>, vector<1x16xi32>,
      %swap3A_558 = vector.shape_cast %swap3A_557 : vector<1x16xi32> to vector<16xi32>
      %swap3A_559 = vector.shape_cast %add3A_554 : vector<16xi32> to vector<1x16xi32>
      tpu.vector_store %arg7[%swap3A_555, %swap3A_556], %swap3A_559 {strides = array<i32>} : memref<144x128xi32, #tpu.memory_space<vmem>>, vector<1x16xi32>,
      %swap3A_560 = arith.index_cast %select_n3A_438 : i32 to index
      %swap3A_561 = arith.constant 80 : index
      %swap3A_562 = tpu.vector_load %arg8[%swap3A_560, %swap3A_561] {strides = array<i32>} : memref<144x128xi32, #tpu.memory_space<vmem>>, vector<1x16xi32>,
      %swap3A_563 = vector.shape_cast %swap3A_562 : vector<1x16xi32> to vector<16xi32>
      %swap3A_564 = vector.shape_cast %select_n3A_538 : vector<16xi32> to vector<1x16xi32>
      tpu.vector_store %arg8[%swap3A_560, %swap3A_561], %swap3A_564 {strides = array<i32>} : memref<144x128xi32, #tpu.memory_space<vmem>>, vector<1x16xi32>,
      %add3A_565 = arith.constant 1 : i32
      %add3A_566 = vector.broadcast %add3A_565 : i32 to vector<16xi32>
      %add3A_567 = arith.addi %select_n3A_407, %add3A_566 : vector<16xi32>
      %add3A_568 = arith.constant 0 : i32
      %add3A_569 = vector.broadcast %add3A_568 : i32 to vector<16xi32>
      %add3A_570 = arith.addi %select_n3A_414, %add3A_569 : vector<16xi32>
      %ge3A_571 = arith.constant 0 : i32
      %ge3A_572 = vector.broadcast %ge3A_571 : i32 to vector<16xi32>
      %ge3A_573 = arith.cmpi sge, %add3A_567, %ge3A_572 : vector<16xi32>
      %lt3A_574 = arith.constant 384 : i32
      %lt3A_575 = vector.broadcast %lt3A_574 : i32 to vector<16xi32>
      %lt3A_576 = arith.cmpi slt, %add3A_567, %lt3A_575 : vector<16xi32>
      %and3A_577 = arith.andi %ge3A_573, %lt3A_576 : vector<16xi1>
      %ge3A_578 = arith.constant 0 : i32
      %ge3A_579 = vector.broadcast %ge3A_578 : i32 to vector<16xi32>
      %ge3A_580 = arith.cmpi sge, %add3A_570, %ge3A_579 : vector<16xi32>
      %and3A_581 = arith.andi %and3A_577, %ge3A_580 : vector<16xi1>
      %lt3A_582 = arith.constant 384 : i32
      %lt3A_583 = vector.broadcast %lt3A_582 : i32 to vector<16xi32>
      %lt3A_584 = arith.cmpi slt, %add3A_570, %lt3A_583 : vector<16xi32>
      %and3A_585 = arith.andi %and3A_581, %lt3A_584 : vector<16xi1>
      %convert_element_type3A_586 = arith.sitofp %add3A_567 : vector<16xi32> to vector<16xf32>
      %sub3A_587 = arith.subf %add3A_391, %convert_element_type3A_586 : vector<16xf32>
      %convert_element_type3A_588 = arith.sitofp %add3A_570 : vector<16xi32> to vector<16xf32>
      %sub3A_589 = arith.subf %add3A_400, %convert_element_type3A_588 : vector<16xf32>
      %mul3A_590 = arith.mulf %sub3A_587, %sub3A_587 : vector<16xf32>
      %mul3A_591 = arith.mulf %sub3A_589, %sub3A_589 : vector<16xf32>
      %add3A_592 = arith.addf %mul3A_590, %mul3A_591 : vector<16xf32>
      %lt3A_593 = arith.constant 1.000000e+00 : f32
      %lt3A_594 = vector.broadcast %lt3A_593 : f32 to vector<16xf32>
      %lt3A_595 = arith.cmpf olt, %add3A_592, %lt3A_594 : vector<16xf32>
      %and3A_596 = arith.andi %lt3A_595, %and3A_585 : vector<16xi1>
      %jit3A_597 = arith.constant 1 : i32
      %jit3A_598 = arith.constant 0 : i32
      %broadcast_in_dim3A_599 = vector.broadcast %jit3A_597 : i32 to vector<16xi32>
      %broadcast_in_dim3A_600 = vector.broadcast %jit3A_598 : i32 to vector<16xi32>
      %select_n3A_601 = arith.select %and3A_596, %broadcast_in_dim3A_599, %broadcast_in_dim3A_600 : vector<16xi1>, vector<16xi32>
      %jit3A_602 = arith.constant 0 : i32
      %jit3A_603 = arith.constant 383 : i32
      %max3A_604 = vector.broadcast %jit3A_602 : i32 to vector<16xi32>
      %max3A_605 = arith.maxsi %max3A_604, %add3A_567 : vector<16xi32>
      %min3A_606 = vector.broadcast %jit3A_603 : i32 to vector<16xi32>
      %min3A_607 = arith.minsi %min3A_606, %max3A_605 : vector<16xi32>
      %mul3A_608 = arith.constant 384 : i32
      %mul3A_609 = vector.broadcast %mul3A_608 : i32 to vector<16xi32>
      %mul3A_610 = arith.muli %min3A_607, %mul3A_609 : vector<16xi32>
      %jit3A_611 = arith.constant 0 : i32
      %jit3A_612 = arith.constant 383 : i32
      %max3A_613 = vector.broadcast %jit3A_611 : i32 to vector<16xi32>
      %max3A_614 = arith.maxsi %max3A_613, %add3A_570 : vector<16xi32>
      %min3A_615 = vector.broadcast %jit3A_612 : i32 to vector<16xi32>
      %min3A_616 = arith.minsi %min3A_615, %max3A_614 : vector<16xi32>
      %add3A_617 = arith.addi %mul3A_610, %min3A_616 : vector<16xi32>
      %swap3A_618 = arith.index_cast %select_n3A_438 : i32 to index
      %swap3A_619 = arith.constant 96 : index
      %swap3A_620 = tpu.vector_load %arg7[%swap3A_618, %swap3A_619] {strides = array<i32>} : memref<144x128xi32, #tpu.memory_space<vmem>>, vector<1x16xi32>,
      %swap3A_621 = vector.shape_cast %swap3A_620 : vector<1x16xi32> to vector<16xi32>
      %swap3A_622 = vector.shape_cast %add3A_617 : vector<16xi32> to vector<1x16xi32>
      tpu.vector_store %arg7[%swap3A_618, %swap3A_619], %swap3A_622 {strides = array<i32>} : memref<144x128xi32, #tpu.memory_space<vmem>>, vector<1x16xi32>,
      %swap3A_623 = arith.index_cast %select_n3A_438 : i32 to index
      %swap3A_624 = arith.constant 96 : index
      %swap3A_625 = tpu.vector_load %arg8[%swap3A_623, %swap3A_624] {strides = array<i32>} : memref<144x128xi32, #tpu.memory_space<vmem>>, vector<1x16xi32>,
      %swap3A_626 = vector.shape_cast %swap3A_625 : vector<1x16xi32> to vector<16xi32>
      %swap3A_627 = vector.shape_cast %select_n3A_601 : vector<16xi32> to vector<1x16xi32>
      tpu.vector_store %arg8[%swap3A_623, %swap3A_624], %swap3A_627 {strides = array<i32>} : memref<144x128xi32, #tpu.memory_space<vmem>>, vector<1x16xi32>,
      %add3A_628 = arith.constant 1 : i32
      %add3A_629 = vector.broadcast %add3A_628 : i32 to vector<16xi32>
      %add3A_630 = arith.addi %select_n3A_407, %add3A_629 : vector<16xi32>
      %add3A_631 = arith.constant 1 : i32
      %add3A_632 = vector.broadcast %add3A_631 : i32 to vector<16xi32>
      %add3A_633 = arith.addi %select_n3A_414, %add3A_632 : vector<16xi32>
      %ge3A_634 = arith.constant 0 : i32
      %ge3A_635 = vector.broadcast %ge3A_634 : i32 to vector<16xi32>
      %ge3A_636 = arith.cmpi sge, %add3A_630, %ge3A_635 : vector<16xi32>
      %lt3A_637 = arith.constant 384 : i32
      %lt3A_638 = vector.broadcast %lt3A_637 : i32 to vector<16xi32>
      %lt3A_639 = arith.cmpi slt, %add3A_630, %lt3A_638 : vector<16xi32>
      %and3A_640 = arith.andi %ge3A_636, %lt3A_639 : vector<16xi1>
      %ge3A_641 = arith.constant 0 : i32
      %ge3A_642 = vector.broadcast %ge3A_641 : i32 to vector<16xi32>
      %ge3A_643 = arith.cmpi sge, %add3A_633, %ge3A_642 : vector<16xi32>
      %and3A_644 = arith.andi %and3A_640, %ge3A_643 : vector<16xi1>
      %lt3A_645 = arith.constant 384 : i32
      %lt3A_646 = vector.broadcast %lt3A_645 : i32 to vector<16xi32>
      %lt3A_647 = arith.cmpi slt, %add3A_633, %lt3A_646 : vector<16xi32>
      %and3A_648 = arith.andi %and3A_644, %lt3A_647 : vector<16xi1>
      %convert_element_type3A_649 = arith.sitofp %add3A_630 : vector<16xi32> to vector<16xf32>
      %sub3A_650 = arith.subf %add3A_391, %convert_element_type3A_649 : vector<16xf32>
      %convert_element_type3A_651 = arith.sitofp %add3A_633 : vector<16xi32> to vector<16xf32>
      %sub3A_652 = arith.subf %add3A_400, %convert_element_type3A_651 : vector<16xf32>
      %mul3A_653 = arith.mulf %sub3A_650, %sub3A_650 : vector<16xf32>
      %mul3A_654 = arith.mulf %sub3A_652, %sub3A_652 : vector<16xf32>
      %add3A_655 = arith.addf %mul3A_653, %mul3A_654 : vector<16xf32>
      %lt3A_656 = arith.constant 1.000000e+00 : f32
      %lt3A_657 = vector.broadcast %lt3A_656 : f32 to vector<16xf32>
      %lt3A_658 = arith.cmpf olt, %add3A_655, %lt3A_657 : vector<16xf32>
      %and3A_659 = arith.andi %lt3A_658, %and3A_648 : vector<16xi1>
      %jit3A_660 = arith.constant 1 : i32
      %jit3A_661 = arith.constant 0 : i32
      %broadcast_in_dim3A_662 = vector.broadcast %jit3A_660 : i32 to vector<16xi32>
      %broadcast_in_dim3A_663 = vector.broadcast %jit3A_661 : i32 to vector<16xi32>
      %select_n3A_664 = arith.select %and3A_659, %broadcast_in_dim3A_662, %broadcast_in_dim3A_663 : vector<16xi1>, vector<16xi32>
      %jit3A_665 = arith.constant 0 : i32
      %jit3A_666 = arith.constant 383 : i32
      %max3A_667 = vector.broadcast %jit3A_665 : i32 to vector<16xi32>
      %max3A_668 = arith.maxsi %max3A_667, %add3A_630 : vector<16xi32>
      %min3A_669 = vector.broadcast %jit3A_666 : i32 to vector<16xi32>
      %min3A_670 = arith.minsi %min3A_669, %max3A_668 : vector<16xi32>
      %mul3A_671 = arith.constant 384 : i32
      %mul3A_672 = vector.broadcast %mul3A_671 : i32 to vector<16xi32>
      %mul3A_673 = arith.muli %min3A_670, %mul3A_672 : vector<16xi32>
      %jit3A_674 = arith.constant 0 : i32
      %jit3A_675 = arith.constant 383 : i32
      %max3A_676 = vector.broadcast %jit3A_674 : i32 to vector<16xi32>
      %max3A_677 = arith.maxsi %max3A_676, %add3A_633 : vector<16xi32>
      %min3A_678 = vector.broadcast %jit3A_675 : i32 to vector<16xi32>
      %min3A_679 = arith.minsi %min3A_678, %max3A_677 : vector<16xi32>
      %add3A_680 = arith.addi %mul3A_673, %min3A_679 : vector<16xi32>
      %swap3A_681 = arith.index_cast %select_n3A_438 : i32 to index
      %swap3A_682 = arith.constant 112 : index
      %swap3A_683 = tpu.vector_load %arg7[%swap3A_681, %swap3A_682] {strides = array<i32>} : memref<144x128xi32, #tpu.memory_space<vmem>>, vector<1x16xi32>,
      %swap3A_684 = vector.shape_cast %swap3A_683 : vector<1x16xi32> to vector<16xi32>
      %swap3A_685 = vector.shape_cast %add3A_680 : vector<16xi32> to vector<1x16xi32>
      tpu.vector_store %arg7[%swap3A_681, %swap3A_682], %swap3A_685 {strides = array<i32>} : memref<144x128xi32, #tpu.memory_space<vmem>>, vector<1x16xi32>,
      %swap3A_686 = arith.index_cast %select_n3A_438 : i32 to index
      %swap3A_687 = arith.constant 112 : index
      %swap3A_688 = tpu.vector_load %arg8[%swap3A_686, %swap3A_687] {strides = array<i32>} : memref<144x128xi32, #tpu.memory_space<vmem>>, vector<1x16xi32>,
      %swap3A_689 = vector.shape_cast %swap3A_688 : vector<1x16xi32> to vector<16xi32>
      %swap3A_690 = vector.shape_cast %select_n3A_664 : vector<16xi32> to vector<1x16xi32>
      tpu.vector_store %arg8[%swap3A_686, %swap3A_687], %swap3A_690 {strides = array<i32>} : memref<144x128xi32, #tpu.memory_space<vmem>>, vector<1x16xi32>,
      %dma_start3A = arith.constant 0 : i32
      %dma_start3A_691 = tpu.memref_slice %arg8[%scan3A_27, %dma_start3A] : memref<144x128xi32, #tpu.memory_space<vmem>> -> memref<1x128xi32, #tpu.memory_space<vmem>>
      %dma_start3A_692 = tpu.memref_squeeze %dma_start3A_691 : memref<1x128xi32, #tpu.memory_space<vmem>> -> memref<128xi32, #tpu.memory_space<vmem>>
      %dma_start3A_693 = arith.constant 0 : i32
      %dma_start3A_694 = tpu.memref_slice %arg7[%scan3A_27, %dma_start3A_693] : memref<144x128xi32, #tpu.memory_space<vmem>> -> memref<1x128xi32, #tpu.memory_space<vmem>>
      %dma_start3A_695 = tpu.memref_squeeze %dma_start3A_694 : memref<1x128xi32, #tpu.memory_space<vmem>> -> memref<128xi32, #tpu.memory_space<vmem>>
      %dma_start3A_696 = arith.constant 0 : i32
      %dma_start3A_697 = tpu.memref_slice %arg10[%dma_start3A_696] : memref<147456xi32, #tpu.memory_space<vmem_shared>> -> memref<147456xi32, #tpu.memory_space<vmem_shared>>
      tpu.enqueue_indirect_dma source(%dma_start3A_692 : memref<128xi32, #tpu.memory_space<vmem>>) target(%dma_start3A_697 : memref<147456xi32, #tpu.memory_space<vmem_shared>>) offsets(%dma_start3A_695 : memref<128xi32, #tpu.memory_space<vmem>>) semaphore(%arg11 : memref<!tpu.dma_semaphore, #tpu.memory_space<semaphore_mem>>) {add = true}
    }
    %scan3A_15 = arith.constant 144 : i32
    %scan3A_16 = arith.constant 0 : i32
    %scan3A_17 = arith.constant 0 : i32
    %scan3A_18 = arith.constant 144 : i32
    %scan3A_19 = arith.addi %scan3A_17, %scan3A_18 : i32
    %scan3A_20 = arith.constant 1 : i32
    scf.for %scan3A_27 = %scan3A_17 to %scan3A_19 step %scan3A_20  : i32 {
      %dma_wait3A = arith.constant 0 : i32
      %dma_wait3A_28 = tpu.memref_slice %arg8[%scan3A_27, %dma_wait3A] : memref<144x128xi32, #tpu.memory_space<vmem>> -> memref<1x128xi32, #tpu.memory_space<vmem>>
      %dma_wait3A_29 = tpu.memref_squeeze %dma_wait3A_28 : memref<1x128xi32, #tpu.memory_space<vmem>> -> memref<128xi32, #tpu.memory_space<vmem>>
      %dma_wait3A_30 = arith.constant 0 : i32
      %dma_wait3A_31 = tpu.memref_slice %arg7[%scan3A_27, %dma_wait3A_30] : memref<144x128xi32, #tpu.memory_space<vmem>> -> memref<1x128xi32, #tpu.memory_space<vmem>>
      %dma_wait3A_32 = tpu.memref_squeeze %dma_wait3A_31 : memref<1x128xi32, #tpu.memory_space<vmem>> -> memref<128xi32, #tpu.memory_space<vmem>>
      %dma_wait3A_33 = arith.constant 0 : i32
      %dma_wait3A_34 = tpu.memref_slice %arg10[%dma_wait3A_33] : memref<147456xi32, #tpu.memory_space<vmem_shared>> -> memref<147456xi32, #tpu.memory_space<vmem_shared>>
      tpu.wait_indirect_dma semaphore(%arg11 : memref<!tpu.dma_semaphore, #tpu.memory_space<semaphore_mem>>) src(%dma_wait3A_29 : memref<128xi32, #tpu.memory_space<vmem>>) dst(%dma_wait3A_34 : memref<147456xi32, #tpu.memory_space<vmem_shared>>)
    }
    %scan3A_21 = arith.constant 144 : i32
    %barrier3A_22 = arith.constant 0 : index
    tpu.barrier barrier_id(%barrier3A_22)
    %mul3A_23 = arith.constant 9216 : i32
    %mul3A_24 = arith.muli %arg1, %mul3A_23 : i32
    %mul3A_25 = arith.constant 9216 : i32
    %mul3A_26 = arith.muli %arg1, %mul3A_25 : i32
    "tpu.region"() ({
      %run_scoped3A = tpu.sem_alloc : memref<!tpu.dma_semaphore, #tpu.memory_space<semaphore_mem>>
      %dma_start3A = tpu.memref_slice %arg4[%arg0, %mul3A_26] : memref<2x147456xi32, #tpu.memory_space<hbm>> -> memref<1x9216xi32, #tpu.memory_space<hbm>>
      %dma_start3A_27 = tpu.memref_squeeze %dma_start3A : memref<1x9216xi32, #tpu.memory_space<hbm>> -> memref<9216xi32, #tpu.memory_space<hbm>>
      %dma_start3A_28 = tpu.memref_slice %arg10[%mul3A_24] : memref<147456xi32, #tpu.memory_space<vmem_shared>> -> memref<9216xi32, #tpu.memory_space<vmem_shared>>
      tpu.enqueue_dma source(%dma_start3A_28 : memref<9216xi32, #tpu.memory_space<vmem_shared>>) target(%dma_start3A_27 : memref<9216xi32, #tpu.memory_space<hbm>>) target_semaphore(%run_scoped3A : memref<!tpu.dma_semaphore, #tpu.memory_space<semaphore_mem>>)
      %dma_wait3A = tpu.memref_slice %arg4[%arg0, %mul3A_26] : memref<2x147456xi32, #tpu.memory_space<hbm>> -> memref<1x9216xi32, #tpu.memory_space<hbm>>
      %dma_wait3A_29 = tpu.memref_squeeze %dma_wait3A : memref<1x9216xi32, #tpu.memory_space<hbm>> -> memref<9216xi32, #tpu.memory_space<hbm>>
      %dma_wait3A_30 = tpu.memref_slice %arg10[%mul3A_24] : memref<147456xi32, #tpu.memory_space<vmem_shared>> -> memref<9216xi32, #tpu.memory_space<vmem_shared>>
      tpu.wait_dma2 semaphore(%run_scoped3A : memref<!tpu.dma_semaphore, #tpu.memory_space<semaphore_mem>>) src(%dma_wait3A_30 : memref<9216xi32, #tpu.memory_space<vmem_shared>>) dst(%dma_wait3A_29 : memref<9216xi32, #tpu.memory_space<hbm>>)
      tpu.yield
    }) : () -> ()
    return
  }
}

module attributes {stable_mosaic.version = 14 : i64} {
  func.func @_fuse_body(%arg0: memref<19x384x384xf32, #tpu.memory_space<any>>, %arg1: memref<384x384xf32, #tpu.memory_space<vmem>>, %arg2: memref<2x384x384xf32, #tpu.memory_space<vmem>>, %arg3: memref<2x384x384xi32, #tpu.memory_space<vmem>>, %arg4: memref<384x384xi32, #tpu.memory_space<vmem>>, %arg5: memref<19x384x384xf32, #tpu.memory_space<any>>, %arg6: memref<384x384xf32, #tpu.memory_space<any>>, %arg7: memref<2x384x384xf32, #tpu.memory_space<any>>, %arg8: memref<384x384xi32, #tpu.memory_space<vmem>>, %arg9: memref<384x384xf32, #tpu.memory_space<vmem>>, %arg10: memref<384x384xf32, #tpu.memory_space<vmem>>, %arg11: memref<384x384xf32, #tpu.memory_space<vmem>>, %arg12: memref<19x48x384xf32, #tpu.memory_space<vmem>>, %arg13: memref<19x48x384xf32, #tpu.memory_space<vmem>>, %arg14: memref<!tpu.dma_semaphore, #tpu.memory_space<semaphore_mem>>, %arg15: memref<!tpu.dma_semaphore, #tpu.memory_space<semaphore_mem>>, %arg16: memref<!tpu.dma_semaphore, #tpu.memory_space<semaphore_mem>>, %arg17: memref<!tpu.dma_semaphore, #tpu.memory_space<semaphore_mem>>, %arg18: memref<!tpu.dma_semaphore, #tpu.memory_space<semaphore_mem>>) attributes {dimension_semantics = [], scalar_prefetch = 0 : i64, scratch_operands = 11 : i64, tpu.core_type = #tpu.core_type<tc>} {
    tpu.enqueue_dma source(%arg1 : memref<384x384xf32, #tpu.memory_space<vmem>>) target(%arg6 : memref<384x384xf32, #tpu.memory_space<any>>) target_semaphore(%arg18 : memref<!tpu.dma_semaphore, #tpu.memory_space<semaphore_mem>>)
    tpu.enqueue_dma source(%arg2 : memref<2x384x384xf32, #tpu.memory_space<vmem>>) target(%arg7 : memref<2x384x384xf32, #tpu.memory_space<any>>) target_semaphore(%arg18 : memref<!tpu.dma_semaphore, #tpu.memory_space<semaphore_mem>>)
    %dma_start3A = arith.constant 0 : i32
    %dma_start3A_0 = arith.constant 0 : i32
    %dma_start3A_1 = arith.constant 0 : i32
    %dma_start3A_2 = tpu.memref_slice %arg0[%dma_start3A, %dma_start3A_0, %dma_start3A_1] : memref<19x384x384xf32, #tpu.memory_space<any>> -> memref<19x48x384xf32, #tpu.memory_space<any>>
    tpu.enqueue_dma source(%dma_start3A_2 : memref<19x48x384xf32, #tpu.memory_space<any>>) target(%arg12 : memref<19x48x384xf32, #tpu.memory_space<vmem>>) target_semaphore(%arg14 : memref<!tpu.dma_semaphore, #tpu.memory_space<semaphore_mem>>)
    %dma_start3A_3 = arith.constant 0 : i32
    %dma_start3A_4 = arith.constant 48 : i32
    %dma_start3A_5 = arith.constant 0 : i32
    %dma_start3A_6 = tpu.memref_slice %arg0[%dma_start3A_3, %dma_start3A_4, %dma_start3A_5] : memref<19x384x384xf32, #tpu.memory_space<any>> -> memref<19x48x384xf32, #tpu.memory_space<any>>
    tpu.enqueue_dma source(%dma_start3A_6 : memref<19x48x384xf32, #tpu.memory_space<any>>) target(%arg13 : memref<19x48x384xf32, #tpu.memory_space<vmem>>) target_semaphore(%arg15 : memref<!tpu.dma_semaphore, #tpu.memory_space<semaphore_mem>>)
    %dma_wait3A = arith.constant 0 : i32
    %dma_wait3A_7 = arith.constant 0 : i32
    %dma_wait3A_8 = arith.constant 0 : i32
    %dma_wait3A_9 = tpu.memref_slice %arg0[%dma_wait3A, %dma_wait3A_7, %dma_wait3A_8] : memref<19x384x384xf32, #tpu.memory_space<any>> -> memref<19x48x384xf32, #tpu.memory_space<any>>
    tpu.wait_dma2 semaphore(%arg14 : memref<!tpu.dma_semaphore, #tpu.memory_space<semaphore_mem>>) src(%dma_wait3A_9 : memref<19x48x384xf32, #tpu.memory_space<any>>) dst(%arg12 : memref<19x48x384xf32, #tpu.memory_space<vmem>>)
    %get3A = arith.constant 0 : index
    %get3A_10 = arith.constant 0 : index
    %get3A_11 = arith.constant 0 : index
    %get3A_12 = vector.load %arg12[%get3A, %get3A_10, %get3A_11] : memref<19x48x384xf32, #tpu.memory_space<vmem>>, vector<19x48x384xf32>
    %slice3A = vector.extract_strided_slice %get3A_12 {offsets = [0, 0, 0], sizes = [1, 48, 384], strides = [1, 1, 1]} : vector<19x48x384xf32> to vector<1x48x384xf32>
    %squeeze3A = vector.shape_cast %slice3A : vector<1x48x384xf32> to vector<48x384xf32>
    %broadcast_in_dim3A = arith.constant 0 : i32
    %broadcast_in_dim3A_13 = vector.broadcast %broadcast_in_dim3A : i32 to vector<48x384xi32>
    %slice3A_14 = vector.extract_strided_slice %get3A_12 {offsets = [1, 0, 0], sizes = [1, 48, 384], strides = [1, 1, 1]} : vector<19x48x384xf32> to vector<1x48x384xf32>
    %squeeze3A_15 = vector.shape_cast %slice3A_14 : vector<1x48x384xf32> to vector<48x384xf32>
    %gt3A = arith.cmpf ogt, %squeeze3A_15, %squeeze3A : vector<48x384xf32>
    %slice3A_16 = vector.extract_strided_slice %get3A_12 {offsets = [1, 0, 0], sizes = [1, 48, 384], strides = [1, 1, 1]} : vector<19x48x384xf32> to vector<1x48x384xf32>
    %squeeze3A_17 = vector.shape_cast %slice3A_16 : vector<1x48x384xf32> to vector<48x384xf32>
    %select_n3A = arith.select %gt3A, %squeeze3A_17, %squeeze3A : vector<48x384xi1>, vector<48x384xf32>
    %jit3A = arith.constant 1 : i32
    %broadcast_in_dim3A_18 = vector.broadcast %jit3A : i32 to vector<48x384xi32>
    %select_n3A_19 = arith.select %gt3A, %broadcast_in_dim3A_18, %broadcast_in_dim3A_13 : vector<48x384xi1>, vector<48x384xi32>
    %slice3A_20 = vector.extract_strided_slice %get3A_12 {offsets = [2, 0, 0], sizes = [1, 48, 384], strides = [1, 1, 1]} : vector<19x48x384xf32> to vector<1x48x384xf32>
    %squeeze3A_21 = vector.shape_cast %slice3A_20 : vector<1x48x384xf32> to vector<48x384xf32>
    %gt3A_22 = arith.cmpf ogt, %squeeze3A_21, %select_n3A : vector<48x384xf32>
    %slice3A_23 = vector.extract_strided_slice %get3A_12 {offsets = [2, 0, 0], sizes = [1, 48, 384], strides = [1, 1, 1]} : vector<19x48x384xf32> to vector<1x48x384xf32>
    %squeeze3A_24 = vector.shape_cast %slice3A_23 : vector<1x48x384xf32> to vector<48x384xf32>
    %select_n3A_25 = arith.select %gt3A_22, %squeeze3A_24, %select_n3A : vector<48x384xi1>, vector<48x384xf32>
    %jit3A_26 = arith.constant 2 : i32
    %broadcast_in_dim3A_27 = vector.broadcast %jit3A_26 : i32 to vector<48x384xi32>
    %select_n3A_28 = arith.select %gt3A_22, %broadcast_in_dim3A_27, %select_n3A_19 : vector<48x384xi1>, vector<48x384xi32>
    %slice3A_29 = vector.extract_strided_slice %get3A_12 {offsets = [3, 0, 0], sizes = [1, 48, 384], strides = [1, 1, 1]} : vector<19x48x384xf32> to vector<1x48x384xf32>
    %squeeze3A_30 = vector.shape_cast %slice3A_29 : vector<1x48x384xf32> to vector<48x384xf32>
    %gt3A_31 = arith.cmpf ogt, %squeeze3A_30, %select_n3A_25 : vector<48x384xf32>
    %slice3A_32 = vector.extract_strided_slice %get3A_12 {offsets = [3, 0, 0], sizes = [1, 48, 384], strides = [1, 1, 1]} : vector<19x48x384xf32> to vector<1x48x384xf32>
    %squeeze3A_33 = vector.shape_cast %slice3A_32 : vector<1x48x384xf32> to vector<48x384xf32>
    %select_n3A_34 = arith.select %gt3A_31, %squeeze3A_33, %select_n3A_25 : vector<48x384xi1>, vector<48x384xf32>
    %jit3A_35 = arith.constant 3 : i32
    %broadcast_in_dim3A_36 = vector.broadcast %jit3A_35 : i32 to vector<48x384xi32>
    %select_n3A_37 = arith.select %gt3A_31, %broadcast_in_dim3A_36, %select_n3A_28 : vector<48x384xi1>, vector<48x384xi32>
    %slice3A_38 = vector.extract_strided_slice %get3A_12 {offsets = [4, 0, 0], sizes = [1, 48, 384], strides = [1, 1, 1]} : vector<19x48x384xf32> to vector<1x48x384xf32>
    %squeeze3A_39 = vector.shape_cast %slice3A_38 : vector<1x48x384xf32> to vector<48x384xf32>
    %gt3A_40 = arith.cmpf ogt, %squeeze3A_39, %select_n3A_34 : vector<48x384xf32>
    %slice3A_41 = vector.extract_strided_slice %get3A_12 {offsets = [4, 0, 0], sizes = [1, 48, 384], strides = [1, 1, 1]} : vector<19x48x384xf32> to vector<1x48x384xf32>
    %squeeze3A_42 = vector.shape_cast %slice3A_41 : vector<1x48x384xf32> to vector<48x384xf32>
    %select_n3A_43 = arith.select %gt3A_40, %squeeze3A_42, %select_n3A_34 : vector<48x384xi1>, vector<48x384xf32>
    %jit3A_44 = arith.constant 4 : i32
    %broadcast_in_dim3A_45 = vector.broadcast %jit3A_44 : i32 to vector<48x384xi32>
    %select_n3A_46 = arith.select %gt3A_40, %broadcast_in_dim3A_45, %select_n3A_37 : vector<48x384xi1>, vector<48x384xi32>
    %slice3A_47 = vector.extract_strided_slice %get3A_12 {offsets = [5, 0, 0], sizes = [1, 48, 384], strides = [1, 1, 1]} : vector<19x48x384xf32> to vector<1x48x384xf32>
    %squeeze3A_48 = vector.shape_cast %slice3A_47 : vector<1x48x384xf32> to vector<48x384xf32>
    %gt3A_49 = arith.cmpf ogt, %squeeze3A_48, %select_n3A_43 : vector<48x384xf32>
    %slice3A_50 = vector.extract_strided_slice %get3A_12 {offsets = [5, 0, 0], sizes = [1, 48, 384], strides = [1, 1, 1]} : vector<19x48x384xf32> to vector<1x48x384xf32>
    %squeeze3A_51 = vector.shape_cast %slice3A_50 : vector<1x48x384xf32> to vector<48x384xf32>
    %select_n3A_52 = arith.select %gt3A_49, %squeeze3A_51, %select_n3A_43 : vector<48x384xi1>, vector<48x384xf32>
    %jit3A_53 = arith.constant 5 : i32
    %broadcast_in_dim3A_54 = vector.broadcast %jit3A_53 : i32 to vector<48x384xi32>
    %select_n3A_55 = arith.select %gt3A_49, %broadcast_in_dim3A_54, %select_n3A_46 : vector<48x384xi1>, vector<48x384xi32>
    %slice3A_56 = vector.extract_strided_slice %get3A_12 {offsets = [6, 0, 0], sizes = [1, 48, 384], strides = [1, 1, 1]} : vector<19x48x384xf32> to vector<1x48x384xf32>
    %squeeze3A_57 = vector.shape_cast %slice3A_56 : vector<1x48x384xf32> to vector<48x384xf32>
    %gt3A_58 = arith.cmpf ogt, %squeeze3A_57, %select_n3A_52 : vector<48x384xf32>
    %slice3A_59 = vector.extract_strided_slice %get3A_12 {offsets = [6, 0, 0], sizes = [1, 48, 384], strides = [1, 1, 1]} : vector<19x48x384xf32> to vector<1x48x384xf32>
    %squeeze3A_60 = vector.shape_cast %slice3A_59 : vector<1x48x384xf32> to vector<48x384xf32>
    %select_n3A_61 = arith.select %gt3A_58, %squeeze3A_60, %select_n3A_52 : vector<48x384xi1>, vector<48x384xf32>
    %jit3A_62 = arith.constant 6 : i32
    %broadcast_in_dim3A_63 = vector.broadcast %jit3A_62 : i32 to vector<48x384xi32>
    %select_n3A_64 = arith.select %gt3A_58, %broadcast_in_dim3A_63, %select_n3A_55 : vector<48x384xi1>, vector<48x384xi32>
    %slice3A_65 = vector.extract_strided_slice %get3A_12 {offsets = [7, 0, 0], sizes = [1, 48, 384], strides = [1, 1, 1]} : vector<19x48x384xf32> to vector<1x48x384xf32>
    %squeeze3A_66 = vector.shape_cast %slice3A_65 : vector<1x48x384xf32> to vector<48x384xf32>
    %gt3A_67 = arith.cmpf ogt, %squeeze3A_66, %select_n3A_61 : vector<48x384xf32>
    %slice3A_68 = vector.extract_strided_slice %get3A_12 {offsets = [7, 0, 0], sizes = [1, 48, 384], strides = [1, 1, 1]} : vector<19x48x384xf32> to vector<1x48x384xf32>
    %squeeze3A_69 = vector.shape_cast %slice3A_68 : vector<1x48x384xf32> to vector<48x384xf32>
    %select_n3A_70 = arith.select %gt3A_67, %squeeze3A_69, %select_n3A_61 : vector<48x384xi1>, vector<48x384xf32>
    %jit3A_71 = arith.constant 7 : i32
    %broadcast_in_dim3A_72 = vector.broadcast %jit3A_71 : i32 to vector<48x384xi32>
    %select_n3A_73 = arith.select %gt3A_67, %broadcast_in_dim3A_72, %select_n3A_64 : vector<48x384xi1>, vector<48x384xi32>
    %slice3A_74 = vector.extract_strided_slice %get3A_12 {offsets = [8, 0, 0], sizes = [1, 48, 384], strides = [1, 1, 1]} : vector<19x48x384xf32> to vector<1x48x384xf32>
    %squeeze3A_75 = vector.shape_cast %slice3A_74 : vector<1x48x384xf32> to vector<48x384xf32>
    %gt3A_76 = arith.cmpf ogt, %squeeze3A_75, %select_n3A_70 : vector<48x384xf32>
    %slice3A_77 = vector.extract_strided_slice %get3A_12 {offsets = [8, 0, 0], sizes = [1, 48, 384], strides = [1, 1, 1]} : vector<19x48x384xf32> to vector<1x48x384xf32>
    %squeeze3A_78 = vector.shape_cast %slice3A_77 : vector<1x48x384xf32> to vector<48x384xf32>
    %select_n3A_79 = arith.select %gt3A_76, %squeeze3A_78, %select_n3A_70 : vector<48x384xi1>, vector<48x384xf32>
    %jit3A_80 = arith.constant 8 : i32
    %broadcast_in_dim3A_81 = vector.broadcast %jit3A_80 : i32 to vector<48x384xi32>
    %select_n3A_82 = arith.select %gt3A_76, %broadcast_in_dim3A_81, %select_n3A_73 : vector<48x384xi1>, vector<48x384xi32>
    %slice3A_83 = vector.extract_strided_slice %get3A_12 {offsets = [9, 0, 0], sizes = [1, 48, 384], strides = [1, 1, 1]} : vector<19x48x384xf32> to vector<1x48x384xf32>
    %squeeze3A_84 = vector.shape_cast %slice3A_83 : vector<1x48x384xf32> to vector<48x384xf32>
    %gt3A_85 = arith.cmpf ogt, %squeeze3A_84, %select_n3A_79 : vector<48x384xf32>
    %slice3A_86 = vector.extract_strided_slice %get3A_12 {offsets = [9, 0, 0], sizes = [1, 48, 384], strides = [1, 1, 1]} : vector<19x48x384xf32> to vector<1x48x384xf32>
    %squeeze3A_87 = vector.shape_cast %slice3A_86 : vector<1x48x384xf32> to vector<48x384xf32>
    %select_n3A_88 = arith.select %gt3A_85, %squeeze3A_87, %select_n3A_79 : vector<48x384xi1>, vector<48x384xf32>
    %jit3A_89 = arith.constant 9 : i32
    %broadcast_in_dim3A_90 = vector.broadcast %jit3A_89 : i32 to vector<48x384xi32>
    %select_n3A_91 = arith.select %gt3A_85, %broadcast_in_dim3A_90, %select_n3A_82 : vector<48x384xi1>, vector<48x384xi32>
    %slice3A_92 = vector.extract_strided_slice %get3A_12 {offsets = [10, 0, 0], sizes = [1, 48, 384], strides = [1, 1, 1]} : vector<19x48x384xf32> to vector<1x48x384xf32>
    %squeeze3A_93 = vector.shape_cast %slice3A_92 : vector<1x48x384xf32> to vector<48x384xf32>
    %gt3A_94 = arith.cmpf ogt, %squeeze3A_93, %select_n3A_88 : vector<48x384xf32>
    %slice3A_95 = vector.extract_strided_slice %get3A_12 {offsets = [10, 0, 0], sizes = [1, 48, 384], strides = [1, 1, 1]} : vector<19x48x384xf32> to vector<1x48x384xf32>
    %squeeze3A_96 = vector.shape_cast %slice3A_95 : vector<1x48x384xf32> to vector<48x384xf32>
    %select_n3A_97 = arith.select %gt3A_94, %squeeze3A_96, %select_n3A_88 : vector<48x384xi1>, vector<48x384xf32>
    %jit3A_98 = arith.constant 10 : i32
    %broadcast_in_dim3A_99 = vector.broadcast %jit3A_98 : i32 to vector<48x384xi32>
    %select_n3A_100 = arith.select %gt3A_94, %broadcast_in_dim3A_99, %select_n3A_91 : vector<48x384xi1>, vector<48x384xi32>
    %slice3A_101 = vector.extract_strided_slice %get3A_12 {offsets = [11, 0, 0], sizes = [1, 48, 384], strides = [1, 1, 1]} : vector<19x48x384xf32> to vector<1x48x384xf32>
    %squeeze3A_102 = vector.shape_cast %slice3A_101 : vector<1x48x384xf32> to vector<48x384xf32>
    %gt3A_103 = arith.cmpf ogt, %squeeze3A_102, %select_n3A_97 : vector<48x384xf32>
    %slice3A_104 = vector.extract_strided_slice %get3A_12 {offsets = [11, 0, 0], sizes = [1, 48, 384], strides = [1, 1, 1]} : vector<19x48x384xf32> to vector<1x48x384xf32>
    %squeeze3A_105 = vector.shape_cast %slice3A_104 : vector<1x48x384xf32> to vector<48x384xf32>
    %select_n3A_106 = arith.select %gt3A_103, %squeeze3A_105, %select_n3A_97 : vector<48x384xi1>, vector<48x384xf32>
    %jit3A_107 = arith.constant 11 : i32
    %broadcast_in_dim3A_108 = vector.broadcast %jit3A_107 : i32 to vector<48x384xi32>
    %select_n3A_109 = arith.select %gt3A_103, %broadcast_in_dim3A_108, %select_n3A_100 : vector<48x384xi1>, vector<48x384xi32>
    %slice3A_110 = vector.extract_strided_slice %get3A_12 {offsets = [12, 0, 0], sizes = [1, 48, 384], strides = [1, 1, 1]} : vector<19x48x384xf32> to vector<1x48x384xf32>
    %squeeze3A_111 = vector.shape_cast %slice3A_110 : vector<1x48x384xf32> to vector<48x384xf32>
    %gt3A_112 = arith.cmpf ogt, %squeeze3A_111, %select_n3A_106 : vector<48x384xf32>
    %slice3A_113 = vector.extract_strided_slice %get3A_12 {offsets = [12, 0, 0], sizes = [1, 48, 384], strides = [1, 1, 1]} : vector<19x48x384xf32> to vector<1x48x384xf32>
    %squeeze3A_114 = vector.shape_cast %slice3A_113 : vector<1x48x384xf32> to vector<48x384xf32>
    %select_n3A_115 = arith.select %gt3A_112, %squeeze3A_114, %select_n3A_106 : vector<48x384xi1>, vector<48x384xf32>
    %jit3A_116 = arith.constant 12 : i32
    %broadcast_in_dim3A_117 = vector.broadcast %jit3A_116 : i32 to vector<48x384xi32>
    %select_n3A_118 = arith.select %gt3A_112, %broadcast_in_dim3A_117, %select_n3A_109 : vector<48x384xi1>, vector<48x384xi32>
    %slice3A_119 = vector.extract_strided_slice %get3A_12 {offsets = [13, 0, 0], sizes = [1, 48, 384], strides = [1, 1, 1]} : vector<19x48x384xf32> to vector<1x48x384xf32>
    %squeeze3A_120 = vector.shape_cast %slice3A_119 : vector<1x48x384xf32> to vector<48x384xf32>
    %gt3A_121 = arith.cmpf ogt, %squeeze3A_120, %select_n3A_115 : vector<48x384xf32>
    %slice3A_122 = vector.extract_strided_slice %get3A_12 {offsets = [13, 0, 0], sizes = [1, 48, 384], strides = [1, 1, 1]} : vector<19x48x384xf32> to vector<1x48x384xf32>
    %squeeze3A_123 = vector.shape_cast %slice3A_122 : vector<1x48x384xf32> to vector<48x384xf32>
    %select_n3A_124 = arith.select %gt3A_121, %squeeze3A_123, %select_n3A_115 : vector<48x384xi1>, vector<48x384xf32>
    %jit3A_125 = arith.constant 13 : i32
    %broadcast_in_dim3A_126 = vector.broadcast %jit3A_125 : i32 to vector<48x384xi32>
    %select_n3A_127 = arith.select %gt3A_121, %broadcast_in_dim3A_126, %select_n3A_118 : vector<48x384xi1>, vector<48x384xi32>
    %slice3A_128 = vector.extract_strided_slice %get3A_12 {offsets = [14, 0, 0], sizes = [1, 48, 384], strides = [1, 1, 1]} : vector<19x48x384xf32> to vector<1x48x384xf32>
    %squeeze3A_129 = vector.shape_cast %slice3A_128 : vector<1x48x384xf32> to vector<48x384xf32>
    %gt3A_130 = arith.cmpf ogt, %squeeze3A_129, %select_n3A_124 : vector<48x384xf32>
    %slice3A_131 = vector.extract_strided_slice %get3A_12 {offsets = [14, 0, 0], sizes = [1, 48, 384], strides = [1, 1, 1]} : vector<19x48x384xf32> to vector<1x48x384xf32>
    %squeeze3A_132 = vector.shape_cast %slice3A_131 : vector<1x48x384xf32> to vector<48x384xf32>
    %select_n3A_133 = arith.select %gt3A_130, %squeeze3A_132, %select_n3A_124 : vector<48x384xi1>, vector<48x384xf32>
    %jit3A_134 = arith.constant 14 : i32
    %broadcast_in_dim3A_135 = vector.broadcast %jit3A_134 : i32 to vector<48x384xi32>
    %select_n3A_136 = arith.select %gt3A_130, %broadcast_in_dim3A_135, %select_n3A_127 : vector<48x384xi1>, vector<48x384xi32>
    %slice3A_137 = vector.extract_strided_slice %get3A_12 {offsets = [15, 0, 0], sizes = [1, 48, 384], strides = [1, 1, 1]} : vector<19x48x384xf32> to vector<1x48x384xf32>
    %squeeze3A_138 = vector.shape_cast %slice3A_137 : vector<1x48x384xf32> to vector<48x384xf32>
    %gt3A_139 = arith.cmpf ogt, %squeeze3A_138, %select_n3A_133 : vector<48x384xf32>
    %slice3A_140 = vector.extract_strided_slice %get3A_12 {offsets = [15, 0, 0], sizes = [1, 48, 384], strides = [1, 1, 1]} : vector<19x48x384xf32> to vector<1x48x384xf32>
    %squeeze3A_141 = vector.shape_cast %slice3A_140 : vector<1x48x384xf32> to vector<48x384xf32>
    %select_n3A_142 = arith.select %gt3A_139, %squeeze3A_141, %select_n3A_133 : vector<48x384xi1>, vector<48x384xf32>
    %jit3A_143 = arith.constant 15 : i32
    %broadcast_in_dim3A_144 = vector.broadcast %jit3A_143 : i32 to vector<48x384xi32>
    %select_n3A_145 = arith.select %gt3A_139, %broadcast_in_dim3A_144, %select_n3A_136 : vector<48x384xi1>, vector<48x384xi32>
    %slice3A_146 = vector.extract_strided_slice %get3A_12 {offsets = [16, 0, 0], sizes = [1, 48, 384], strides = [1, 1, 1]} : vector<19x48x384xf32> to vector<1x48x384xf32>
    %squeeze3A_147 = vector.shape_cast %slice3A_146 : vector<1x48x384xf32> to vector<48x384xf32>
    %gt3A_148 = arith.cmpf ogt, %squeeze3A_147, %select_n3A_142 : vector<48x384xf32>
    %slice3A_149 = vector.extract_strided_slice %get3A_12 {offsets = [16, 0, 0], sizes = [1, 48, 384], strides = [1, 1, 1]} : vector<19x48x384xf32> to vector<1x48x384xf32>
    %squeeze3A_150 = vector.shape_cast %slice3A_149 : vector<1x48x384xf32> to vector<48x384xf32>
    %select_n3A_151 = arith.select %gt3A_148, %squeeze3A_150, %select_n3A_142 : vector<48x384xi1>, vector<48x384xf32>
    %jit3A_152 = arith.constant 16 : i32
    %broadcast_in_dim3A_153 = vector.broadcast %jit3A_152 : i32 to vector<48x384xi32>
    %select_n3A_154 = arith.select %gt3A_148, %broadcast_in_dim3A_153, %select_n3A_145 : vector<48x384xi1>, vector<48x384xi32>
    %slice3A_155 = vector.extract_strided_slice %get3A_12 {offsets = [17, 0, 0], sizes = [1, 48, 384], strides = [1, 1, 1]} : vector<19x48x384xf32> to vector<1x48x384xf32>
    %squeeze3A_156 = vector.shape_cast %slice3A_155 : vector<1x48x384xf32> to vector<48x384xf32>
    %gt3A_157 = arith.cmpf ogt, %squeeze3A_156, %select_n3A_151 : vector<48x384xf32>
    %slice3A_158 = vector.extract_strided_slice %get3A_12 {offsets = [17, 0, 0], sizes = [1, 48, 384], strides = [1, 1, 1]} : vector<19x48x384xf32> to vector<1x48x384xf32>
    %squeeze3A_159 = vector.shape_cast %slice3A_158 : vector<1x48x384xf32> to vector<48x384xf32>
    %select_n3A_160 = arith.select %gt3A_157, %squeeze3A_159, %select_n3A_151 : vector<48x384xi1>, vector<48x384xf32>
    %jit3A_161 = arith.constant 17 : i32
    %broadcast_in_dim3A_162 = vector.broadcast %jit3A_161 : i32 to vector<48x384xi32>
    %select_n3A_163 = arith.select %gt3A_157, %broadcast_in_dim3A_162, %select_n3A_154 : vector<48x384xi1>, vector<48x384xi32>
    %slice3A_164 = vector.extract_strided_slice %get3A_12 {offsets = [18, 0, 0], sizes = [1, 48, 384], strides = [1, 1, 1]} : vector<19x48x384xf32> to vector<1x48x384xf32>
    %squeeze3A_165 = vector.shape_cast %slice3A_164 : vector<1x48x384xf32> to vector<48x384xf32>
    %gt3A_166 = arith.cmpf ogt, %squeeze3A_165, %select_n3A_160 : vector<48x384xf32>
    %jit3A_167 = arith.constant 18 : i32
    %broadcast_in_dim3A_168 = vector.broadcast %jit3A_167 : i32 to vector<48x384xi32>
    %select_n3A_169 = arith.select %gt3A_166, %broadcast_in_dim3A_168, %select_n3A_163 : vector<48x384xi1>, vector<48x384xi32>
    %swap3A = arith.constant 0 : index
    %swap3A_170 = arith.constant 0 : index
    %swap3A_171 = vector.load %arg8[%swap3A, %swap3A_170] : memref<384x384xi32, #tpu.memory_space<vmem>>, vector<48x384xi32>
    tpu.vector_store %arg8[%swap3A, %swap3A_170], %select_n3A_169 {strides = array<i32>} : memref<384x384xi32, #tpu.memory_space<vmem>>, vector<48x384xi32>,
    %dma_start3A_172 = arith.constant 0 : i32
    %dma_start3A_173 = arith.constant 0 : i32
    %dma_start3A_174 = arith.constant 0 : i32
    %dma_start3A_175 = tpu.memref_slice %arg5[%dma_start3A_172, %dma_start3A_173, %dma_start3A_174] : memref<19x384x384xf32, #tpu.memory_space<any>> -> memref<19x48x384xf32, #tpu.memory_space<any>>
    tpu.enqueue_dma source(%arg12 : memref<19x48x384xf32, #tpu.memory_space<vmem>>) target(%dma_start3A_175 : memref<19x48x384xf32, #tpu.memory_space<any>>) target_semaphore(%arg16 : memref<!tpu.dma_semaphore, #tpu.memory_space<semaphore_mem>>)
    %dma_wait3A_176 = arith.constant 0 : i32
    %dma_wait3A_177 = arith.constant 0 : i32
    %dma_wait3A_178 = arith.constant 0 : i32
    %dma_wait3A_179 = tpu.memref_slice %arg5[%dma_wait3A_176, %dma_wait3A_177, %dma_wait3A_178] : memref<19x384x384xf32, #tpu.memory_space<any>> -> memref<19x48x384xf32, #tpu.memory_space<any>>
    tpu.wait_dma2 semaphore(%arg16 : memref<!tpu.dma_semaphore, #tpu.memory_space<semaphore_mem>>) src(%arg12 : memref<19x48x384xf32, #tpu.memory_space<vmem>>) dst(%dma_wait3A_179 : memref<19x48x384xf32, #tpu.memory_space<any>>)
    %dma_start3A_180 = arith.constant 0 : i32
    %dma_start3A_181 = arith.constant 96 : i32
    %dma_start3A_182 = arith.constant 0 : i32
    %dma_start3A_183 = tpu.memref_slice %arg0[%dma_start3A_180, %dma_start3A_181, %dma_start3A_182] : memref<19x384x384xf32, #tpu.memory_space<any>> -> memref<19x48x384xf32, #tpu.memory_space<any>>
    tpu.enqueue_dma source(%dma_start3A_183 : memref<19x48x384xf32, #tpu.memory_space<any>>) target(%arg12 : memref<19x48x384xf32, #tpu.memory_space<vmem>>) target_semaphore(%arg14 : memref<!tpu.dma_semaphore, #tpu.memory_space<semaphore_mem>>)
    %dma_wait3A_184 = arith.constant 0 : i32
    %dma_wait3A_185 = arith.constant 48 : i32
    %dma_wait3A_186 = arith.constant 0 : i32
    %dma_wait3A_187 = tpu.memref_slice %arg0[%dma_wait3A_184, %dma_wait3A_185, %dma_wait3A_186] : memref<19x384x384xf32, #tpu.memory_space<any>> -> memref<19x48x384xf32, #tpu.memory_space<any>>
    tpu.wait_dma2 semaphore(%arg15 : memref<!tpu.dma_semaphore, #tpu.memory_space<semaphore_mem>>) src(%dma_wait3A_187 : memref<19x48x384xf32, #tpu.memory_space<any>>) dst(%arg13 : memref<19x48x384xf32, #tpu.memory_space<vmem>>)
    %get3A_188 = arith.constant 0 : index
    %get3A_189 = arith.constant 0 : index
    %get3A_190 = arith.constant 0 : index
    %get3A_191 = vector.load %arg13[%get3A_188, %get3A_189, %get3A_190] : memref<19x48x384xf32, #tpu.memory_space<vmem>>, vector<19x48x384xf32>
    %slice3A_192 = vector.extract_strided_slice %get3A_191 {offsets = [0, 0, 0], sizes = [1, 48, 384], strides = [1, 1, 1]} : vector<19x48x384xf32> to vector<1x48x384xf32>
    %squeeze3A_193 = vector.shape_cast %slice3A_192 : vector<1x48x384xf32> to vector<48x384xf32>
    %broadcast_in_dim3A_194 = arith.constant 0 : i32
    %broadcast_in_dim3A_195 = vector.broadcast %broadcast_in_dim3A_194 : i32 to vector<48x384xi32>
    %slice3A_196 = vector.extract_strided_slice %get3A_191 {offsets = [1, 0, 0], sizes = [1, 48, 384], strides = [1, 1, 1]} : vector<19x48x384xf32> to vector<1x48x384xf32>
    %squeeze3A_197 = vector.shape_cast %slice3A_196 : vector<1x48x384xf32> to vector<48x384xf32>
    %gt3A_198 = arith.cmpf ogt, %squeeze3A_197, %squeeze3A_193 : vector<48x384xf32>
    %slice3A_199 = vector.extract_strided_slice %get3A_191 {offsets = [1, 0, 0], sizes = [1, 48, 384], strides = [1, 1, 1]} : vector<19x48x384xf32> to vector<1x48x384xf32>
    %squeeze3A_200 = vector.shape_cast %slice3A_199 : vector<1x48x384xf32> to vector<48x384xf32>
    %select_n3A_201 = arith.select %gt3A_198, %squeeze3A_200, %squeeze3A_193 : vector<48x384xi1>, vector<48x384xf32>
    %jit3A_202 = arith.constant 1 : i32
    %broadcast_in_dim3A_203 = vector.broadcast %jit3A_202 : i32 to vector<48x384xi32>
    %select_n3A_204 = arith.select %gt3A_198, %broadcast_in_dim3A_203, %broadcast_in_dim3A_195 : vector<48x384xi1>, vector<48x384xi32>
    %slice3A_205 = vector.extract_strided_slice %get3A_191 {offsets = [2, 0, 0], sizes = [1, 48, 384], strides = [1, 1, 1]} : vector<19x48x384xf32> to vector<1x48x384xf32>
    %squeeze3A_206 = vector.shape_cast %slice3A_205 : vector<1x48x384xf32> to vector<48x384xf32>
    %gt3A_207 = arith.cmpf ogt, %squeeze3A_206, %select_n3A_201 : vector<48x384xf32>
    %slice3A_208 = vector.extract_strided_slice %get3A_191 {offsets = [2, 0, 0], sizes = [1, 48, 384], strides = [1, 1, 1]} : vector<19x48x384xf32> to vector<1x48x384xf32>
    %squeeze3A_209 = vector.shape_cast %slice3A_208 : vector<1x48x384xf32> to vector<48x384xf32>
    %select_n3A_210 = arith.select %gt3A_207, %squeeze3A_209, %select_n3A_201 : vector<48x384xi1>, vector<48x384xf32>
    %jit3A_211 = arith.constant 2 : i32
    %broadcast_in_dim3A_212 = vector.broadcast %jit3A_211 : i32 to vector<48x384xi32>
    %select_n3A_213 = arith.select %gt3A_207, %broadcast_in_dim3A_212, %select_n3A_204 : vector<48x384xi1>, vector<48x384xi32>
    %slice3A_214 = vector.extract_strided_slice %get3A_191 {offsets = [3, 0, 0], sizes = [1, 48, 384], strides = [1, 1, 1]} : vector<19x48x384xf32> to vector<1x48x384xf32>
    %squeeze3A_215 = vector.shape_cast %slice3A_214 : vector<1x48x384xf32> to vector<48x384xf32>
    %gt3A_216 = arith.cmpf ogt, %squeeze3A_215, %select_n3A_210 : vector<48x384xf32>
    %slice3A_217 = vector.extract_strided_slice %get3A_191 {offsets = [3, 0, 0], sizes = [1, 48, 384], strides = [1, 1, 1]} : vector<19x48x384xf32> to vector<1x48x384xf32>
    %squeeze3A_218 = vector.shape_cast %slice3A_217 : vector<1x48x384xf32> to vector<48x384xf32>
    %select_n3A_219 = arith.select %gt3A_216, %squeeze3A_218, %select_n3A_210 : vector<48x384xi1>, vector<48x384xf32>
    %jit3A_220 = arith.constant 3 : i32
    %broadcast_in_dim3A_221 = vector.broadcast %jit3A_220 : i32 to vector<48x384xi32>
    %select_n3A_222 = arith.select %gt3A_216, %broadcast_in_dim3A_221, %select_n3A_213 : vector<48x384xi1>, vector<48x384xi32>
    %slice3A_223 = vector.extract_strided_slice %get3A_191 {offsets = [4, 0, 0], sizes = [1, 48, 384], strides = [1, 1, 1]} : vector<19x48x384xf32> to vector<1x48x384xf32>
    %squeeze3A_224 = vector.shape_cast %slice3A_223 : vector<1x48x384xf32> to vector<48x384xf32>
    %gt3A_225 = arith.cmpf ogt, %squeeze3A_224, %select_n3A_219 : vector<48x384xf32>
    %slice3A_226 = vector.extract_strided_slice %get3A_191 {offsets = [4, 0, 0], sizes = [1, 48, 384], strides = [1, 1, 1]} : vector<19x48x384xf32> to vector<1x48x384xf32>
    %squeeze3A_227 = vector.shape_cast %slice3A_226 : vector<1x48x384xf32> to vector<48x384xf32>
    %select_n3A_228 = arith.select %gt3A_225, %squeeze3A_227, %select_n3A_219 : vector<48x384xi1>, vector<48x384xf32>
    %jit3A_229 = arith.constant 4 : i32
    %broadcast_in_dim3A_230 = vector.broadcast %jit3A_229 : i32 to vector<48x384xi32>
    %select_n3A_231 = arith.select %gt3A_225, %broadcast_in_dim3A_230, %select_n3A_222 : vector<48x384xi1>, vector<48x384xi32>
    %slice3A_232 = vector.extract_strided_slice %get3A_191 {offsets = [5, 0, 0], sizes = [1, 48, 384], strides = [1, 1, 1]} : vector<19x48x384xf32> to vector<1x48x384xf32>
    %squeeze3A_233 = vector.shape_cast %slice3A_232 : vector<1x48x384xf32> to vector<48x384xf32>
    %gt3A_234 = arith.cmpf ogt, %squeeze3A_233, %select_n3A_228 : vector<48x384xf32>
    %slice3A_235 = vector.extract_strided_slice %get3A_191 {offsets = [5, 0, 0], sizes = [1, 48, 384], strides = [1, 1, 1]} : vector<19x48x384xf32> to vector<1x48x384xf32>
    %squeeze3A_236 = vector.shape_cast %slice3A_235 : vector<1x48x384xf32> to vector<48x384xf32>
    %select_n3A_237 = arith.select %gt3A_234, %squeeze3A_236, %select_n3A_228 : vector<48x384xi1>, vector<48x384xf32>
    %jit3A_238 = arith.constant 5 : i32
    %broadcast_in_dim3A_239 = vector.broadcast %jit3A_238 : i32 to vector<48x384xi32>
    %select_n3A_240 = arith.select %gt3A_234, %broadcast_in_dim3A_239, %select_n3A_231 : vector<48x384xi1>, vector<48x384xi32>
    %slice3A_241 = vector.extract_strided_slice %get3A_191 {offsets = [6, 0, 0], sizes = [1, 48, 384], strides = [1, 1, 1]} : vector<19x48x384xf32> to vector<1x48x384xf32>
    %squeeze3A_242 = vector.shape_cast %slice3A_241 : vector<1x48x384xf32> to vector<48x384xf32>
    %gt3A_243 = arith.cmpf ogt, %squeeze3A_242, %select_n3A_237 : vector<48x384xf32>
    %slice3A_244 = vector.extract_strided_slice %get3A_191 {offsets = [6, 0, 0], sizes = [1, 48, 384], strides = [1, 1, 1]} : vector<19x48x384xf32> to vector<1x48x384xf32>
    %squeeze3A_245 = vector.shape_cast %slice3A_244 : vector<1x48x384xf32> to vector<48x384xf32>
    %select_n3A_246 = arith.select %gt3A_243, %squeeze3A_245, %select_n3A_237 : vector<48x384xi1>, vector<48x384xf32>
    %jit3A_247 = arith.constant 6 : i32
    %broadcast_in_dim3A_248 = vector.broadcast %jit3A_247 : i32 to vector<48x384xi32>
    %select_n3A_249 = arith.select %gt3A_243, %broadcast_in_dim3A_248, %select_n3A_240 : vector<48x384xi1>, vector<48x384xi32>
    %slice3A_250 = vector.extract_strided_slice %get3A_191 {offsets = [7, 0, 0], sizes = [1, 48, 384], strides = [1, 1, 1]} : vector<19x48x384xf32> to vector<1x48x384xf32>
    %squeeze3A_251 = vector.shape_cast %slice3A_250 : vector<1x48x384xf32> to vector<48x384xf32>
    %gt3A_252 = arith.cmpf ogt, %squeeze3A_251, %select_n3A_246 : vector<48x384xf32>
    %slice3A_253 = vector.extract_strided_slice %get3A_191 {offsets = [7, 0, 0], sizes = [1, 48, 384], strides = [1, 1, 1]} : vector<19x48x384xf32> to vector<1x48x384xf32>
    %squeeze3A_254 = vector.shape_cast %slice3A_253 : vector<1x48x384xf32> to vector<48x384xf32>
    %select_n3A_255 = arith.select %gt3A_252, %squeeze3A_254, %select_n3A_246 : vector<48x384xi1>, vector<48x384xf32>
    %jit3A_256 = arith.constant 7 : i32
    %broadcast_in_dim3A_257 = vector.broadcast %jit3A_256 : i32 to vector<48x384xi32>
    %select_n3A_258 = arith.select %gt3A_252, %broadcast_in_dim3A_257, %select_n3A_249 : vector<48x384xi1>, vector<48x384xi32>
    %slice3A_259 = vector.extract_strided_slice %get3A_191 {offsets = [8, 0, 0], sizes = [1, 48, 384], strides = [1, 1, 1]} : vector<19x48x384xf32> to vector<1x48x384xf32>
    %squeeze3A_260 = vector.shape_cast %slice3A_259 : vector<1x48x384xf32> to vector<48x384xf32>
    %gt3A_261 = arith.cmpf ogt, %squeeze3A_260, %select_n3A_255 : vector<48x384xf32>
    %slice3A_262 = vector.extract_strided_slice %get3A_191 {offsets = [8, 0, 0], sizes = [1, 48, 384], strides = [1, 1, 1]} : vector<19x48x384xf32> to vector<1x48x384xf32>
    %squeeze3A_263 = vector.shape_cast %slice3A_262 : vector<1x48x384xf32> to vector<48x384xf32>
    %select_n3A_264 = arith.select %gt3A_261, %squeeze3A_263, %select_n3A_255 : vector<48x384xi1>, vector<48x384xf32>
    %jit3A_265 = arith.constant 8 : i32
    %broadcast_in_dim3A_266 = vector.broadcast %jit3A_265 : i32 to vector<48x384xi32>
    %select_n3A_267 = arith.select %gt3A_261, %broadcast_in_dim3A_266, %select_n3A_258 : vector<48x384xi1>, vector<48x384xi32>
    %slice3A_268 = vector.extract_strided_slice %get3A_191 {offsets = [9, 0, 0], sizes = [1, 48, 384], strides = [1, 1, 1]} : vector<19x48x384xf32> to vector<1x48x384xf32>
    %squeeze3A_269 = vector.shape_cast %slice3A_268 : vector<1x48x384xf32> to vector<48x384xf32>
    %gt3A_270 = arith.cmpf ogt, %squeeze3A_269, %select_n3A_264 : vector<48x384xf32>
    %slice3A_271 = vector.extract_strided_slice %get3A_191 {offsets = [9, 0, 0], sizes = [1, 48, 384], strides = [1, 1, 1]} : vector<19x48x384xf32> to vector<1x48x384xf32>
    %squeeze3A_272 = vector.shape_cast %slice3A_271 : vector<1x48x384xf32> to vector<48x384xf32>
    %select_n3A_273 = arith.select %gt3A_270, %squeeze3A_272, %select_n3A_264 : vector<48x384xi1>, vector<48x384xf32>
    %jit3A_274 = arith.constant 9 : i32
    %broadcast_in_dim3A_275 = vector.broadcast %jit3A_274 : i32 to vector<48x384xi32>
    %select_n3A_276 = arith.select %gt3A_270, %broadcast_in_dim3A_275, %select_n3A_267 : vector<48x384xi1>, vector<48x384xi32>
    %slice3A_277 = vector.extract_strided_slice %get3A_191 {offsets = [10, 0, 0], sizes = [1, 48, 384], strides = [1, 1, 1]} : vector<19x48x384xf32> to vector<1x48x384xf32>
    %squeeze3A_278 = vector.shape_cast %slice3A_277 : vector<1x48x384xf32> to vector<48x384xf32>
    %gt3A_279 = arith.cmpf ogt, %squeeze3A_278, %select_n3A_273 : vector<48x384xf32>
    %slice3A_280 = vector.extract_strided_slice %get3A_191 {offsets = [10, 0, 0], sizes = [1, 48, 384], strides = [1, 1, 1]} : vector<19x48x384xf32> to vector<1x48x384xf32>
    %squeeze3A_281 = vector.shape_cast %slice3A_280 : vector<1x48x384xf32> to vector<48x384xf32>
    %select_n3A_282 = arith.select %gt3A_279, %squeeze3A_281, %select_n3A_273 : vector<48x384xi1>, vector<48x384xf32>
    %jit3A_283 = arith.constant 10 : i32
    %broadcast_in_dim3A_284 = vector.broadcast %jit3A_283 : i32 to vector<48x384xi32>
    %select_n3A_285 = arith.select %gt3A_279, %broadcast_in_dim3A_284, %select_n3A_276 : vector<48x384xi1>, vector<48x384xi32>
    %slice3A_286 = vector.extract_strided_slice %get3A_191 {offsets = [11, 0, 0], sizes = [1, 48, 384], strides = [1, 1, 1]} : vector<19x48x384xf32> to vector<1x48x384xf32>
    %squeeze3A_287 = vector.shape_cast %slice3A_286 : vector<1x48x384xf32> to vector<48x384xf32>
    %gt3A_288 = arith.cmpf ogt, %squeeze3A_287, %select_n3A_282 : vector<48x384xf32>
    %slice3A_289 = vector.extract_strided_slice %get3A_191 {offsets = [11, 0, 0], sizes = [1, 48, 384], strides = [1, 1, 1]} : vector<19x48x384xf32> to vector<1x48x384xf32>
    %squeeze3A_290 = vector.shape_cast %slice3A_289 : vector<1x48x384xf32> to vector<48x384xf32>
    %select_n3A_291 = arith.select %gt3A_288, %squeeze3A_290, %select_n3A_282 : vector<48x384xi1>, vector<48x384xf32>
    %jit3A_292 = arith.constant 11 : i32
    %broadcast_in_dim3A_293 = vector.broadcast %jit3A_292 : i32 to vector<48x384xi32>
    %select_n3A_294 = arith.select %gt3A_288, %broadcast_in_dim3A_293, %select_n3A_285 : vector<48x384xi1>, vector<48x384xi32>
    %slice3A_295 = vector.extract_strided_slice %get3A_191 {offsets = [12, 0, 0], sizes = [1, 48, 384], strides = [1, 1, 1]} : vector<19x48x384xf32> to vector<1x48x384xf32>
    %squeeze3A_296 = vector.shape_cast %slice3A_295 : vector<1x48x384xf32> to vector<48x384xf32>
    %gt3A_297 = arith.cmpf ogt, %squeeze3A_296, %select_n3A_291 : vector<48x384xf32>
    %slice3A_298 = vector.extract_strided_slice %get3A_191 {offsets = [12, 0, 0], sizes = [1, 48, 384], strides = [1, 1, 1]} : vector<19x48x384xf32> to vector<1x48x384xf32>
    %squeeze3A_299 = vector.shape_cast %slice3A_298 : vector<1x48x384xf32> to vector<48x384xf32>
    %select_n3A_300 = arith.select %gt3A_297, %squeeze3A_299, %select_n3A_291 : vector<48x384xi1>, vector<48x384xf32>
    %jit3A_301 = arith.constant 12 : i32
    %broadcast_in_dim3A_302 = vector.broadcast %jit3A_301 : i32 to vector<48x384xi32>
    %select_n3A_303 = arith.select %gt3A_297, %broadcast_in_dim3A_302, %select_n3A_294 : vector<48x384xi1>, vector<48x384xi32>
    %slice3A_304 = vector.extract_strided_slice %get3A_191 {offsets = [13, 0, 0], sizes = [1, 48, 384], strides = [1, 1, 1]} : vector<19x48x384xf32> to vector<1x48x384xf32>
    %squeeze3A_305 = vector.shape_cast %slice3A_304 : vector<1x48x384xf32> to vector<48x384xf32>
    %gt3A_306 = arith.cmpf ogt, %squeeze3A_305, %select_n3A_300 : vector<48x384xf32>
    %slice3A_307 = vector.extract_strided_slice %get3A_191 {offsets = [13, 0, 0], sizes = [1, 48, 384], strides = [1, 1, 1]} : vector<19x48x384xf32> to vector<1x48x384xf32>
    %squeeze3A_308 = vector.shape_cast %slice3A_307 : vector<1x48x384xf32> to vector<48x384xf32>
    %select_n3A_309 = arith.select %gt3A_306, %squeeze3A_308, %select_n3A_300 : vector<48x384xi1>, vector<48x384xf32>
    %jit3A_310 = arith.constant 13 : i32
    %broadcast_in_dim3A_311 = vector.broadcast %jit3A_310 : i32 to vector<48x384xi32>
    %select_n3A_312 = arith.select %gt3A_306, %broadcast_in_dim3A_311, %select_n3A_303 : vector<48x384xi1>, vector<48x384xi32>
    %slice3A_313 = vector.extract_strided_slice %get3A_191 {offsets = [14, 0, 0], sizes = [1, 48, 384], strides = [1, 1, 1]} : vector<19x48x384xf32> to vector<1x48x384xf32>
    %squeeze3A_314 = vector.shape_cast %slice3A_313 : vector<1x48x384xf32> to vector<48x384xf32>
    %gt3A_315 = arith.cmpf ogt, %squeeze3A_314, %select_n3A_309 : vector<48x384xf32>
    %slice3A_316 = vector.extract_strided_slice %get3A_191 {offsets = [14, 0, 0], sizes = [1, 48, 384], strides = [1, 1, 1]} : vector<19x48x384xf32> to vector<1x48x384xf32>
    %squeeze3A_317 = vector.shape_cast %slice3A_316 : vector<1x48x384xf32> to vector<48x384xf32>
    %select_n3A_318 = arith.select %gt3A_315, %squeeze3A_317, %select_n3A_309 : vector<48x384xi1>, vector<48x384xf32>
    %jit3A_319 = arith.constant 14 : i32
    %broadcast_in_dim3A_320 = vector.broadcast %jit3A_319 : i32 to vector<48x384xi32>
    %select_n3A_321 = arith.select %gt3A_315, %broadcast_in_dim3A_320, %select_n3A_312 : vector<48x384xi1>, vector<48x384xi32>
    %slice3A_322 = vector.extract_strided_slice %get3A_191 {offsets = [15, 0, 0], sizes = [1, 48, 384], strides = [1, 1, 1]} : vector<19x48x384xf32> to vector<1x48x384xf32>
    %squeeze3A_323 = vector.shape_cast %slice3A_322 : vector<1x48x384xf32> to vector<48x384xf32>
    %gt3A_324 = arith.cmpf ogt, %squeeze3A_323, %select_n3A_318 : vector<48x384xf32>
    %slice3A_325 = vector.extract_strided_slice %get3A_191 {offsets = [15, 0, 0], sizes = [1, 48, 384], strides = [1, 1, 1]} : vector<19x48x384xf32> to vector<1x48x384xf32>
    %squeeze3A_326 = vector.shape_cast %slice3A_325 : vector<1x48x384xf32> to vector<48x384xf32>
    %select_n3A_327 = arith.select %gt3A_324, %squeeze3A_326, %select_n3A_318 : vector<48x384xi1>, vector<48x384xf32>
    %jit3A_328 = arith.constant 15 : i32
    %broadcast_in_dim3A_329 = vector.broadcast %jit3A_328 : i32 to vector<48x384xi32>
    %select_n3A_330 = arith.select %gt3A_324, %broadcast_in_dim3A_329, %select_n3A_321 : vector<48x384xi1>, vector<48x384xi32>
    %slice3A_331 = vector.extract_strided_slice %get3A_191 {offsets = [16, 0, 0], sizes = [1, 48, 384], strides = [1, 1, 1]} : vector<19x48x384xf32> to vector<1x48x384xf32>
    %squeeze3A_332 = vector.shape_cast %slice3A_331 : vector<1x48x384xf32> to vector<48x384xf32>
    %gt3A_333 = arith.cmpf ogt, %squeeze3A_332, %select_n3A_327 : vector<48x384xf32>
    %slice3A_334 = vector.extract_strided_slice %get3A_191 {offsets = [16, 0, 0], sizes = [1, 48, 384], strides = [1, 1, 1]} : vector<19x48x384xf32> to vector<1x48x384xf32>
    %squeeze3A_335 = vector.shape_cast %slice3A_334 : vector<1x48x384xf32> to vector<48x384xf32>
    %select_n3A_336 = arith.select %gt3A_333, %squeeze3A_335, %select_n3A_327 : vector<48x384xi1>, vector<48x384xf32>
    %jit3A_337 = arith.constant 16 : i32
    %broadcast_in_dim3A_338 = vector.broadcast %jit3A_337 : i32 to vector<48x384xi32>
    %select_n3A_339 = arith.select %gt3A_333, %broadcast_in_dim3A_338, %select_n3A_330 : vector<48x384xi1>, vector<48x384xi32>
    %slice3A_340 = vector.extract_strided_slice %get3A_191 {offsets = [17, 0, 0], sizes = [1, 48, 384], strides = [1, 1, 1]} : vector<19x48x384xf32> to vector<1x48x384xf32>
    %squeeze3A_341 = vector.shape_cast %slice3A_340 : vector<1x48x384xf32> to vector<48x384xf32>
    %gt3A_342 = arith.cmpf ogt, %squeeze3A_341, %select_n3A_336 : vector<48x384xf32>
    %slice3A_343 = vector.extract_strided_slice %get3A_191 {offsets = [17, 0, 0], sizes = [1, 48, 384], strides = [1, 1, 1]} : vector<19x48x384xf32> to vector<1x48x384xf32>
    %squeeze3A_344 = vector.shape_cast %slice3A_343 : vector<1x48x384xf32> to vector<48x384xf32>
    %select_n3A_345 = arith.select %gt3A_342, %squeeze3A_344, %select_n3A_336 : vector<48x384xi1>, vector<48x384xf32>
    %jit3A_346 = arith.constant 17 : i32
    %broadcast_in_dim3A_347 = vector.broadcast %jit3A_346 : i32 to vector<48x384xi32>
    %select_n3A_348 = arith.select %gt3A_342, %broadcast_in_dim3A_347, %select_n3A_339 : vector<48x384xi1>, vector<48x384xi32>
    %slice3A_349 = vector.extract_strided_slice %get3A_191 {offsets = [18, 0, 0], sizes = [1, 48, 384], strides = [1, 1, 1]} : vector<19x48x384xf32> to vector<1x48x384xf32>
    %squeeze3A_350 = vector.shape_cast %slice3A_349 : vector<1x48x384xf32> to vector<48x384xf32>
    %gt3A_351 = arith.cmpf ogt, %squeeze3A_350, %select_n3A_345 : vector<48x384xf32>
    %jit3A_352 = arith.constant 18 : i32
    %broadcast_in_dim3A_353 = vector.broadcast %jit3A_352 : i32 to vector<48x384xi32>
    %select_n3A_354 = arith.select %gt3A_351, %broadcast_in_dim3A_353, %select_n3A_348 : vector<48x384xi1>, vector<48x384xi32>
    %swap3A_355 = arith.constant 48 : index
    %swap3A_356 = arith.constant 0 : index
    %swap3A_357 = vector.load %arg8[%swap3A_355, %swap3A_356] : memref<384x384xi32, #tpu.memory_space<vmem>>, vector<48x384xi32>
    tpu.vector_store %arg8[%swap3A_355, %swap3A_356], %select_n3A_354 {strides = array<i32>} : memref<384x384xi32, #tpu.memory_space<vmem>>, vector<48x384xi32>,
    %dma_start3A_358 = arith.constant 0 : i32
    %dma_start3A_359 = arith.constant 48 : i32
    %dma_start3A_360 = arith.constant 0 : i32
    %dma_start3A_361 = tpu.memref_slice %arg5[%dma_start3A_358, %dma_start3A_359, %dma_start3A_360] : memref<19x384x384xf32, #tpu.memory_space<any>> -> memref<19x48x384xf32, #tpu.memory_space<any>>
    tpu.enqueue_dma source(%arg13 : memref<19x48x384xf32, #tpu.memory_space<vmem>>) target(%dma_start3A_361 : memref<19x48x384xf32, #tpu.memory_space<any>>) target_semaphore(%arg17 : memref<!tpu.dma_semaphore, #tpu.memory_space<semaphore_mem>>)
    %dma_wait3A_362 = arith.constant 0 : i32
    %dma_wait3A_363 = arith.constant 48 : i32
    %dma_wait3A_364 = arith.constant 0 : i32
    %dma_wait3A_365 = tpu.memref_slice %arg5[%dma_wait3A_362, %dma_wait3A_363, %dma_wait3A_364] : memref<19x384x384xf32, #tpu.memory_space<any>> -> memref<19x48x384xf32, #tpu.memory_space<any>>
    tpu.wait_dma2 semaphore(%arg17 : memref<!tpu.dma_semaphore, #tpu.memory_space<semaphore_mem>>) src(%arg13 : memref<19x48x384xf32, #tpu.memory_space<vmem>>) dst(%dma_wait3A_365 : memref<19x48x384xf32, #tpu.memory_space<any>>)
    %dma_start3A_366 = arith.constant 0 : i32
    %dma_start3A_367 = arith.constant 144 : i32
    %dma_start3A_368 = arith.constant 0 : i32
    %dma_start3A_369 = tpu.memref_slice %arg0[%dma_start3A_366, %dma_start3A_367, %dma_start3A_368] : memref<19x384x384xf32, #tpu.memory_space<any>> -> memref<19x48x384xf32, #tpu.memory_space<any>>
    tpu.enqueue_dma source(%dma_start3A_369 : memref<19x48x384xf32, #tpu.memory_space<any>>) target(%arg13 : memref<19x48x384xf32, #tpu.memory_space<vmem>>) target_semaphore(%arg15 : memref<!tpu.dma_semaphore, #tpu.memory_space<semaphore_mem>>)
    %dma_wait3A_370 = arith.constant 0 : i32
    %dma_wait3A_371 = arith.constant 96 : i32
    %dma_wait3A_372 = arith.constant 0 : i32
    %dma_wait3A_373 = tpu.memref_slice %arg0[%dma_wait3A_370, %dma_wait3A_371, %dma_wait3A_372] : memref<19x384x384xf32, #tpu.memory_space<any>> -> memref<19x48x384xf32, #tpu.memory_space<any>>
    tpu.wait_dma2 semaphore(%arg14 : memref<!tpu.dma_semaphore, #tpu.memory_space<semaphore_mem>>) src(%dma_wait3A_373 : memref<19x48x384xf32, #tpu.memory_space<any>>) dst(%arg12 : memref<19x48x384xf32, #tpu.memory_space<vmem>>)
    %get3A_374 = arith.constant 0 : index
    %get3A_375 = arith.constant 0 : index
    %get3A_376 = arith.constant 0 : index
    %get3A_377 = vector.load %arg12[%get3A_374, %get3A_375, %get3A_376] : memref<19x48x384xf32, #tpu.memory_space<vmem>>, vector<19x48x384xf32>
    %slice3A_378 = vector.extract_strided_slice %get3A_377 {offsets = [0, 0, 0], sizes = [1, 48, 384], strides = [1, 1, 1]} : vector<19x48x384xf32> to vector<1x48x384xf32>
    %squeeze3A_379 = vector.shape_cast %slice3A_378 : vector<1x48x384xf32> to vector<48x384xf32>
    %broadcast_in_dim3A_380 = arith.constant 0 : i32
    %broadcast_in_dim3A_381 = vector.broadcast %broadcast_in_dim3A_380 : i32 to vector<48x384xi32>
    %slice3A_382 = vector.extract_strided_slice %get3A_377 {offsets = [1, 0, 0], sizes = [1, 48, 384], strides = [1, 1, 1]} : vector<19x48x384xf32> to vector<1x48x384xf32>
    %squeeze3A_383 = vector.shape_cast %slice3A_382 : vector<1x48x384xf32> to vector<48x384xf32>
    %gt3A_384 = arith.cmpf ogt, %squeeze3A_383, %squeeze3A_379 : vector<48x384xf32>
    %slice3A_385 = vector.extract_strided_slice %get3A_377 {offsets = [1, 0, 0], sizes = [1, 48, 384], strides = [1, 1, 1]} : vector<19x48x384xf32> to vector<1x48x384xf32>
    %squeeze3A_386 = vector.shape_cast %slice3A_385 : vector<1x48x384xf32> to vector<48x384xf32>
    %select_n3A_387 = arith.select %gt3A_384, %squeeze3A_386, %squeeze3A_379 : vector<48x384xi1>, vector<48x384xf32>
    %jit3A_388 = arith.constant 1 : i32
    %broadcast_in_dim3A_389 = vector.broadcast %jit3A_388 : i32 to vector<48x384xi32>
    %select_n3A_390 = arith.select %gt3A_384, %broadcast_in_dim3A_389, %broadcast_in_dim3A_381 : vector<48x384xi1>, vector<48x384xi32>
    %slice3A_391 = vector.extract_strided_slice %get3A_377 {offsets = [2, 0, 0], sizes = [1, 48, 384], strides = [1, 1, 1]} : vector<19x48x384xf32> to vector<1x48x384xf32>
    %squeeze3A_392 = vector.shape_cast %slice3A_391 : vector<1x48x384xf32> to vector<48x384xf32>
    %gt3A_393 = arith.cmpf ogt, %squeeze3A_392, %select_n3A_387 : vector<48x384xf32>
    %slice3A_394 = vector.extract_strided_slice %get3A_377 {offsets = [2, 0, 0], sizes = [1, 48, 384], strides = [1, 1, 1]} : vector<19x48x384xf32> to vector<1x48x384xf32>
    %squeeze3A_395 = vector.shape_cast %slice3A_394 : vector<1x48x384xf32> to vector<48x384xf32>
    %select_n3A_396 = arith.select %gt3A_393, %squeeze3A_395, %select_n3A_387 : vector<48x384xi1>, vector<48x384xf32>
    %jit3A_397 = arith.constant 2 : i32
    %broadcast_in_dim3A_398 = vector.broadcast %jit3A_397 : i32 to vector<48x384xi32>
    %select_n3A_399 = arith.select %gt3A_393, %broadcast_in_dim3A_398, %select_n3A_390 : vector<48x384xi1>, vector<48x384xi32>
    %slice3A_400 = vector.extract_strided_slice %get3A_377 {offsets = [3, 0, 0], sizes = [1, 48, 384], strides = [1, 1, 1]} : vector<19x48x384xf32> to vector<1x48x384xf32>
    %squeeze3A_401 = vector.shape_cast %slice3A_400 : vector<1x48x384xf32> to vector<48x384xf32>
    %gt3A_402 = arith.cmpf ogt, %squeeze3A_401, %select_n3A_396 : vector<48x384xf32>
    %slice3A_403 = vector.extract_strided_slice %get3A_377 {offsets = [3, 0, 0], sizes = [1, 48, 384], strides = [1, 1, 1]} : vector<19x48x384xf32> to vector<1x48x384xf32>
    %squeeze3A_404 = vector.shape_cast %slice3A_403 : vector<1x48x384xf32> to vector<48x384xf32>
    %select_n3A_405 = arith.select %gt3A_402, %squeeze3A_404, %select_n3A_396 : vector<48x384xi1>, vector<48x384xf32>
    %jit3A_406 = arith.constant 3 : i32
    %broadcast_in_dim3A_407 = vector.broadcast %jit3A_406 : i32 to vector<48x384xi32>
    %select_n3A_408 = arith.select %gt3A_402, %broadcast_in_dim3A_407, %select_n3A_399 : vector<48x384xi1>, vector<48x384xi32>
    %slice3A_409 = vector.extract_strided_slice %get3A_377 {offsets = [4, 0, 0], sizes = [1, 48, 384], strides = [1, 1, 1]} : vector<19x48x384xf32> to vector<1x48x384xf32>
    %squeeze3A_410 = vector.shape_cast %slice3A_409 : vector<1x48x384xf32> to vector<48x384xf32>
    %gt3A_411 = arith.cmpf ogt, %squeeze3A_410, %select_n3A_405 : vector<48x384xf32>
    %slice3A_412 = vector.extract_strided_slice %get3A_377 {offsets = [4, 0, 0], sizes = [1, 48, 384], strides = [1, 1, 1]} : vector<19x48x384xf32> to vector<1x48x384xf32>
    %squeeze3A_413 = vector.shape_cast %slice3A_412 : vector<1x48x384xf32> to vector<48x384xf32>
    %select_n3A_414 = arith.select %gt3A_411, %squeeze3A_413, %select_n3A_405 : vector<48x384xi1>, vector<48x384xf32>
    %jit3A_415 = arith.constant 4 : i32
    %broadcast_in_dim3A_416 = vector.broadcast %jit3A_415 : i32 to vector<48x384xi32>
    %select_n3A_417 = arith.select %gt3A_411, %broadcast_in_dim3A_416, %select_n3A_408 : vector<48x384xi1>, vector<48x384xi32>
    %slice3A_418 = vector.extract_strided_slice %get3A_377 {offsets = [5, 0, 0], sizes = [1, 48, 384], strides = [1, 1, 1]} : vector<19x48x384xf32> to vector<1x48x384xf32>
    %squeeze3A_419 = vector.shape_cast %slice3A_418 : vector<1x48x384xf32> to vector<48x384xf32>
    %gt3A_420 = arith.cmpf ogt, %squeeze3A_419, %select_n3A_414 : vector<48x384xf32>
    %slice3A_421 = vector.extract_strided_slice %get3A_377 {offsets = [5, 0, 0], sizes = [1, 48, 384], strides = [1, 1, 1]} : vector<19x48x384xf32> to vector<1x48x384xf32>
    %squeeze3A_422 = vector.shape_cast %slice3A_421 : vector<1x48x384xf32> to vector<48x384xf32>
    %select_n3A_423 = arith.select %gt3A_420, %squeeze3A_422, %select_n3A_414 : vector<48x384xi1>, vector<48x384xf32>
    %jit3A_424 = arith.constant 5 : i32
    %broadcast_in_dim3A_425 = vector.broadcast %jit3A_424 : i32 to vector<48x384xi32>
    %select_n3A_426 = arith.select %gt3A_420, %broadcast_in_dim3A_425, %select_n3A_417 : vector<48x384xi1>, vector<48x384xi32>
    %slice3A_427 = vector.extract_strided_slice %get3A_377 {offsets = [6, 0, 0], sizes = [1, 48, 384], strides = [1, 1, 1]} : vector<19x48x384xf32> to vector<1x48x384xf32>
    %squeeze3A_428 = vector.shape_cast %slice3A_427 : vector<1x48x384xf32> to vector<48x384xf32>
    %gt3A_429 = arith.cmpf ogt, %squeeze3A_428, %select_n3A_423 : vector<48x384xf32>
    %slice3A_430 = vector.extract_strided_slice %get3A_377 {offsets = [6, 0, 0], sizes = [1, 48, 384], strides = [1, 1, 1]} : vector<19x48x384xf32> to vector<1x48x384xf32>
    %squeeze3A_431 = vector.shape_cast %slice3A_430 : vector<1x48x384xf32> to vector<48x384xf32>
    %select_n3A_432 = arith.select %gt3A_429, %squeeze3A_431, %select_n3A_423 : vector<48x384xi1>, vector<48x384xf32>
    %jit3A_433 = arith.constant 6 : i32
    %broadcast_in_dim3A_434 = vector.broadcast %jit3A_433 : i32 to vector<48x384xi32>
    %select_n3A_435 = arith.select %gt3A_429, %broadcast_in_dim3A_434, %select_n3A_426 : vector<48x384xi1>, vector<48x384xi32>
    %slice3A_436 = vector.extract_strided_slice %get3A_377 {offsets = [7, 0, 0], sizes = [1, 48, 384], strides = [1, 1, 1]} : vector<19x48x384xf32> to vector<1x48x384xf32>
    %squeeze3A_437 = vector.shape_cast %slice3A_436 : vector<1x48x384xf32> to vector<48x384xf32>
    %gt3A_438 = arith.cmpf ogt, %squeeze3A_437, %select_n3A_432 : vector<48x384xf32>
    %slice3A_439 = vector.extract_strided_slice %get3A_377 {offsets = [7, 0, 0], sizes = [1, 48, 384], strides = [1, 1, 1]} : vector<19x48x384xf32> to vector<1x48x384xf32>
    %squeeze3A_440 = vector.shape_cast %slice3A_439 : vector<1x48x384xf32> to vector<48x384xf32>
    %select_n3A_441 = arith.select %gt3A_438, %squeeze3A_440, %select_n3A_432 : vector<48x384xi1>, vector<48x384xf32>
    %jit3A_442 = arith.constant 7 : i32
    %broadcast_in_dim3A_443 = vector.broadcast %jit3A_442 : i32 to vector<48x384xi32>
    %select_n3A_444 = arith.select %gt3A_438, %broadcast_in_dim3A_443, %select_n3A_435 : vector<48x384xi1>, vector<48x384xi32>
    %slice3A_445 = vector.extract_strided_slice %get3A_377 {offsets = [8, 0, 0], sizes = [1, 48, 384], strides = [1, 1, 1]} : vector<19x48x384xf32> to vector<1x48x384xf32>
    %squeeze3A_446 = vector.shape_cast %slice3A_445 : vector<1x48x384xf32> to vector<48x384xf32>
    %gt3A_447 = arith.cmpf ogt, %squeeze3A_446, %select_n3A_441 : vector<48x384xf32>
    %slice3A_448 = vector.extract_strided_slice %get3A_377 {offsets = [8, 0, 0], sizes = [1, 48, 384], strides = [1, 1, 1]} : vector<19x48x384xf32> to vector<1x48x384xf32>
    %squeeze3A_449 = vector.shape_cast %slice3A_448 : vector<1x48x384xf32> to vector<48x384xf32>
    %select_n3A_450 = arith.select %gt3A_447, %squeeze3A_449, %select_n3A_441 : vector<48x384xi1>, vector<48x384xf32>
    %jit3A_451 = arith.constant 8 : i32
    %broadcast_in_dim3A_452 = vector.broadcast %jit3A_451 : i32 to vector<48x384xi32>
    %select_n3A_453 = arith.select %gt3A_447, %broadcast_in_dim3A_452, %select_n3A_444 : vector<48x384xi1>, vector<48x384xi32>
    %slice3A_454 = vector.extract_strided_slice %get3A_377 {offsets = [9, 0, 0], sizes = [1, 48, 384], strides = [1, 1, 1]} : vector<19x48x384xf32> to vector<1x48x384xf32>
    %squeeze3A_455 = vector.shape_cast %slice3A_454 : vector<1x48x384xf32> to vector<48x384xf32>
    %gt3A_456 = arith.cmpf ogt, %squeeze3A_455, %select_n3A_450 : vector<48x384xf32>
    %slice3A_457 = vector.extract_strided_slice %get3A_377 {offsets = [9, 0, 0], sizes = [1, 48, 384], strides = [1, 1, 1]} : vector<19x48x384xf32> to vector<1x48x384xf32>
    %squeeze3A_458 = vector.shape_cast %slice3A_457 : vector<1x48x384xf32> to vector<48x384xf32>
    %select_n3A_459 = arith.select %gt3A_456, %squeeze3A_458, %select_n3A_450 : vector<48x384xi1>, vector<48x384xf32>
    %jit3A_460 = arith.constant 9 : i32
    %broadcast_in_dim3A_461 = vector.broadcast %jit3A_460 : i32 to vector<48x384xi32>
    %select_n3A_462 = arith.select %gt3A_456, %broadcast_in_dim3A_461, %select_n3A_453 : vector<48x384xi1>, vector<48x384xi32>
    %slice3A_463 = vector.extract_strided_slice %get3A_377 {offsets = [10, 0, 0], sizes = [1, 48, 384], strides = [1, 1, 1]} : vector<19x48x384xf32> to vector<1x48x384xf32>
    %squeeze3A_464 = vector.shape_cast %slice3A_463 : vector<1x48x384xf32> to vector<48x384xf32>
    %gt3A_465 = arith.cmpf ogt, %squeeze3A_464, %select_n3A_459 : vector<48x384xf32>
    %slice3A_466 = vector.extract_strided_slice %get3A_377 {offsets = [10, 0, 0], sizes = [1, 48, 384], strides = [1, 1, 1]} : vector<19x48x384xf32> to vector<1x48x384xf32>
    %squeeze3A_467 = vector.shape_cast %slice3A_466 : vector<1x48x384xf32> to vector<48x384xf32>
    %select_n3A_468 = arith.select %gt3A_465, %squeeze3A_467, %select_n3A_459 : vector<48x384xi1>, vector<48x384xf32>
    %jit3A_469 = arith.constant 10 : i32
    %broadcast_in_dim3A_470 = vector.broadcast %jit3A_469 : i32 to vector<48x384xi32>
    %select_n3A_471 = arith.select %gt3A_465, %broadcast_in_dim3A_470, %select_n3A_462 : vector<48x384xi1>, vector<48x384xi32>
    %slice3A_472 = vector.extract_strided_slice %get3A_377 {offsets = [11, 0, 0], sizes = [1, 48, 384], strides = [1, 1, 1]} : vector<19x48x384xf32> to vector<1x48x384xf32>
    %squeeze3A_473 = vector.shape_cast %slice3A_472 : vector<1x48x384xf32> to vector<48x384xf32>
    %gt3A_474 = arith.cmpf ogt, %squeeze3A_473, %select_n3A_468 : vector<48x384xf32>
    %slice3A_475 = vector.extract_strided_slice %get3A_377 {offsets = [11, 0, 0], sizes = [1, 48, 384], strides = [1, 1, 1]} : vector<19x48x384xf32> to vector<1x48x384xf32>
    %squeeze3A_476 = vector.shape_cast %slice3A_475 : vector<1x48x384xf32> to vector<48x384xf32>
    %select_n3A_477 = arith.select %gt3A_474, %squeeze3A_476, %select_n3A_468 : vector<48x384xi1>, vector<48x384xf32>
    %jit3A_478 = arith.constant 11 : i32
    %broadcast_in_dim3A_479 = vector.broadcast %jit3A_478 : i32 to vector<48x384xi32>
    %select_n3A_480 = arith.select %gt3A_474, %broadcast_in_dim3A_479, %select_n3A_471 : vector<48x384xi1>, vector<48x384xi32>
    %slice3A_481 = vector.extract_strided_slice %get3A_377 {offsets = [12, 0, 0], sizes = [1, 48, 384], strides = [1, 1, 1]} : vector<19x48x384xf32> to vector<1x48x384xf32>
    %squeeze3A_482 = vector.shape_cast %slice3A_481 : vector<1x48x384xf32> to vector<48x384xf32>
    %gt3A_483 = arith.cmpf ogt, %squeeze3A_482, %select_n3A_477 : vector<48x384xf32>
    %slice3A_484 = vector.extract_strided_slice %get3A_377 {offsets = [12, 0, 0], sizes = [1, 48, 384], strides = [1, 1, 1]} : vector<19x48x384xf32> to vector<1x48x384xf32>
    %squeeze3A_485 = vector.shape_cast %slice3A_484 : vector<1x48x384xf32> to vector<48x384xf32>
    %select_n3A_486 = arith.select %gt3A_483, %squeeze3A_485, %select_n3A_477 : vector<48x384xi1>, vector<48x384xf32>
    %jit3A_487 = arith.constant 12 : i32
    %broadcast_in_dim3A_488 = vector.broadcast %jit3A_487 : i32 to vector<48x384xi32>
    %select_n3A_489 = arith.select %gt3A_483, %broadcast_in_dim3A_488, %select_n3A_480 : vector<48x384xi1>, vector<48x384xi32>
    %slice3A_490 = vector.extract_strided_slice %get3A_377 {offsets = [13, 0, 0], sizes = [1, 48, 384], strides = [1, 1, 1]} : vector<19x48x384xf32> to vector<1x48x384xf32>
    %squeeze3A_491 = vector.shape_cast %slice3A_490 : vector<1x48x384xf32> to vector<48x384xf32>
    %gt3A_492 = arith.cmpf ogt, %squeeze3A_491, %select_n3A_486 : vector<48x384xf32>
    %slice3A_493 = vector.extract_strided_slice %get3A_377 {offsets = [13, 0, 0], sizes = [1, 48, 384], strides = [1, 1, 1]} : vector<19x48x384xf32> to vector<1x48x384xf32>
    %squeeze3A_494 = vector.shape_cast %slice3A_493 : vector<1x48x384xf32> to vector<48x384xf32>
    %select_n3A_495 = arith.select %gt3A_492, %squeeze3A_494, %select_n3A_486 : vector<48x384xi1>, vector<48x384xf32>
    %jit3A_496 = arith.constant 13 : i32
    %broadcast_in_dim3A_497 = vector.broadcast %jit3A_496 : i32 to vector<48x384xi32>
    %select_n3A_498 = arith.select %gt3A_492, %broadcast_in_dim3A_497, %select_n3A_489 : vector<48x384xi1>, vector<48x384xi32>
    %slice3A_499 = vector.extract_strided_slice %get3A_377 {offsets = [14, 0, 0], sizes = [1, 48, 384], strides = [1, 1, 1]} : vector<19x48x384xf32> to vector<1x48x384xf32>
    %squeeze3A_500 = vector.shape_cast %slice3A_499 : vector<1x48x384xf32> to vector<48x384xf32>
    %gt3A_501 = arith.cmpf ogt, %squeeze3A_500, %select_n3A_495 : vector<48x384xf32>
    %slice3A_502 = vector.extract_strided_slice %get3A_377 {offsets = [14, 0, 0], sizes = [1, 48, 384], strides = [1, 1, 1]} : vector<19x48x384xf32> to vector<1x48x384xf32>
    %squeeze3A_503 = vector.shape_cast %slice3A_502 : vector<1x48x384xf32> to vector<48x384xf32>
    %select_n3A_504 = arith.select %gt3A_501, %squeeze3A_503, %select_n3A_495 : vector<48x384xi1>, vector<48x384xf32>
    %jit3A_505 = arith.constant 14 : i32
    %broadcast_in_dim3A_506 = vector.broadcast %jit3A_505 : i32 to vector<48x384xi32>
    %select_n3A_507 = arith.select %gt3A_501, %broadcast_in_dim3A_506, %select_n3A_498 : vector<48x384xi1>, vector<48x384xi32>
    %slice3A_508 = vector.extract_strided_slice %get3A_377 {offsets = [15, 0, 0], sizes = [1, 48, 384], strides = [1, 1, 1]} : vector<19x48x384xf32> to vector<1x48x384xf32>
    %squeeze3A_509 = vector.shape_cast %slice3A_508 : vector<1x48x384xf32> to vector<48x384xf32>
    %gt3A_510 = arith.cmpf ogt, %squeeze3A_509, %select_n3A_504 : vector<48x384xf32>
    %slice3A_511 = vector.extract_strided_slice %get3A_377 {offsets = [15, 0, 0], sizes = [1, 48, 384], strides = [1, 1, 1]} : vector<19x48x384xf32> to vector<1x48x384xf32>
    %squeeze3A_512 = vector.shape_cast %slice3A_511 : vector<1x48x384xf32> to vector<48x384xf32>
    %select_n3A_513 = arith.select %gt3A_510, %squeeze3A_512, %select_n3A_504 : vector<48x384xi1>, vector<48x384xf32>
    %jit3A_514 = arith.constant 15 : i32
    %broadcast_in_dim3A_515 = vector.broadcast %jit3A_514 : i32 to vector<48x384xi32>
    %select_n3A_516 = arith.select %gt3A_510, %broadcast_in_dim3A_515, %select_n3A_507 : vector<48x384xi1>, vector<48x384xi32>
    %slice3A_517 = vector.extract_strided_slice %get3A_377 {offsets = [16, 0, 0], sizes = [1, 48, 384], strides = [1, 1, 1]} : vector<19x48x384xf32> to vector<1x48x384xf32>
    %squeeze3A_518 = vector.shape_cast %slice3A_517 : vector<1x48x384xf32> to vector<48x384xf32>
    %gt3A_519 = arith.cmpf ogt, %squeeze3A_518, %select_n3A_513 : vector<48x384xf32>
    %slice3A_520 = vector.extract_strided_slice %get3A_377 {offsets = [16, 0, 0], sizes = [1, 48, 384], strides = [1, 1, 1]} : vector<19x48x384xf32> to vector<1x48x384xf32>
    %squeeze3A_521 = vector.shape_cast %slice3A_520 : vector<1x48x384xf32> to vector<48x384xf32>
    %select_n3A_522 = arith.select %gt3A_519, %squeeze3A_521, %select_n3A_513 : vector<48x384xi1>, vector<48x384xf32>
    %jit3A_523 = arith.constant 16 : i32
    %broadcast_in_dim3A_524 = vector.broadcast %jit3A_523 : i32 to vector<48x384xi32>
    %select_n3A_525 = arith.select %gt3A_519, %broadcast_in_dim3A_524, %select_n3A_516 : vector<48x384xi1>, vector<48x384xi32>
    %slice3A_526 = vector.extract_strided_slice %get3A_377 {offsets = [17, 0, 0], sizes = [1, 48, 384], strides = [1, 1, 1]} : vector<19x48x384xf32> to vector<1x48x384xf32>
    %squeeze3A_527 = vector.shape_cast %slice3A_526 : vector<1x48x384xf32> to vector<48x384xf32>
    %gt3A_528 = arith.cmpf ogt, %squeeze3A_527, %select_n3A_522 : vector<48x384xf32>
    %slice3A_529 = vector.extract_strided_slice %get3A_377 {offsets = [17, 0, 0], sizes = [1, 48, 384], strides = [1, 1, 1]} : vector<19x48x384xf32> to vector<1x48x384xf32>
    %squeeze3A_530 = vector.shape_cast %slice3A_529 : vector<1x48x384xf32> to vector<48x384xf32>
    %select_n3A_531 = arith.select %gt3A_528, %squeeze3A_530, %select_n3A_522 : vector<48x384xi1>, vector<48x384xf32>
    %jit3A_532 = arith.constant 17 : i32
    %broadcast_in_dim3A_533 = vector.broadcast %jit3A_532 : i32 to vector<48x384xi32>
    %select_n3A_534 = arith.select %gt3A_528, %broadcast_in_dim3A_533, %select_n3A_525 : vector<48x384xi1>, vector<48x384xi32>
    %slice3A_535 = vector.extract_strided_slice %get3A_377 {offsets = [18, 0, 0], sizes = [1, 48, 384], strides = [1, 1, 1]} : vector<19x48x384xf32> to vector<1x48x384xf32>
    %squeeze3A_536 = vector.shape_cast %slice3A_535 : vector<1x48x384xf32> to vector<48x384xf32>
    %gt3A_537 = arith.cmpf ogt, %squeeze3A_536, %select_n3A_531 : vector<48x384xf32>
    %jit3A_538 = arith.constant 18 : i32
    %broadcast_in_dim3A_539 = vector.broadcast %jit3A_538 : i32 to vector<48x384xi32>
    %select_n3A_540 = arith.select %gt3A_537, %broadcast_in_dim3A_539, %select_n3A_534 : vector<48x384xi1>, vector<48x384xi32>
    %swap3A_541 = arith.constant 96 : index
    %swap3A_542 = arith.constant 0 : index
    %swap3A_543 = vector.load %arg8[%swap3A_541, %swap3A_542] : memref<384x384xi32, #tpu.memory_space<vmem>>, vector<48x384xi32>
    tpu.vector_store %arg8[%swap3A_541, %swap3A_542], %select_n3A_540 {strides = array<i32>} : memref<384x384xi32, #tpu.memory_space<vmem>>, vector<48x384xi32>,
    %dma_start3A_544 = arith.constant 0 : i32
    %dma_start3A_545 = arith.constant 96 : i32
    %dma_start3A_546 = arith.constant 0 : i32
    %dma_start3A_547 = tpu.memref_slice %arg5[%dma_start3A_544, %dma_start3A_545, %dma_start3A_546] : memref<19x384x384xf32, #tpu.memory_space<any>> -> memref<19x48x384xf32, #tpu.memory_space<any>>
    tpu.enqueue_dma source(%arg12 : memref<19x48x384xf32, #tpu.memory_space<vmem>>) target(%dma_start3A_547 : memref<19x48x384xf32, #tpu.memory_space<any>>) target_semaphore(%arg16 : memref<!tpu.dma_semaphore, #tpu.memory_space<semaphore_mem>>)
    %dma_wait3A_548 = arith.constant 0 : i32
    %dma_wait3A_549 = arith.constant 96 : i32
    %dma_wait3A_550 = arith.constant 0 : i32
    %dma_wait3A_551 = tpu.memref_slice %arg5[%dma_wait3A_548, %dma_wait3A_549, %dma_wait3A_550] : memref<19x384x384xf32, #tpu.memory_space<any>> -> memref<19x48x384xf32, #tpu.memory_space<any>>
    tpu.wait_dma2 semaphore(%arg16 : memref<!tpu.dma_semaphore, #tpu.memory_space<semaphore_mem>>) src(%arg12 : memref<19x48x384xf32, #tpu.memory_space<vmem>>) dst(%dma_wait3A_551 : memref<19x48x384xf32, #tpu.memory_space<any>>)
    %dma_start3A_552 = arith.constant 0 : i32
    %dma_start3A_553 = arith.constant 192 : i32
    %dma_start3A_554 = arith.constant 0 : i32
    %dma_start3A_555 = tpu.memref_slice %arg0[%dma_start3A_552, %dma_start3A_553, %dma_start3A_554] : memref<19x384x384xf32, #tpu.memory_space<any>> -> memref<19x48x384xf32, #tpu.memory_space<any>>
    tpu.enqueue_dma source(%dma_start3A_555 : memref<19x48x384xf32, #tpu.memory_space<any>>) target(%arg12 : memref<19x48x384xf32, #tpu.memory_space<vmem>>) target_semaphore(%arg14 : memref<!tpu.dma_semaphore, #tpu.memory_space<semaphore_mem>>)
    %dma_wait3A_556 = arith.constant 0 : i32
    %dma_wait3A_557 = arith.constant 144 : i32
    %dma_wait3A_558 = arith.constant 0 : i32
    %dma_wait3A_559 = tpu.memref_slice %arg0[%dma_wait3A_556, %dma_wait3A_557, %dma_wait3A_558] : memref<19x384x384xf32, #tpu.memory_space<any>> -> memref<19x48x384xf32, #tpu.memory_space<any>>
    tpu.wait_dma2 semaphore(%arg15 : memref<!tpu.dma_semaphore, #tpu.memory_space<semaphore_mem>>) src(%dma_wait3A_559 : memref<19x48x384xf32, #tpu.memory_space<any>>) dst(%arg13 : memref<19x48x384xf32, #tpu.memory_space<vmem>>)
    %get3A_560 = arith.constant 0 : index
    %get3A_561 = arith.constant 0 : index
    %get3A_562 = arith.constant 0 : index
    %get3A_563 = vector.load %arg13[%get3A_560, %get3A_561, %get3A_562] : memref<19x48x384xf32, #tpu.memory_space<vmem>>, vector<19x48x384xf32>
    %slice3A_564 = vector.extract_strided_slice %get3A_563 {offsets = [0, 0, 0], sizes = [1, 48, 384], strides = [1, 1, 1]} : vector<19x48x384xf32> to vector<1x48x384xf32>
    %squeeze3A_565 = vector.shape_cast %slice3A_564 : vector<1x48x384xf32> to vector<48x384xf32>
    %broadcast_in_dim3A_566 = arith.constant 0 : i32
    %broadcast_in_dim3A_567 = vector.broadcast %broadcast_in_dim3A_566 : i32 to vector<48x384xi32>
    %slice3A_568 = vector.extract_strided_slice %get3A_563 {offsets = [1, 0, 0], sizes = [1, 48, 384], strides = [1, 1, 1]} : vector<19x48x384xf32> to vector<1x48x384xf32>
    %squeeze3A_569 = vector.shape_cast %slice3A_568 : vector<1x48x384xf32> to vector<48x384xf32>
    %gt3A_570 = arith.cmpf ogt, %squeeze3A_569, %squeeze3A_565 : vector<48x384xf32>
    %slice3A_571 = vector.extract_strided_slice %get3A_563 {offsets = [1, 0, 0], sizes = [1, 48, 384], strides = [1, 1, 1]} : vector<19x48x384xf32> to vector<1x48x384xf32>
    %squeeze3A_572 = vector.shape_cast %slice3A_571 : vector<1x48x384xf32> to vector<48x384xf32>
    %select_n3A_573 = arith.select %gt3A_570, %squeeze3A_572, %squeeze3A_565 : vector<48x384xi1>, vector<48x384xf32>
    %jit3A_574 = arith.constant 1 : i32
    %broadcast_in_dim3A_575 = vector.broadcast %jit3A_574 : i32 to vector<48x384xi32>
    %select_n3A_576 = arith.select %gt3A_570, %broadcast_in_dim3A_575, %broadcast_in_dim3A_567 : vector<48x384xi1>, vector<48x384xi32>
    %slice3A_577 = vector.extract_strided_slice %get3A_563 {offsets = [2, 0, 0], sizes = [1, 48, 384], strides = [1, 1, 1]} : vector<19x48x384xf32> to vector<1x48x384xf32>
    %squeeze3A_578 = vector.shape_cast %slice3A_577 : vector<1x48x384xf32> to vector<48x384xf32>
    %gt3A_579 = arith.cmpf ogt, %squeeze3A_578, %select_n3A_573 : vector<48x384xf32>
    %slice3A_580 = vector.extract_strided_slice %get3A_563 {offsets = [2, 0, 0], sizes = [1, 48, 384], strides = [1, 1, 1]} : vector<19x48x384xf32> to vector<1x48x384xf32>
    %squeeze3A_581 = vector.shape_cast %slice3A_580 : vector<1x48x384xf32> to vector<48x384xf32>
    %select_n3A_582 = arith.select %gt3A_579, %squeeze3A_581, %select_n3A_573 : vector<48x384xi1>, vector<48x384xf32>
    %jit3A_583 = arith.constant 2 : i32
    %broadcast_in_dim3A_584 = vector.broadcast %jit3A_583 : i32 to vector<48x384xi32>
    %select_n3A_585 = arith.select %gt3A_579, %broadcast_in_dim3A_584, %select_n3A_576 : vector<48x384xi1>, vector<48x384xi32>
    %slice3A_586 = vector.extract_strided_slice %get3A_563 {offsets = [3, 0, 0], sizes = [1, 48, 384], strides = [1, 1, 1]} : vector<19x48x384xf32> to vector<1x48x384xf32>
    %squeeze3A_587 = vector.shape_cast %slice3A_586 : vector<1x48x384xf32> to vector<48x384xf32>
    %gt3A_588 = arith.cmpf ogt, %squeeze3A_587, %select_n3A_582 : vector<48x384xf32>
    %slice3A_589 = vector.extract_strided_slice %get3A_563 {offsets = [3, 0, 0], sizes = [1, 48, 384], strides = [1, 1, 1]} : vector<19x48x384xf32> to vector<1x48x384xf32>
    %squeeze3A_590 = vector.shape_cast %slice3A_589 : vector<1x48x384xf32> to vector<48x384xf32>
    %select_n3A_591 = arith.select %gt3A_588, %squeeze3A_590, %select_n3A_582 : vector<48x384xi1>, vector<48x384xf32>
    %jit3A_592 = arith.constant 3 : i32
    %broadcast_in_dim3A_593 = vector.broadcast %jit3A_592 : i32 to vector<48x384xi32>
    %select_n3A_594 = arith.select %gt3A_588, %broadcast_in_dim3A_593, %select_n3A_585 : vector<48x384xi1>, vector<48x384xi32>
    %slice3A_595 = vector.extract_strided_slice %get3A_563 {offsets = [4, 0, 0], sizes = [1, 48, 384], strides = [1, 1, 1]} : vector<19x48x384xf32> to vector<1x48x384xf32>
    %squeeze3A_596 = vector.shape_cast %slice3A_595 : vector<1x48x384xf32> to vector<48x384xf32>
    %gt3A_597 = arith.cmpf ogt, %squeeze3A_596, %select_n3A_591 : vector<48x384xf32>
    %slice3A_598 = vector.extract_strided_slice %get3A_563 {offsets = [4, 0, 0], sizes = [1, 48, 384], strides = [1, 1, 1]} : vector<19x48x384xf32> to vector<1x48x384xf32>
    %squeeze3A_599 = vector.shape_cast %slice3A_598 : vector<1x48x384xf32> to vector<48x384xf32>
    %select_n3A_600 = arith.select %gt3A_597, %squeeze3A_599, %select_n3A_591 : vector<48x384xi1>, vector<48x384xf32>
    %jit3A_601 = arith.constant 4 : i32
    %broadcast_in_dim3A_602 = vector.broadcast %jit3A_601 : i32 to vector<48x384xi32>
    %select_n3A_603 = arith.select %gt3A_597, %broadcast_in_dim3A_602, %select_n3A_594 : vector<48x384xi1>, vector<48x384xi32>
    %slice3A_604 = vector.extract_strided_slice %get3A_563 {offsets = [5, 0, 0], sizes = [1, 48, 384], strides = [1, 1, 1]} : vector<19x48x384xf32> to vector<1x48x384xf32>
    %squeeze3A_605 = vector.shape_cast %slice3A_604 : vector<1x48x384xf32> to vector<48x384xf32>
    %gt3A_606 = arith.cmpf ogt, %squeeze3A_605, %select_n3A_600 : vector<48x384xf32>
    %slice3A_607 = vector.extract_strided_slice %get3A_563 {offsets = [5, 0, 0], sizes = [1, 48, 384], strides = [1, 1, 1]} : vector<19x48x384xf32> to vector<1x48x384xf32>
    %squeeze3A_608 = vector.shape_cast %slice3A_607 : vector<1x48x384xf32> to vector<48x384xf32>
    %select_n3A_609 = arith.select %gt3A_606, %squeeze3A_608, %select_n3A_600 : vector<48x384xi1>, vector<48x384xf32>
    %jit3A_610 = arith.constant 5 : i32
    %broadcast_in_dim3A_611 = vector.broadcast %jit3A_610 : i32 to vector<48x384xi32>
    %select_n3A_612 = arith.select %gt3A_606, %broadcast_in_dim3A_611, %select_n3A_603 : vector<48x384xi1>, vector<48x384xi32>
    %slice3A_613 = vector.extract_strided_slice %get3A_563 {offsets = [6, 0, 0], sizes = [1, 48, 384], strides = [1, 1, 1]} : vector<19x48x384xf32> to vector<1x48x384xf32>
    %squeeze3A_614 = vector.shape_cast %slice3A_613 : vector<1x48x384xf32> to vector<48x384xf32>
    %gt3A_615 = arith.cmpf ogt, %squeeze3A_614, %select_n3A_609 : vector<48x384xf32>
    %slice3A_616 = vector.extract_strided_slice %get3A_563 {offsets = [6, 0, 0], sizes = [1, 48, 384], strides = [1, 1, 1]} : vector<19x48x384xf32> to vector<1x48x384xf32>
    %squeeze3A_617 = vector.shape_cast %slice3A_616 : vector<1x48x384xf32> to vector<48x384xf32>
    %select_n3A_618 = arith.select %gt3A_615, %squeeze3A_617, %select_n3A_609 : vector<48x384xi1>, vector<48x384xf32>
    %jit3A_619 = arith.constant 6 : i32
    %broadcast_in_dim3A_620 = vector.broadcast %jit3A_619 : i32 to vector<48x384xi32>
    %select_n3A_621 = arith.select %gt3A_615, %broadcast_in_dim3A_620, %select_n3A_612 : vector<48x384xi1>, vector<48x384xi32>
    %slice3A_622 = vector.extract_strided_slice %get3A_563 {offsets = [7, 0, 0], sizes = [1, 48, 384], strides = [1, 1, 1]} : vector<19x48x384xf32> to vector<1x48x384xf32>
    %squeeze3A_623 = vector.shape_cast %slice3A_622 : vector<1x48x384xf32> to vector<48x384xf32>
    %gt3A_624 = arith.cmpf ogt, %squeeze3A_623, %select_n3A_618 : vector<48x384xf32>
    %slice3A_625 = vector.extract_strided_slice %get3A_563 {offsets = [7, 0, 0], sizes = [1, 48, 384], strides = [1, 1, 1]} : vector<19x48x384xf32> to vector<1x48x384xf32>
    %squeeze3A_626 = vector.shape_cast %slice3A_625 : vector<1x48x384xf32> to vector<48x384xf32>
    %select_n3A_627 = arith.select %gt3A_624, %squeeze3A_626, %select_n3A_618 : vector<48x384xi1>, vector<48x384xf32>
    %jit3A_628 = arith.constant 7 : i32
    %broadcast_in_dim3A_629 = vector.broadcast %jit3A_628 : i32 to vector<48x384xi32>
    %select_n3A_630 = arith.select %gt3A_624, %broadcast_in_dim3A_629, %select_n3A_621 : vector<48x384xi1>, vector<48x384xi32>
    %slice3A_631 = vector.extract_strided_slice %get3A_563 {offsets = [8, 0, 0], sizes = [1, 48, 384], strides = [1, 1, 1]} : vector<19x48x384xf32> to vector<1x48x384xf32>
    %squeeze3A_632 = vector.shape_cast %slice3A_631 : vector<1x48x384xf32> to vector<48x384xf32>
    %gt3A_633 = arith.cmpf ogt, %squeeze3A_632, %select_n3A_627 : vector<48x384xf32>
    %slice3A_634 = vector.extract_strided_slice %get3A_563 {offsets = [8, 0, 0], sizes = [1, 48, 384], strides = [1, 1, 1]} : vector<19x48x384xf32> to vector<1x48x384xf32>
    %squeeze3A_635 = vector.shape_cast %slice3A_634 : vector<1x48x384xf32> to vector<48x384xf32>
    %select_n3A_636 = arith.select %gt3A_633, %squeeze3A_635, %select_n3A_627 : vector<48x384xi1>, vector<48x384xf32>
    %jit3A_637 = arith.constant 8 : i32
    %broadcast_in_dim3A_638 = vector.broadcast %jit3A_637 : i32 to vector<48x384xi32>
    %select_n3A_639 = arith.select %gt3A_633, %broadcast_in_dim3A_638, %select_n3A_630 : vector<48x384xi1>, vector<48x384xi32>
    %slice3A_640 = vector.extract_strided_slice %get3A_563 {offsets = [9, 0, 0], sizes = [1, 48, 384], strides = [1, 1, 1]} : vector<19x48x384xf32> to vector<1x48x384xf32>
    %squeeze3A_641 = vector.shape_cast %slice3A_640 : vector<1x48x384xf32> to vector<48x384xf32>
    %gt3A_642 = arith.cmpf ogt, %squeeze3A_641, %select_n3A_636 : vector<48x384xf32>
    %slice3A_643 = vector.extract_strided_slice %get3A_563 {offsets = [9, 0, 0], sizes = [1, 48, 384], strides = [1, 1, 1]} : vector<19x48x384xf32> to vector<1x48x384xf32>
    %squeeze3A_644 = vector.shape_cast %slice3A_643 : vector<1x48x384xf32> to vector<48x384xf32>
    %select_n3A_645 = arith.select %gt3A_642, %squeeze3A_644, %select_n3A_636 : vector<48x384xi1>, vector<48x384xf32>
    %jit3A_646 = arith.constant 9 : i32
    %broadcast_in_dim3A_647 = vector.broadcast %jit3A_646 : i32 to vector<48x384xi32>
    %select_n3A_648 = arith.select %gt3A_642, %broadcast_in_dim3A_647, %select_n3A_639 : vector<48x384xi1>, vector<48x384xi32>
    %slice3A_649 = vector.extract_strided_slice %get3A_563 {offsets = [10, 0, 0], sizes = [1, 48, 384], strides = [1, 1, 1]} : vector<19x48x384xf32> to vector<1x48x384xf32>
    %squeeze3A_650 = vector.shape_cast %slice3A_649 : vector<1x48x384xf32> to vector<48x384xf32>
    %gt3A_651 = arith.cmpf ogt, %squeeze3A_650, %select_n3A_645 : vector<48x384xf32>
    %slice3A_652 = vector.extract_strided_slice %get3A_563 {offsets = [10, 0, 0], sizes = [1, 48, 384], strides = [1, 1, 1]} : vector<19x48x384xf32> to vector<1x48x384xf32>
    %squeeze3A_653 = vector.shape_cast %slice3A_652 : vector<1x48x384xf32> to vector<48x384xf32>
    %select_n3A_654 = arith.select %gt3A_651, %squeeze3A_653, %select_n3A_645 : vector<48x384xi1>, vector<48x384xf32>
    %jit3A_655 = arith.constant 10 : i32
    %broadcast_in_dim3A_656 = vector.broadcast %jit3A_655 : i32 to vector<48x384xi32>
    %select_n3A_657 = arith.select %gt3A_651, %broadcast_in_dim3A_656, %select_n3A_648 : vector<48x384xi1>, vector<48x384xi32>
    %slice3A_658 = vector.extract_strided_slice %get3A_563 {offsets = [11, 0, 0], sizes = [1, 48, 384], strides = [1, 1, 1]} : vector<19x48x384xf32> to vector<1x48x384xf32>
    %squeeze3A_659 = vector.shape_cast %slice3A_658 : vector<1x48x384xf32> to vector<48x384xf32>
    %gt3A_660 = arith.cmpf ogt, %squeeze3A_659, %select_n3A_654 : vector<48x384xf32>
    %slice3A_661 = vector.extract_strided_slice %get3A_563 {offsets = [11, 0, 0], sizes = [1, 48, 384], strides = [1, 1, 1]} : vector<19x48x384xf32> to vector<1x48x384xf32>
    %squeeze3A_662 = vector.shape_cast %slice3A_661 : vector<1x48x384xf32> to vector<48x384xf32>
    %select_n3A_663 = arith.select %gt3A_660, %squeeze3A_662, %select_n3A_654 : vector<48x384xi1>, vector<48x384xf32>
    %jit3A_664 = arith.constant 11 : i32
    %broadcast_in_dim3A_665 = vector.broadcast %jit3A_664 : i32 to vector<48x384xi32>
    %select_n3A_666 = arith.select %gt3A_660, %broadcast_in_dim3A_665, %select_n3A_657 : vector<48x384xi1>, vector<48x384xi32>
    %slice3A_667 = vector.extract_strided_slice %get3A_563 {offsets = [12, 0, 0], sizes = [1, 48, 384], strides = [1, 1, 1]} : vector<19x48x384xf32> to vector<1x48x384xf32>
    %squeeze3A_668 = vector.shape_cast %slice3A_667 : vector<1x48x384xf32> to vector<48x384xf32>
    %gt3A_669 = arith.cmpf ogt, %squeeze3A_668, %select_n3A_663 : vector<48x384xf32>
    %slice3A_670 = vector.extract_strided_slice %get3A_563 {offsets = [12, 0, 0], sizes = [1, 48, 384], strides = [1, 1, 1]} : vector<19x48x384xf32> to vector<1x48x384xf32>
    %squeeze3A_671 = vector.shape_cast %slice3A_670 : vector<1x48x384xf32> to vector<48x384xf32>
    %select_n3A_672 = arith.select %gt3A_669, %squeeze3A_671, %select_n3A_663 : vector<48x384xi1>, vector<48x384xf32>
    %jit3A_673 = arith.constant 12 : i32
    %broadcast_in_dim3A_674 = vector.broadcast %jit3A_673 : i32 to vector<48x384xi32>
    %select_n3A_675 = arith.select %gt3A_669, %broadcast_in_dim3A_674, %select_n3A_666 : vector<48x384xi1>, vector<48x384xi32>
    %slice3A_676 = vector.extract_strided_slice %get3A_563 {offsets = [13, 0, 0], sizes = [1, 48, 384], strides = [1, 1, 1]} : vector<19x48x384xf32> to vector<1x48x384xf32>
    %squeeze3A_677 = vector.shape_cast %slice3A_676 : vector<1x48x384xf32> to vector<48x384xf32>
    %gt3A_678 = arith.cmpf ogt, %squeeze3A_677, %select_n3A_672 : vector<48x384xf32>
    %slice3A_679 = vector.extract_strided_slice %get3A_563 {offsets = [13, 0, 0], sizes = [1, 48, 384], strides = [1, 1, 1]} : vector<19x48x384xf32> to vector<1x48x384xf32>
    %squeeze3A_680 = vector.shape_cast %slice3A_679 : vector<1x48x384xf32> to vector<48x384xf32>
    %select_n3A_681 = arith.select %gt3A_678, %squeeze3A_680, %select_n3A_672 : vector<48x384xi1>, vector<48x384xf32>
    %jit3A_682 = arith.constant 13 : i32
    %broadcast_in_dim3A_683 = vector.broadcast %jit3A_682 : i32 to vector<48x384xi32>
    %select_n3A_684 = arith.select %gt3A_678, %broadcast_in_dim3A_683, %select_n3A_675 : vector<48x384xi1>, vector<48x384xi32>
    %slice3A_685 = vector.extract_strided_slice %get3A_563 {offsets = [14, 0, 0], sizes = [1, 48, 384], strides = [1, 1, 1]} : vector<19x48x384xf32> to vector<1x48x384xf32>
    %squeeze3A_686 = vector.shape_cast %slice3A_685 : vector<1x48x384xf32> to vector<48x384xf32>
    %gt3A_687 = arith.cmpf ogt, %squeeze3A_686, %select_n3A_681 : vector<48x384xf32>
    %slice3A_688 = vector.extract_strided_slice %get3A_563 {offsets = [14, 0, 0], sizes = [1, 48, 384], strides = [1, 1, 1]} : vector<19x48x384xf32> to vector<1x48x384xf32>
    %squeeze3A_689 = vector.shape_cast %slice3A_688 : vector<1x48x384xf32> to vector<48x384xf32>
    %select_n3A_690 = arith.select %gt3A_687, %squeeze3A_689, %select_n3A_681 : vector<48x384xi1>, vector<48x384xf32>
    %jit3A_691 = arith.constant 14 : i32
    %broadcast_in_dim3A_692 = vector.broadcast %jit3A_691 : i32 to vector<48x384xi32>
    %select_n3A_693 = arith.select %gt3A_687, %broadcast_in_dim3A_692, %select_n3A_684 : vector<48x384xi1>, vector<48x384xi32>
    %slice3A_694 = vector.extract_strided_slice %get3A_563 {offsets = [15, 0, 0], sizes = [1, 48, 384], strides = [1, 1, 1]} : vector<19x48x384xf32> to vector<1x48x384xf32>
    %squeeze3A_695 = vector.shape_cast %slice3A_694 : vector<1x48x384xf32> to vector<48x384xf32>
    %gt3A_696 = arith.cmpf ogt, %squeeze3A_695, %select_n3A_690 : vector<48x384xf32>
    %slice3A_697 = vector.extract_strided_slice %get3A_563 {offsets = [15, 0, 0], sizes = [1, 48, 384], strides = [1, 1, 1]} : vector<19x48x384xf32> to vector<1x48x384xf32>
    %squeeze3A_698 = vector.shape_cast %slice3A_697 : vector<1x48x384xf32> to vector<48x384xf32>
    %select_n3A_699 = arith.select %gt3A_696, %squeeze3A_698, %select_n3A_690 : vector<48x384xi1>, vector<48x384xf32>
    %jit3A_700 = arith.constant 15 : i32
    %broadcast_in_dim3A_701 = vector.broadcast %jit3A_700 : i32 to vector<48x384xi32>
    %select_n3A_702 = arith.select %gt3A_696, %broadcast_in_dim3A_701, %select_n3A_693 : vector<48x384xi1>, vector<48x384xi32>
    %slice3A_703 = vector.extract_strided_slice %get3A_563 {offsets = [16, 0, 0], sizes = [1, 48, 384], strides = [1, 1, 1]} : vector<19x48x384xf32> to vector<1x48x384xf32>
    %squeeze3A_704 = vector.shape_cast %slice3A_703 : vector<1x48x384xf32> to vector<48x384xf32>
    %gt3A_705 = arith.cmpf ogt, %squeeze3A_704, %select_n3A_699 : vector<48x384xf32>
    %slice3A_706 = vector.extract_strided_slice %get3A_563 {offsets = [16, 0, 0], sizes = [1, 48, 384], strides = [1, 1, 1]} : vector<19x48x384xf32> to vector<1x48x384xf32>
    %squeeze3A_707 = vector.shape_cast %slice3A_706 : vector<1x48x384xf32> to vector<48x384xf32>
    %select_n3A_708 = arith.select %gt3A_705, %squeeze3A_707, %select_n3A_699 : vector<48x384xi1>, vector<48x384xf32>
    %jit3A_709 = arith.constant 16 : i32
    %broadcast_in_dim3A_710 = vector.broadcast %jit3A_709 : i32 to vector<48x384xi32>
    %select_n3A_711 = arith.select %gt3A_705, %broadcast_in_dim3A_710, %select_n3A_702 : vector<48x384xi1>, vector<48x384xi32>
    %slice3A_712 = vector.extract_strided_slice %get3A_563 {offsets = [17, 0, 0], sizes = [1, 48, 384], strides = [1, 1, 1]} : vector<19x48x384xf32> to vector<1x48x384xf32>
    %squeeze3A_713 = vector.shape_cast %slice3A_712 : vector<1x48x384xf32> to vector<48x384xf32>
    %gt3A_714 = arith.cmpf ogt, %squeeze3A_713, %select_n3A_708 : vector<48x384xf32>
    %slice3A_715 = vector.extract_strided_slice %get3A_563 {offsets = [17, 0, 0], sizes = [1, 48, 384], strides = [1, 1, 1]} : vector<19x48x384xf32> to vector<1x48x384xf32>
    %squeeze3A_716 = vector.shape_cast %slice3A_715 : vector<1x48x384xf32> to vector<48x384xf32>
    %select_n3A_717 = arith.select %gt3A_714, %squeeze3A_716, %select_n3A_708 : vector<48x384xi1>, vector<48x384xf32>
    %jit3A_718 = arith.constant 17 : i32
    %broadcast_in_dim3A_719 = vector.broadcast %jit3A_718 : i32 to vector<48x384xi32>
    %select_n3A_720 = arith.select %gt3A_714, %broadcast_in_dim3A_719, %select_n3A_711 : vector<48x384xi1>, vector<48x384xi32>
    %slice3A_721 = vector.extract_strided_slice %get3A_563 {offsets = [18, 0, 0], sizes = [1, 48, 384], strides = [1, 1, 1]} : vector<19x48x384xf32> to vector<1x48x384xf32>
    %squeeze3A_722 = vector.shape_cast %slice3A_721 : vector<1x48x384xf32> to vector<48x384xf32>
    %gt3A_723 = arith.cmpf ogt, %squeeze3A_722, %select_n3A_717 : vector<48x384xf32>
    %jit3A_724 = arith.constant 18 : i32
    %broadcast_in_dim3A_725 = vector.broadcast %jit3A_724 : i32 to vector<48x384xi32>
    %select_n3A_726 = arith.select %gt3A_723, %broadcast_in_dim3A_725, %select_n3A_720 : vector<48x384xi1>, vector<48x384xi32>
    %swap3A_727 = arith.constant 144 : index
    %swap3A_728 = arith.constant 0 : index
    %swap3A_729 = vector.load %arg8[%swap3A_727, %swap3A_728] : memref<384x384xi32, #tpu.memory_space<vmem>>, vector<48x384xi32>
    tpu.vector_store %arg8[%swap3A_727, %swap3A_728], %select_n3A_726 {strides = array<i32>} : memref<384x384xi32, #tpu.memory_space<vmem>>, vector<48x384xi32>,
    %dma_start3A_730 = arith.constant 0 : i32
    %dma_start3A_731 = arith.constant 144 : i32
    %dma_start3A_732 = arith.constant 0 : i32
    %dma_start3A_733 = tpu.memref_slice %arg5[%dma_start3A_730, %dma_start3A_731, %dma_start3A_732] : memref<19x384x384xf32, #tpu.memory_space<any>> -> memref<19x48x384xf32, #tpu.memory_space<any>>
    tpu.enqueue_dma source(%arg13 : memref<19x48x384xf32, #tpu.memory_space<vmem>>) target(%dma_start3A_733 : memref<19x48x384xf32, #tpu.memory_space<any>>) target_semaphore(%arg17 : memref<!tpu.dma_semaphore, #tpu.memory_space<semaphore_mem>>)
    %dma_wait3A_734 = arith.constant 0 : i32
    %dma_wait3A_735 = arith.constant 144 : i32
    %dma_wait3A_736 = arith.constant 0 : i32
    %dma_wait3A_737 = tpu.memref_slice %arg5[%dma_wait3A_734, %dma_wait3A_735, %dma_wait3A_736] : memref<19x384x384xf32, #tpu.memory_space<any>> -> memref<19x48x384xf32, #tpu.memory_space<any>>
    tpu.wait_dma2 semaphore(%arg17 : memref<!tpu.dma_semaphore, #tpu.memory_space<semaphore_mem>>) src(%arg13 : memref<19x48x384xf32, #tpu.memory_space<vmem>>) dst(%dma_wait3A_737 : memref<19x48x384xf32, #tpu.memory_space<any>>)
    %dma_start3A_738 = arith.constant 0 : i32
    %dma_start3A_739 = arith.constant 240 : i32
    %dma_start3A_740 = arith.constant 0 : i32
    %dma_start3A_741 = tpu.memref_slice %arg0[%dma_start3A_738, %dma_start3A_739, %dma_start3A_740] : memref<19x384x384xf32, #tpu.memory_space<any>> -> memref<19x48x384xf32, #tpu.memory_space<any>>
    tpu.enqueue_dma source(%dma_start3A_741 : memref<19x48x384xf32, #tpu.memory_space<any>>) target(%arg13 : memref<19x48x384xf32, #tpu.memory_space<vmem>>) target_semaphore(%arg15 : memref<!tpu.dma_semaphore, #tpu.memory_space<semaphore_mem>>)
    %dma_wait3A_742 = arith.constant 0 : i32
    %dma_wait3A_743 = arith.constant 192 : i32
    %dma_wait3A_744 = arith.constant 0 : i32
    %dma_wait3A_745 = tpu.memref_slice %arg0[%dma_wait3A_742, %dma_wait3A_743, %dma_wait3A_744] : memref<19x384x384xf32, #tpu.memory_space<any>> -> memref<19x48x384xf32, #tpu.memory_space<any>>
    tpu.wait_dma2 semaphore(%arg14 : memref<!tpu.dma_semaphore, #tpu.memory_space<semaphore_mem>>) src(%dma_wait3A_745 : memref<19x48x384xf32, #tpu.memory_space<any>>) dst(%arg12 : memref<19x48x384xf32, #tpu.memory_space<vmem>>)
    %get3A_746 = arith.constant 0 : index
    %get3A_747 = arith.constant 0 : index
    %get3A_748 = arith.constant 0 : index
    %get3A_749 = vector.load %arg12[%get3A_746, %get3A_747, %get3A_748] : memref<19x48x384xf32, #tpu.memory_space<vmem>>, vector<19x48x384xf32>
    %slice3A_750 = vector.extract_strided_slice %get3A_749 {offsets = [0, 0, 0], sizes = [1, 48, 384], strides = [1, 1, 1]} : vector<19x48x384xf32> to vector<1x48x384xf32>
    %squeeze3A_751 = vector.shape_cast %slice3A_750 : vector<1x48x384xf32> to vector<48x384xf32>
    %broadcast_in_dim3A_752 = arith.constant 0 : i32
    %broadcast_in_dim3A_753 = vector.broadcast %broadcast_in_dim3A_752 : i32 to vector<48x384xi32>
    %slice3A_754 = vector.extract_strided_slice %get3A_749 {offsets = [1, 0, 0], sizes = [1, 48, 384], strides = [1, 1, 1]} : vector<19x48x384xf32> to vector<1x48x384xf32>
    %squeeze3A_755 = vector.shape_cast %slice3A_754 : vector<1x48x384xf32> to vector<48x384xf32>
    %gt3A_756 = arith.cmpf ogt, %squeeze3A_755, %squeeze3A_751 : vector<48x384xf32>
    %slice3A_757 = vector.extract_strided_slice %get3A_749 {offsets = [1, 0, 0], sizes = [1, 48, 384], strides = [1, 1, 1]} : vector<19x48x384xf32> to vector<1x48x384xf32>
    %squeeze3A_758 = vector.shape_cast %slice3A_757 : vector<1x48x384xf32> to vector<48x384xf32>
    %select_n3A_759 = arith.select %gt3A_756, %squeeze3A_758, %squeeze3A_751 : vector<48x384xi1>, vector<48x384xf32>
    %jit3A_760 = arith.constant 1 : i32
    %broadcast_in_dim3A_761 = vector.broadcast %jit3A_760 : i32 to vector<48x384xi32>
    %select_n3A_762 = arith.select %gt3A_756, %broadcast_in_dim3A_761, %broadcast_in_dim3A_753 : vector<48x384xi1>, vector<48x384xi32>
    %slice3A_763 = vector.extract_strided_slice %get3A_749 {offsets = [2, 0, 0], sizes = [1, 48, 384], strides = [1, 1, 1]} : vector<19x48x384xf32> to vector<1x48x384xf32>
    %squeeze3A_764 = vector.shape_cast %slice3A_763 : vector<1x48x384xf32> to vector<48x384xf32>
    %gt3A_765 = arith.cmpf ogt, %squeeze3A_764, %select_n3A_759 : vector<48x384xf32>
    %slice3A_766 = vector.extract_strided_slice %get3A_749 {offsets = [2, 0, 0], sizes = [1, 48, 384], strides = [1, 1, 1]} : vector<19x48x384xf32> to vector<1x48x384xf32>
    %squeeze3A_767 = vector.shape_cast %slice3A_766 : vector<1x48x384xf32> to vector<48x384xf32>
    %select_n3A_768 = arith.select %gt3A_765, %squeeze3A_767, %select_n3A_759 : vector<48x384xi1>, vector<48x384xf32>
    %jit3A_769 = arith.constant 2 : i32
    %broadcast_in_dim3A_770 = vector.broadcast %jit3A_769 : i32 to vector<48x384xi32>
    %select_n3A_771 = arith.select %gt3A_765, %broadcast_in_dim3A_770, %select_n3A_762 : vector<48x384xi1>, vector<48x384xi32>
    %slice3A_772 = vector.extract_strided_slice %get3A_749 {offsets = [3, 0, 0], sizes = [1, 48, 384], strides = [1, 1, 1]} : vector<19x48x384xf32> to vector<1x48x384xf32>
    %squeeze3A_773 = vector.shape_cast %slice3A_772 : vector<1x48x384xf32> to vector<48x384xf32>
    %gt3A_774 = arith.cmpf ogt, %squeeze3A_773, %select_n3A_768 : vector<48x384xf32>
    %slice3A_775 = vector.extract_strided_slice %get3A_749 {offsets = [3, 0, 0], sizes = [1, 48, 384], strides = [1, 1, 1]} : vector<19x48x384xf32> to vector<1x48x384xf32>
    %squeeze3A_776 = vector.shape_cast %slice3A_775 : vector<1x48x384xf32> to vector<48x384xf32>
    %select_n3A_777 = arith.select %gt3A_774, %squeeze3A_776, %select_n3A_768 : vector<48x384xi1>, vector<48x384xf32>
    %jit3A_778 = arith.constant 3 : i32
    %broadcast_in_dim3A_779 = vector.broadcast %jit3A_778 : i32 to vector<48x384xi32>
    %select_n3A_780 = arith.select %gt3A_774, %broadcast_in_dim3A_779, %select_n3A_771 : vector<48x384xi1>, vector<48x384xi32>
    %slice3A_781 = vector.extract_strided_slice %get3A_749 {offsets = [4, 0, 0], sizes = [1, 48, 384], strides = [1, 1, 1]} : vector<19x48x384xf32> to vector<1x48x384xf32>
    %squeeze3A_782 = vector.shape_cast %slice3A_781 : vector<1x48x384xf32> to vector<48x384xf32>
    %gt3A_783 = arith.cmpf ogt, %squeeze3A_782, %select_n3A_777 : vector<48x384xf32>
    %slice3A_784 = vector.extract_strided_slice %get3A_749 {offsets = [4, 0, 0], sizes = [1, 48, 384], strides = [1, 1, 1]} : vector<19x48x384xf32> to vector<1x48x384xf32>
    %squeeze3A_785 = vector.shape_cast %slice3A_784 : vector<1x48x384xf32> to vector<48x384xf32>
    %select_n3A_786 = arith.select %gt3A_783, %squeeze3A_785, %select_n3A_777 : vector<48x384xi1>, vector<48x384xf32>
    %jit3A_787 = arith.constant 4 : i32
    %broadcast_in_dim3A_788 = vector.broadcast %jit3A_787 : i32 to vector<48x384xi32>
    %select_n3A_789 = arith.select %gt3A_783, %broadcast_in_dim3A_788, %select_n3A_780 : vector<48x384xi1>, vector<48x384xi32>
    %slice3A_790 = vector.extract_strided_slice %get3A_749 {offsets = [5, 0, 0], sizes = [1, 48, 384], strides = [1, 1, 1]} : vector<19x48x384xf32> to vector<1x48x384xf32>
    %squeeze3A_791 = vector.shape_cast %slice3A_790 : vector<1x48x384xf32> to vector<48x384xf32>
    %gt3A_792 = arith.cmpf ogt, %squeeze3A_791, %select_n3A_786 : vector<48x384xf32>
    %slice3A_793 = vector.extract_strided_slice %get3A_749 {offsets = [5, 0, 0], sizes = [1, 48, 384], strides = [1, 1, 1]} : vector<19x48x384xf32> to vector<1x48x384xf32>
    %squeeze3A_794 = vector.shape_cast %slice3A_793 : vector<1x48x384xf32> to vector<48x384xf32>
    %select_n3A_795 = arith.select %gt3A_792, %squeeze3A_794, %select_n3A_786 : vector<48x384xi1>, vector<48x384xf32>
    %jit3A_796 = arith.constant 5 : i32
    %broadcast_in_dim3A_797 = vector.broadcast %jit3A_796 : i32 to vector<48x384xi32>
    %select_n3A_798 = arith.select %gt3A_792, %broadcast_in_dim3A_797, %select_n3A_789 : vector<48x384xi1>, vector<48x384xi32>
    %slice3A_799 = vector.extract_strided_slice %get3A_749 {offsets = [6, 0, 0], sizes = [1, 48, 384], strides = [1, 1, 1]} : vector<19x48x384xf32> to vector<1x48x384xf32>
    %squeeze3A_800 = vector.shape_cast %slice3A_799 : vector<1x48x384xf32> to vector<48x384xf32>
    %gt3A_801 = arith.cmpf ogt, %squeeze3A_800, %select_n3A_795 : vector<48x384xf32>
    %slice3A_802 = vector.extract_strided_slice %get3A_749 {offsets = [6, 0, 0], sizes = [1, 48, 384], strides = [1, 1, 1]} : vector<19x48x384xf32> to vector<1x48x384xf32>
    %squeeze3A_803 = vector.shape_cast %slice3A_802 : vector<1x48x384xf32> to vector<48x384xf32>
    %select_n3A_804 = arith.select %gt3A_801, %squeeze3A_803, %select_n3A_795 : vector<48x384xi1>, vector<48x384xf32>
    %jit3A_805 = arith.constant 6 : i32
    %broadcast_in_dim3A_806 = vector.broadcast %jit3A_805 : i32 to vector<48x384xi32>
    %select_n3A_807 = arith.select %gt3A_801, %broadcast_in_dim3A_806, %select_n3A_798 : vector<48x384xi1>, vector<48x384xi32>
    %slice3A_808 = vector.extract_strided_slice %get3A_749 {offsets = [7, 0, 0], sizes = [1, 48, 384], strides = [1, 1, 1]} : vector<19x48x384xf32> to vector<1x48x384xf32>
    %squeeze3A_809 = vector.shape_cast %slice3A_808 : vector<1x48x384xf32> to vector<48x384xf32>
    %gt3A_810 = arith.cmpf ogt, %squeeze3A_809, %select_n3A_804 : vector<48x384xf32>
    %slice3A_811 = vector.extract_strided_slice %get3A_749 {offsets = [7, 0, 0], sizes = [1, 48, 384], strides = [1, 1, 1]} : vector<19x48x384xf32> to vector<1x48x384xf32>
    %squeeze3A_812 = vector.shape_cast %slice3A_811 : vector<1x48x384xf32> to vector<48x384xf32>
    %select_n3A_813 = arith.select %gt3A_810, %squeeze3A_812, %select_n3A_804 : vector<48x384xi1>, vector<48x384xf32>
    %jit3A_814 = arith.constant 7 : i32
    %broadcast_in_dim3A_815 = vector.broadcast %jit3A_814 : i32 to vector<48x384xi32>
    %select_n3A_816 = arith.select %gt3A_810, %broadcast_in_dim3A_815, %select_n3A_807 : vector<48x384xi1>, vector<48x384xi32>
    %slice3A_817 = vector.extract_strided_slice %get3A_749 {offsets = [8, 0, 0], sizes = [1, 48, 384], strides = [1, 1, 1]} : vector<19x48x384xf32> to vector<1x48x384xf32>
    %squeeze3A_818 = vector.shape_cast %slice3A_817 : vector<1x48x384xf32> to vector<48x384xf32>
    %gt3A_819 = arith.cmpf ogt, %squeeze3A_818, %select_n3A_813 : vector<48x384xf32>
    %slice3A_820 = vector.extract_strided_slice %get3A_749 {offsets = [8, 0, 0], sizes = [1, 48, 384], strides = [1, 1, 1]} : vector<19x48x384xf32> to vector<1x48x384xf32>
    %squeeze3A_821 = vector.shape_cast %slice3A_820 : vector<1x48x384xf32> to vector<48x384xf32>
    %select_n3A_822 = arith.select %gt3A_819, %squeeze3A_821, %select_n3A_813 : vector<48x384xi1>, vector<48x384xf32>
    %jit3A_823 = arith.constant 8 : i32
    %broadcast_in_dim3A_824 = vector.broadcast %jit3A_823 : i32 to vector<48x384xi32>
    %select_n3A_825 = arith.select %gt3A_819, %broadcast_in_dim3A_824, %select_n3A_816 : vector<48x384xi1>, vector<48x384xi32>
    %slice3A_826 = vector.extract_strided_slice %get3A_749 {offsets = [9, 0, 0], sizes = [1, 48, 384], strides = [1, 1, 1]} : vector<19x48x384xf32> to vector<1x48x384xf32>
    %squeeze3A_827 = vector.shape_cast %slice3A_826 : vector<1x48x384xf32> to vector<48x384xf32>
    %gt3A_828 = arith.cmpf ogt, %squeeze3A_827, %select_n3A_822 : vector<48x384xf32>
    %slice3A_829 = vector.extract_strided_slice %get3A_749 {offsets = [9, 0, 0], sizes = [1, 48, 384], strides = [1, 1, 1]} : vector<19x48x384xf32> to vector<1x48x384xf32>
    %squeeze3A_830 = vector.shape_cast %slice3A_829 : vector<1x48x384xf32> to vector<48x384xf32>
    %select_n3A_831 = arith.select %gt3A_828, %squeeze3A_830, %select_n3A_822 : vector<48x384xi1>, vector<48x384xf32>
    %jit3A_832 = arith.constant 9 : i32
    %broadcast_in_dim3A_833 = vector.broadcast %jit3A_832 : i32 to vector<48x384xi32>
    %select_n3A_834 = arith.select %gt3A_828, %broadcast_in_dim3A_833, %select_n3A_825 : vector<48x384xi1>, vector<48x384xi32>
    %slice3A_835 = vector.extract_strided_slice %get3A_749 {offsets = [10, 0, 0], sizes = [1, 48, 384], strides = [1, 1, 1]} : vector<19x48x384xf32> to vector<1x48x384xf32>
    %squeeze3A_836 = vector.shape_cast %slice3A_835 : vector<1x48x384xf32> to vector<48x384xf32>
    %gt3A_837 = arith.cmpf ogt, %squeeze3A_836, %select_n3A_831 : vector<48x384xf32>
    %slice3A_838 = vector.extract_strided_slice %get3A_749 {offsets = [10, 0, 0], sizes = [1, 48, 384], strides = [1, 1, 1]} : vector<19x48x384xf32> to vector<1x48x384xf32>
    %squeeze3A_839 = vector.shape_cast %slice3A_838 : vector<1x48x384xf32> to vector<48x384xf32>
    %select_n3A_840 = arith.select %gt3A_837, %squeeze3A_839, %select_n3A_831 : vector<48x384xi1>, vector<48x384xf32>
    %jit3A_841 = arith.constant 10 : i32
    %broadcast_in_dim3A_842 = vector.broadcast %jit3A_841 : i32 to vector<48x384xi32>
    %select_n3A_843 = arith.select %gt3A_837, %broadcast_in_dim3A_842, %select_n3A_834 : vector<48x384xi1>, vector<48x384xi32>
    %slice3A_844 = vector.extract_strided_slice %get3A_749 {offsets = [11, 0, 0], sizes = [1, 48, 384], strides = [1, 1, 1]} : vector<19x48x384xf32> to vector<1x48x384xf32>
    %squeeze3A_845 = vector.shape_cast %slice3A_844 : vector<1x48x384xf32> to vector<48x384xf32>
    %gt3A_846 = arith.cmpf ogt, %squeeze3A_845, %select_n3A_840 : vector<48x384xf32>
    %slice3A_847 = vector.extract_strided_slice %get3A_749 {offsets = [11, 0, 0], sizes = [1, 48, 384], strides = [1, 1, 1]} : vector<19x48x384xf32> to vector<1x48x384xf32>
    %squeeze3A_848 = vector.shape_cast %slice3A_847 : vector<1x48x384xf32> to vector<48x384xf32>
    %select_n3A_849 = arith.select %gt3A_846, %squeeze3A_848, %select_n3A_840 : vector<48x384xi1>, vector<48x384xf32>
    %jit3A_850 = arith.constant 11 : i32
    %broadcast_in_dim3A_851 = vector.broadcast %jit3A_850 : i32 to vector<48x384xi32>
    %select_n3A_852 = arith.select %gt3A_846, %broadcast_in_dim3A_851, %select_n3A_843 : vector<48x384xi1>, vector<48x384xi32>
    %slice3A_853 = vector.extract_strided_slice %get3A_749 {offsets = [12, 0, 0], sizes = [1, 48, 384], strides = [1, 1, 1]} : vector<19x48x384xf32> to vector<1x48x384xf32>
    %squeeze3A_854 = vector.shape_cast %slice3A_853 : vector<1x48x384xf32> to vector<48x384xf32>
    %gt3A_855 = arith.cmpf ogt, %squeeze3A_854, %select_n3A_849 : vector<48x384xf32>
    %slice3A_856 = vector.extract_strided_slice %get3A_749 {offsets = [12, 0, 0], sizes = [1, 48, 384], strides = [1, 1, 1]} : vector<19x48x384xf32> to vector<1x48x384xf32>
    %squeeze3A_857 = vector.shape_cast %slice3A_856 : vector<1x48x384xf32> to vector<48x384xf32>
    %select_n3A_858 = arith.select %gt3A_855, %squeeze3A_857, %select_n3A_849 : vector<48x384xi1>, vector<48x384xf32>
    %jit3A_859 = arith.constant 12 : i32
    %broadcast_in_dim3A_860 = vector.broadcast %jit3A_859 : i32 to vector<48x384xi32>
    %select_n3A_861 = arith.select %gt3A_855, %broadcast_in_dim3A_860, %select_n3A_852 : vector<48x384xi1>, vector<48x384xi32>
    %slice3A_862 = vector.extract_strided_slice %get3A_749 {offsets = [13, 0, 0], sizes = [1, 48, 384], strides = [1, 1, 1]} : vector<19x48x384xf32> to vector<1x48x384xf32>
    %squeeze3A_863 = vector.shape_cast %slice3A_862 : vector<1x48x384xf32> to vector<48x384xf32>
    %gt3A_864 = arith.cmpf ogt, %squeeze3A_863, %select_n3A_858 : vector<48x384xf32>
    %slice3A_865 = vector.extract_strided_slice %get3A_749 {offsets = [13, 0, 0], sizes = [1, 48, 384], strides = [1, 1, 1]} : vector<19x48x384xf32> to vector<1x48x384xf32>
    %squeeze3A_866 = vector.shape_cast %slice3A_865 : vector<1x48x384xf32> to vector<48x384xf32>
    %select_n3A_867 = arith.select %gt3A_864, %squeeze3A_866, %select_n3A_858 : vector<48x384xi1>, vector<48x384xf32>
    %jit3A_868 = arith.constant 13 : i32
    %broadcast_in_dim3A_869 = vector.broadcast %jit3A_868 : i32 to vector<48x384xi32>
    %select_n3A_870 = arith.select %gt3A_864, %broadcast_in_dim3A_869, %select_n3A_861 : vector<48x384xi1>, vector<48x384xi32>
    %slice3A_871 = vector.extract_strided_slice %get3A_749 {offsets = [14, 0, 0], sizes = [1, 48, 384], strides = [1, 1, 1]} : vector<19x48x384xf32> to vector<1x48x384xf32>
    %squeeze3A_872 = vector.shape_cast %slice3A_871 : vector<1x48x384xf32> to vector<48x384xf32>
    %gt3A_873 = arith.cmpf ogt, %squeeze3A_872, %select_n3A_867 : vector<48x384xf32>
    %slice3A_874 = vector.extract_strided_slice %get3A_749 {offsets = [14, 0, 0], sizes = [1, 48, 384], strides = [1, 1, 1]} : vector<19x48x384xf32> to vector<1x48x384xf32>
    %squeeze3A_875 = vector.shape_cast %slice3A_874 : vector<1x48x384xf32> to vector<48x384xf32>
    %select_n3A_876 = arith.select %gt3A_873, %squeeze3A_875, %select_n3A_867 : vector<48x384xi1>, vector<48x384xf32>
    %jit3A_877 = arith.constant 14 : i32
    %broadcast_in_dim3A_878 = vector.broadcast %jit3A_877 : i32 to vector<48x384xi32>
    %select_n3A_879 = arith.select %gt3A_873, %broadcast_in_dim3A_878, %select_n3A_870 : vector<48x384xi1>, vector<48x384xi32>
    %slice3A_880 = vector.extract_strided_slice %get3A_749 {offsets = [15, 0, 0], sizes = [1, 48, 384], strides = [1, 1, 1]} : vector<19x48x384xf32> to vector<1x48x384xf32>
    %squeeze3A_881 = vector.shape_cast %slice3A_880 : vector<1x48x384xf32> to vector<48x384xf32>
    %gt3A_882 = arith.cmpf ogt, %squeeze3A_881, %select_n3A_876 : vector<48x384xf32>
    %slice3A_883 = vector.extract_strided_slice %get3A_749 {offsets = [15, 0, 0], sizes = [1, 48, 384], strides = [1, 1, 1]} : vector<19x48x384xf32> to vector<1x48x384xf32>
    %squeeze3A_884 = vector.shape_cast %slice3A_883 : vector<1x48x384xf32> to vector<48x384xf32>
    %select_n3A_885 = arith.select %gt3A_882, %squeeze3A_884, %select_n3A_876 : vector<48x384xi1>, vector<48x384xf32>
    %jit3A_886 = arith.constant 15 : i32
    %broadcast_in_dim3A_887 = vector.broadcast %jit3A_886 : i32 to vector<48x384xi32>
    %select_n3A_888 = arith.select %gt3A_882, %broadcast_in_dim3A_887, %select_n3A_879 : vector<48x384xi1>, vector<48x384xi32>
    %slice3A_889 = vector.extract_strided_slice %get3A_749 {offsets = [16, 0, 0], sizes = [1, 48, 384], strides = [1, 1, 1]} : vector<19x48x384xf32> to vector<1x48x384xf32>
    %squeeze3A_890 = vector.shape_cast %slice3A_889 : vector<1x48x384xf32> to vector<48x384xf32>
    %gt3A_891 = arith.cmpf ogt, %squeeze3A_890, %select_n3A_885 : vector<48x384xf32>
    %slice3A_892 = vector.extract_strided_slice %get3A_749 {offsets = [16, 0, 0], sizes = [1, 48, 384], strides = [1, 1, 1]} : vector<19x48x384xf32> to vector<1x48x384xf32>
    %squeeze3A_893 = vector.shape_cast %slice3A_892 : vector<1x48x384xf32> to vector<48x384xf32>
    %select_n3A_894 = arith.select %gt3A_891, %squeeze3A_893, %select_n3A_885 : vector<48x384xi1>, vector<48x384xf32>
    %jit3A_895 = arith.constant 16 : i32
    %broadcast_in_dim3A_896 = vector.broadcast %jit3A_895 : i32 to vector<48x384xi32>
    %select_n3A_897 = arith.select %gt3A_891, %broadcast_in_dim3A_896, %select_n3A_888 : vector<48x384xi1>, vector<48x384xi32>
    %slice3A_898 = vector.extract_strided_slice %get3A_749 {offsets = [17, 0, 0], sizes = [1, 48, 384], strides = [1, 1, 1]} : vector<19x48x384xf32> to vector<1x48x384xf32>
    %squeeze3A_899 = vector.shape_cast %slice3A_898 : vector<1x48x384xf32> to vector<48x384xf32>
    %gt3A_900 = arith.cmpf ogt, %squeeze3A_899, %select_n3A_894 : vector<48x384xf32>
    %slice3A_901 = vector.extract_strided_slice %get3A_749 {offsets = [17, 0, 0], sizes = [1, 48, 384], strides = [1, 1, 1]} : vector<19x48x384xf32> to vector<1x48x384xf32>
    %squeeze3A_902 = vector.shape_cast %slice3A_901 : vector<1x48x384xf32> to vector<48x384xf32>
    %select_n3A_903 = arith.select %gt3A_900, %squeeze3A_902, %select_n3A_894 : vector<48x384xi1>, vector<48x384xf32>
    %jit3A_904 = arith.constant 17 : i32
    %broadcast_in_dim3A_905 = vector.broadcast %jit3A_904 : i32 to vector<48x384xi32>
    %select_n3A_906 = arith.select %gt3A_900, %broadcast_in_dim3A_905, %select_n3A_897 : vector<48x384xi1>, vector<48x384xi32>
    %slice3A_907 = vector.extract_strided_slice %get3A_749 {offsets = [18, 0, 0], sizes = [1, 48, 384], strides = [1, 1, 1]} : vector<19x48x384xf32> to vector<1x48x384xf32>
    %squeeze3A_908 = vector.shape_cast %slice3A_907 : vector<1x48x384xf32> to vector<48x384xf32>
    %gt3A_909 = arith.cmpf ogt, %squeeze3A_908, %select_n3A_903 : vector<48x384xf32>
    %jit3A_910 = arith.constant 18 : i32
    %broadcast_in_dim3A_911 = vector.broadcast %jit3A_910 : i32 to vector<48x384xi32>
    %select_n3A_912 = arith.select %gt3A_909, %broadcast_in_dim3A_911, %select_n3A_906 : vector<48x384xi1>, vector<48x384xi32>
    %swap3A_913 = arith.constant 192 : index
    %swap3A_914 = arith.constant 0 : index
    %swap3A_915 = vector.load %arg8[%swap3A_913, %swap3A_914] : memref<384x384xi32, #tpu.memory_space<vmem>>, vector<48x384xi32>
    tpu.vector_store %arg8[%swap3A_913, %swap3A_914], %select_n3A_912 {strides = array<i32>} : memref<384x384xi32, #tpu.memory_space<vmem>>, vector<48x384xi32>,
    %dma_start3A_916 = arith.constant 0 : i32
    %dma_start3A_917 = arith.constant 192 : i32
    %dma_start3A_918 = arith.constant 0 : i32
    %dma_start3A_919 = tpu.memref_slice %arg5[%dma_start3A_916, %dma_start3A_917, %dma_start3A_918] : memref<19x384x384xf32, #tpu.memory_space<any>> -> memref<19x48x384xf32, #tpu.memory_space<any>>
    tpu.enqueue_dma source(%arg12 : memref<19x48x384xf32, #tpu.memory_space<vmem>>) target(%dma_start3A_919 : memref<19x48x384xf32, #tpu.memory_space<any>>) target_semaphore(%arg16 : memref<!tpu.dma_semaphore, #tpu.memory_space<semaphore_mem>>)
    %dma_wait3A_920 = arith.constant 0 : i32
    %dma_wait3A_921 = arith.constant 192 : i32
    %dma_wait3A_922 = arith.constant 0 : i32
    %dma_wait3A_923 = tpu.memref_slice %arg5[%dma_wait3A_920, %dma_wait3A_921, %dma_wait3A_922] : memref<19x384x384xf32, #tpu.memory_space<any>> -> memref<19x48x384xf32, #tpu.memory_space<any>>
    tpu.wait_dma2 semaphore(%arg16 : memref<!tpu.dma_semaphore, #tpu.memory_space<semaphore_mem>>) src(%arg12 : memref<19x48x384xf32, #tpu.memory_space<vmem>>) dst(%dma_wait3A_923 : memref<19x48x384xf32, #tpu.memory_space<any>>)
    %dma_start3A_924 = arith.constant 0 : i32
    %dma_start3A_925 = arith.constant 288 : i32
    %dma_start3A_926 = arith.constant 0 : i32
    %dma_start3A_927 = tpu.memref_slice %arg0[%dma_start3A_924, %dma_start3A_925, %dma_start3A_926] : memref<19x384x384xf32, #tpu.memory_space<any>> -> memref<19x48x384xf32, #tpu.memory_space<any>>
    tpu.enqueue_dma source(%dma_start3A_927 : memref<19x48x384xf32, #tpu.memory_space<any>>) target(%arg12 : memref<19x48x384xf32, #tpu.memory_space<vmem>>) target_semaphore(%arg14 : memref<!tpu.dma_semaphore, #tpu.memory_space<semaphore_mem>>)
    %dma_wait3A_928 = arith.constant 0 : i32
    %dma_wait3A_929 = arith.constant 240 : i32
    %dma_wait3A_930 = arith.constant 0 : i32
    %dma_wait3A_931 = tpu.memref_slice %arg0[%dma_wait3A_928, %dma_wait3A_929, %dma_wait3A_930] : memref<19x384x384xf32, #tpu.memory_space<any>> -> memref<19x48x384xf32, #tpu.memory_space<any>>
    tpu.wait_dma2 semaphore(%arg15 : memref<!tpu.dma_semaphore, #tpu.memory_space<semaphore_mem>>) src(%dma_wait3A_931 : memref<19x48x384xf32, #tpu.memory_space<any>>) dst(%arg13 : memref<19x48x384xf32, #tpu.memory_space<vmem>>)
    %get3A_932 = arith.constant 0 : index
    %get3A_933 = arith.constant 0 : index
    %get3A_934 = arith.constant 0 : index
    %get3A_935 = vector.load %arg13[%get3A_932, %get3A_933, %get3A_934] : memref<19x48x384xf32, #tpu.memory_space<vmem>>, vector<19x48x384xf32>
    %slice3A_936 = vector.extract_strided_slice %get3A_935 {offsets = [0, 0, 0], sizes = [1, 48, 384], strides = [1, 1, 1]} : vector<19x48x384xf32> to vector<1x48x384xf32>
    %squeeze3A_937 = vector.shape_cast %slice3A_936 : vector<1x48x384xf32> to vector<48x384xf32>
    %broadcast_in_dim3A_938 = arith.constant 0 : i32
    %broadcast_in_dim3A_939 = vector.broadcast %broadcast_in_dim3A_938 : i32 to vector<48x384xi32>
    %slice3A_940 = vector.extract_strided_slice %get3A_935 {offsets = [1, 0, 0], sizes = [1, 48, 384], strides = [1, 1, 1]} : vector<19x48x384xf32> to vector<1x48x384xf32>
    %squeeze3A_941 = vector.shape_cast %slice3A_940 : vector<1x48x384xf32> to vector<48x384xf32>
    %gt3A_942 = arith.cmpf ogt, %squeeze3A_941, %squeeze3A_937 : vector<48x384xf32>
    %slice3A_943 = vector.extract_strided_slice %get3A_935 {offsets = [1, 0, 0], sizes = [1, 48, 384], strides = [1, 1, 1]} : vector<19x48x384xf32> to vector<1x48x384xf32>
    %squeeze3A_944 = vector.shape_cast %slice3A_943 : vector<1x48x384xf32> to vector<48x384xf32>
    %select_n3A_945 = arith.select %gt3A_942, %squeeze3A_944, %squeeze3A_937 : vector<48x384xi1>, vector<48x384xf32>
    %jit3A_946 = arith.constant 1 : i32
    %broadcast_in_dim3A_947 = vector.broadcast %jit3A_946 : i32 to vector<48x384xi32>
    %select_n3A_948 = arith.select %gt3A_942, %broadcast_in_dim3A_947, %broadcast_in_dim3A_939 : vector<48x384xi1>, vector<48x384xi32>
    %slice3A_949 = vector.extract_strided_slice %get3A_935 {offsets = [2, 0, 0], sizes = [1, 48, 384], strides = [1, 1, 1]} : vector<19x48x384xf32> to vector<1x48x384xf32>
    %squeeze3A_950 = vector.shape_cast %slice3A_949 : vector<1x48x384xf32> to vector<48x384xf32>
    %gt3A_951 = arith.cmpf ogt, %squeeze3A_950, %select_n3A_945 : vector<48x384xf32>
    %slice3A_952 = vector.extract_strided_slice %get3A_935 {offsets = [2, 0, 0], sizes = [1, 48, 384], strides = [1, 1, 1]} : vector<19x48x384xf32> to vector<1x48x384xf32>
    %squeeze3A_953 = vector.shape_cast %slice3A_952 : vector<1x48x384xf32> to vector<48x384xf32>
    %select_n3A_954 = arith.select %gt3A_951, %squeeze3A_953, %select_n3A_945 : vector<48x384xi1>, vector<48x384xf32>
    %jit3A_955 = arith.constant 2 : i32
    %broadcast_in_dim3A_956 = vector.broadcast %jit3A_955 : i32 to vector<48x384xi32>
    %select_n3A_957 = arith.select %gt3A_951, %broadcast_in_dim3A_956, %select_n3A_948 : vector<48x384xi1>, vector<48x384xi32>
    %slice3A_958 = vector.extract_strided_slice %get3A_935 {offsets = [3, 0, 0], sizes = [1, 48, 384], strides = [1, 1, 1]} : vector<19x48x384xf32> to vector<1x48x384xf32>
    %squeeze3A_959 = vector.shape_cast %slice3A_958 : vector<1x48x384xf32> to vector<48x384xf32>
    %gt3A_960 = arith.cmpf ogt, %squeeze3A_959, %select_n3A_954 : vector<48x384xf32>
    %slice3A_961 = vector.extract_strided_slice %get3A_935 {offsets = [3, 0, 0], sizes = [1, 48, 384], strides = [1, 1, 1]} : vector<19x48x384xf32> to vector<1x48x384xf32>
    %squeeze3A_962 = vector.shape_cast %slice3A_961 : vector<1x48x384xf32> to vector<48x384xf32>
    %select_n3A_963 = arith.select %gt3A_960, %squeeze3A_962, %select_n3A_954 : vector<48x384xi1>, vector<48x384xf32>
    %jit3A_964 = arith.constant 3 : i32
    %broadcast_in_dim3A_965 = vector.broadcast %jit3A_964 : i32 to vector<48x384xi32>
    %select_n3A_966 = arith.select %gt3A_960, %broadcast_in_dim3A_965, %select_n3A_957 : vector<48x384xi1>, vector<48x384xi32>
    %slice3A_967 = vector.extract_strided_slice %get3A_935 {offsets = [4, 0, 0], sizes = [1, 48, 384], strides = [1, 1, 1]} : vector<19x48x384xf32> to vector<1x48x384xf32>
    %squeeze3A_968 = vector.shape_cast %slice3A_967 : vector<1x48x384xf32> to vector<48x384xf32>
    %gt3A_969 = arith.cmpf ogt, %squeeze3A_968, %select_n3A_963 : vector<48x384xf32>
    %slice3A_970 = vector.extract_strided_slice %get3A_935 {offsets = [4, 0, 0], sizes = [1, 48, 384], strides = [1, 1, 1]} : vector<19x48x384xf32> to vector<1x48x384xf32>
    %squeeze3A_971 = vector.shape_cast %slice3A_970 : vector<1x48x384xf32> to vector<48x384xf32>
    %select_n3A_972 = arith.select %gt3A_969, %squeeze3A_971, %select_n3A_963 : vector<48x384xi1>, vector<48x384xf32>
    %jit3A_973 = arith.constant 4 : i32
    %broadcast_in_dim3A_974 = vector.broadcast %jit3A_973 : i32 to vector<48x384xi32>
    %select_n3A_975 = arith.select %gt3A_969, %broadcast_in_dim3A_974, %select_n3A_966 : vector<48x384xi1>, vector<48x384xi32>
    %slice3A_976 = vector.extract_strided_slice %get3A_935 {offsets = [5, 0, 0], sizes = [1, 48, 384], strides = [1, 1, 1]} : vector<19x48x384xf32> to vector<1x48x384xf32>
    %squeeze3A_977 = vector.shape_cast %slice3A_976 : vector<1x48x384xf32> to vector<48x384xf32>
    %gt3A_978 = arith.cmpf ogt, %squeeze3A_977, %select_n3A_972 : vector<48x384xf32>
    %slice3A_979 = vector.extract_strided_slice %get3A_935 {offsets = [5, 0, 0], sizes = [1, 48, 384], strides = [1, 1, 1]} : vector<19x48x384xf32> to vector<1x48x384xf32>
    %squeeze3A_980 = vector.shape_cast %slice3A_979 : vector<1x48x384xf32> to vector<48x384xf32>
    %select_n3A_981 = arith.select %gt3A_978, %squeeze3A_980, %select_n3A_972 : vector<48x384xi1>, vector<48x384xf32>
    %jit3A_982 = arith.constant 5 : i32
    %broadcast_in_dim3A_983 = vector.broadcast %jit3A_982 : i32 to vector<48x384xi32>
    %select_n3A_984 = arith.select %gt3A_978, %broadcast_in_dim3A_983, %select_n3A_975 : vector<48x384xi1>, vector<48x384xi32>
    %slice3A_985 = vector.extract_strided_slice %get3A_935 {offsets = [6, 0, 0], sizes = [1, 48, 384], strides = [1, 1, 1]} : vector<19x48x384xf32> to vector<1x48x384xf32>
    %squeeze3A_986 = vector.shape_cast %slice3A_985 : vector<1x48x384xf32> to vector<48x384xf32>
    %gt3A_987 = arith.cmpf ogt, %squeeze3A_986, %select_n3A_981 : vector<48x384xf32>
    %slice3A_988 = vector.extract_strided_slice %get3A_935 {offsets = [6, 0, 0], sizes = [1, 48, 384], strides = [1, 1, 1]} : vector<19x48x384xf32> to vector<1x48x384xf32>
    %squeeze3A_989 = vector.shape_cast %slice3A_988 : vector<1x48x384xf32> to vector<48x384xf32>
    %select_n3A_990 = arith.select %gt3A_987, %squeeze3A_989, %select_n3A_981 : vector<48x384xi1>, vector<48x384xf32>
    %jit3A_991 = arith.constant 6 : i32
    %broadcast_in_dim3A_992 = vector.broadcast %jit3A_991 : i32 to vector<48x384xi32>
    %select_n3A_993 = arith.select %gt3A_987, %broadcast_in_dim3A_992, %select_n3A_984 : vector<48x384xi1>, vector<48x384xi32>
    %slice3A_994 = vector.extract_strided_slice %get3A_935 {offsets = [7, 0, 0], sizes = [1, 48, 384], strides = [1, 1, 1]} : vector<19x48x384xf32> to vector<1x48x384xf32>
    %squeeze3A_995 = vector.shape_cast %slice3A_994 : vector<1x48x384xf32> to vector<48x384xf32>
    %gt3A_996 = arith.cmpf ogt, %squeeze3A_995, %select_n3A_990 : vector<48x384xf32>
    %slice3A_997 = vector.extract_strided_slice %get3A_935 {offsets = [7, 0, 0], sizes = [1, 48, 384], strides = [1, 1, 1]} : vector<19x48x384xf32> to vector<1x48x384xf32>
    %squeeze3A_998 = vector.shape_cast %slice3A_997 : vector<1x48x384xf32> to vector<48x384xf32>
    %select_n3A_999 = arith.select %gt3A_996, %squeeze3A_998, %select_n3A_990 : vector<48x384xi1>, vector<48x384xf32>
    %jit3A_1000 = arith.constant 7 : i32
    %broadcast_in_dim3A_1001 = vector.broadcast %jit3A_1000 : i32 to vector<48x384xi32>
    %select_n3A_1002 = arith.select %gt3A_996, %broadcast_in_dim3A_1001, %select_n3A_993 : vector<48x384xi1>, vector<48x384xi32>
    %slice3A_1003 = vector.extract_strided_slice %get3A_935 {offsets = [8, 0, 0], sizes = [1, 48, 384], strides = [1, 1, 1]} : vector<19x48x384xf32> to vector<1x48x384xf32>
    %squeeze3A_1004 = vector.shape_cast %slice3A_1003 : vector<1x48x384xf32> to vector<48x384xf32>
    %gt3A_1005 = arith.cmpf ogt, %squeeze3A_1004, %select_n3A_999 : vector<48x384xf32>
    %slice3A_1006 = vector.extract_strided_slice %get3A_935 {offsets = [8, 0, 0], sizes = [1, 48, 384], strides = [1, 1, 1]} : vector<19x48x384xf32> to vector<1x48x384xf32>
    %squeeze3A_1007 = vector.shape_cast %slice3A_1006 : vector<1x48x384xf32> to vector<48x384xf32>
    %select_n3A_1008 = arith.select %gt3A_1005, %squeeze3A_1007, %select_n3A_999 : vector<48x384xi1>, vector<48x384xf32>
    %jit3A_1009 = arith.constant 8 : i32
    %broadcast_in_dim3A_1010 = vector.broadcast %jit3A_1009 : i32 to vector<48x384xi32>
    %select_n3A_1011 = arith.select %gt3A_1005, %broadcast_in_dim3A_1010, %select_n3A_1002 : vector<48x384xi1>, vector<48x384xi32>
    %slice3A_1012 = vector.extract_strided_slice %get3A_935 {offsets = [9, 0, 0], sizes = [1, 48, 384], strides = [1, 1, 1]} : vector<19x48x384xf32> to vector<1x48x384xf32>
    %squeeze3A_1013 = vector.shape_cast %slice3A_1012 : vector<1x48x384xf32> to vector<48x384xf32>
    %gt3A_1014 = arith.cmpf ogt, %squeeze3A_1013, %select_n3A_1008 : vector<48x384xf32>
    %slice3A_1015 = vector.extract_strided_slice %get3A_935 {offsets = [9, 0, 0], sizes = [1, 48, 384], strides = [1, 1, 1]} : vector<19x48x384xf32> to vector<1x48x384xf32>
    %squeeze3A_1016 = vector.shape_cast %slice3A_1015 : vector<1x48x384xf32> to vector<48x384xf32>
    %select_n3A_1017 = arith.select %gt3A_1014, %squeeze3A_1016, %select_n3A_1008 : vector<48x384xi1>, vector<48x384xf32>
    %jit3A_1018 = arith.constant 9 : i32
    %broadcast_in_dim3A_1019 = vector.broadcast %jit3A_1018 : i32 to vector<48x384xi32>
    %select_n3A_1020 = arith.select %gt3A_1014, %broadcast_in_dim3A_1019, %select_n3A_1011 : vector<48x384xi1>, vector<48x384xi32>
    %slice3A_1021 = vector.extract_strided_slice %get3A_935 {offsets = [10, 0, 0], sizes = [1, 48, 384], strides = [1, 1, 1]} : vector<19x48x384xf32> to vector<1x48x384xf32>
    %squeeze3A_1022 = vector.shape_cast %slice3A_1021 : vector<1x48x384xf32> to vector<48x384xf32>
    %gt3A_1023 = arith.cmpf ogt, %squeeze3A_1022, %select_n3A_1017 : vector<48x384xf32>
    %slice3A_1024 = vector.extract_strided_slice %get3A_935 {offsets = [10, 0, 0], sizes = [1, 48, 384], strides = [1, 1, 1]} : vector<19x48x384xf32> to vector<1x48x384xf32>
    %squeeze3A_1025 = vector.shape_cast %slice3A_1024 : vector<1x48x384xf32> to vector<48x384xf32>
    %select_n3A_1026 = arith.select %gt3A_1023, %squeeze3A_1025, %select_n3A_1017 : vector<48x384xi1>, vector<48x384xf32>
    %jit3A_1027 = arith.constant 10 : i32
    %broadcast_in_dim3A_1028 = vector.broadcast %jit3A_1027 : i32 to vector<48x384xi32>
    %select_n3A_1029 = arith.select %gt3A_1023, %broadcast_in_dim3A_1028, %select_n3A_1020 : vector<48x384xi1>, vector<48x384xi32>
    %slice3A_1030 = vector.extract_strided_slice %get3A_935 {offsets = [11, 0, 0], sizes = [1, 48, 384], strides = [1, 1, 1]} : vector<19x48x384xf32> to vector<1x48x384xf32>
    %squeeze3A_1031 = vector.shape_cast %slice3A_1030 : vector<1x48x384xf32> to vector<48x384xf32>
    %gt3A_1032 = arith.cmpf ogt, %squeeze3A_1031, %select_n3A_1026 : vector<48x384xf32>
    %slice3A_1033 = vector.extract_strided_slice %get3A_935 {offsets = [11, 0, 0], sizes = [1, 48, 384], strides = [1, 1, 1]} : vector<19x48x384xf32> to vector<1x48x384xf32>
    %squeeze3A_1034 = vector.shape_cast %slice3A_1033 : vector<1x48x384xf32> to vector<48x384xf32>
    %select_n3A_1035 = arith.select %gt3A_1032, %squeeze3A_1034, %select_n3A_1026 : vector<48x384xi1>, vector<48x384xf32>
    %jit3A_1036 = arith.constant 11 : i32
    %broadcast_in_dim3A_1037 = vector.broadcast %jit3A_1036 : i32 to vector<48x384xi32>
    %select_n3A_1038 = arith.select %gt3A_1032, %broadcast_in_dim3A_1037, %select_n3A_1029 : vector<48x384xi1>, vector<48x384xi32>
    %slice3A_1039 = vector.extract_strided_slice %get3A_935 {offsets = [12, 0, 0], sizes = [1, 48, 384], strides = [1, 1, 1]} : vector<19x48x384xf32> to vector<1x48x384xf32>
    %squeeze3A_1040 = vector.shape_cast %slice3A_1039 : vector<1x48x384xf32> to vector<48x384xf32>
    %gt3A_1041 = arith.cmpf ogt, %squeeze3A_1040, %select_n3A_1035 : vector<48x384xf32>
    %slice3A_1042 = vector.extract_strided_slice %get3A_935 {offsets = [12, 0, 0], sizes = [1, 48, 384], strides = [1, 1, 1]} : vector<19x48x384xf32> to vector<1x48x384xf32>
    %squeeze3A_1043 = vector.shape_cast %slice3A_1042 : vector<1x48x384xf32> to vector<48x384xf32>
    %select_n3A_1044 = arith.select %gt3A_1041, %squeeze3A_1043, %select_n3A_1035 : vector<48x384xi1>, vector<48x384xf32>
    %jit3A_1045 = arith.constant 12 : i32
    %broadcast_in_dim3A_1046 = vector.broadcast %jit3A_1045 : i32 to vector<48x384xi32>
    %select_n3A_1047 = arith.select %gt3A_1041, %broadcast_in_dim3A_1046, %select_n3A_1038 : vector<48x384xi1>, vector<48x384xi32>
    %slice3A_1048 = vector.extract_strided_slice %get3A_935 {offsets = [13, 0, 0], sizes = [1, 48, 384], strides = [1, 1, 1]} : vector<19x48x384xf32> to vector<1x48x384xf32>
    %squeeze3A_1049 = vector.shape_cast %slice3A_1048 : vector<1x48x384xf32> to vector<48x384xf32>
    %gt3A_1050 = arith.cmpf ogt, %squeeze3A_1049, %select_n3A_1044 : vector<48x384xf32>
    %slice3A_1051 = vector.extract_strided_slice %get3A_935 {offsets = [13, 0, 0], sizes = [1, 48, 384], strides = [1, 1, 1]} : vector<19x48x384xf32> to vector<1x48x384xf32>
    %squeeze3A_1052 = vector.shape_cast %slice3A_1051 : vector<1x48x384xf32> to vector<48x384xf32>
    %select_n3A_1053 = arith.select %gt3A_1050, %squeeze3A_1052, %select_n3A_1044 : vector<48x384xi1>, vector<48x384xf32>
    %jit3A_1054 = arith.constant 13 : i32
    %broadcast_in_dim3A_1055 = vector.broadcast %jit3A_1054 : i32 to vector<48x384xi32>
    %select_n3A_1056 = arith.select %gt3A_1050, %broadcast_in_dim3A_1055, %select_n3A_1047 : vector<48x384xi1>, vector<48x384xi32>
    %slice3A_1057 = vector.extract_strided_slice %get3A_935 {offsets = [14, 0, 0], sizes = [1, 48, 384], strides = [1, 1, 1]} : vector<19x48x384xf32> to vector<1x48x384xf32>
    %squeeze3A_1058 = vector.shape_cast %slice3A_1057 : vector<1x48x384xf32> to vector<48x384xf32>
    %gt3A_1059 = arith.cmpf ogt, %squeeze3A_1058, %select_n3A_1053 : vector<48x384xf32>
    %slice3A_1060 = vector.extract_strided_slice %get3A_935 {offsets = [14, 0, 0], sizes = [1, 48, 384], strides = [1, 1, 1]} : vector<19x48x384xf32> to vector<1x48x384xf32>
    %squeeze3A_1061 = vector.shape_cast %slice3A_1060 : vector<1x48x384xf32> to vector<48x384xf32>
    %select_n3A_1062 = arith.select %gt3A_1059, %squeeze3A_1061, %select_n3A_1053 : vector<48x384xi1>, vector<48x384xf32>
    %jit3A_1063 = arith.constant 14 : i32
    %broadcast_in_dim3A_1064 = vector.broadcast %jit3A_1063 : i32 to vector<48x384xi32>
    %select_n3A_1065 = arith.select %gt3A_1059, %broadcast_in_dim3A_1064, %select_n3A_1056 : vector<48x384xi1>, vector<48x384xi32>
    %slice3A_1066 = vector.extract_strided_slice %get3A_935 {offsets = [15, 0, 0], sizes = [1, 48, 384], strides = [1, 1, 1]} : vector<19x48x384xf32> to vector<1x48x384xf32>
    %squeeze3A_1067 = vector.shape_cast %slice3A_1066 : vector<1x48x384xf32> to vector<48x384xf32>
    %gt3A_1068 = arith.cmpf ogt, %squeeze3A_1067, %select_n3A_1062 : vector<48x384xf32>
    %slice3A_1069 = vector.extract_strided_slice %get3A_935 {offsets = [15, 0, 0], sizes = [1, 48, 384], strides = [1, 1, 1]} : vector<19x48x384xf32> to vector<1x48x384xf32>
    %squeeze3A_1070 = vector.shape_cast %slice3A_1069 : vector<1x48x384xf32> to vector<48x384xf32>
    %select_n3A_1071 = arith.select %gt3A_1068, %squeeze3A_1070, %select_n3A_1062 : vector<48x384xi1>, vector<48x384xf32>
    %jit3A_1072 = arith.constant 15 : i32
    %broadcast_in_dim3A_1073 = vector.broadcast %jit3A_1072 : i32 to vector<48x384xi32>
    %select_n3A_1074 = arith.select %gt3A_1068, %broadcast_in_dim3A_1073, %select_n3A_1065 : vector<48x384xi1>, vector<48x384xi32>
    %slice3A_1075 = vector.extract_strided_slice %get3A_935 {offsets = [16, 0, 0], sizes = [1, 48, 384], strides = [1, 1, 1]} : vector<19x48x384xf32> to vector<1x48x384xf32>
    %squeeze3A_1076 = vector.shape_cast %slice3A_1075 : vector<1x48x384xf32> to vector<48x384xf32>
    %gt3A_1077 = arith.cmpf ogt, %squeeze3A_1076, %select_n3A_1071 : vector<48x384xf32>
    %slice3A_1078 = vector.extract_strided_slice %get3A_935 {offsets = [16, 0, 0], sizes = [1, 48, 384], strides = [1, 1, 1]} : vector<19x48x384xf32> to vector<1x48x384xf32>
    %squeeze3A_1079 = vector.shape_cast %slice3A_1078 : vector<1x48x384xf32> to vector<48x384xf32>
    %select_n3A_1080 = arith.select %gt3A_1077, %squeeze3A_1079, %select_n3A_1071 : vector<48x384xi1>, vector<48x384xf32>
    %jit3A_1081 = arith.constant 16 : i32
    %broadcast_in_dim3A_1082 = vector.broadcast %jit3A_1081 : i32 to vector<48x384xi32>
    %select_n3A_1083 = arith.select %gt3A_1077, %broadcast_in_dim3A_1082, %select_n3A_1074 : vector<48x384xi1>, vector<48x384xi32>
    %slice3A_1084 = vector.extract_strided_slice %get3A_935 {offsets = [17, 0, 0], sizes = [1, 48, 384], strides = [1, 1, 1]} : vector<19x48x384xf32> to vector<1x48x384xf32>
    %squeeze3A_1085 = vector.shape_cast %slice3A_1084 : vector<1x48x384xf32> to vector<48x384xf32>
    %gt3A_1086 = arith.cmpf ogt, %squeeze3A_1085, %select_n3A_1080 : vector<48x384xf32>
    %slice3A_1087 = vector.extract_strided_slice %get3A_935 {offsets = [17, 0, 0], sizes = [1, 48, 384], strides = [1, 1, 1]} : vector<19x48x384xf32> to vector<1x48x384xf32>
    %squeeze3A_1088 = vector.shape_cast %slice3A_1087 : vector<1x48x384xf32> to vector<48x384xf32>
    %select_n3A_1089 = arith.select %gt3A_1086, %squeeze3A_1088, %select_n3A_1080 : vector<48x384xi1>, vector<48x384xf32>
    %jit3A_1090 = arith.constant 17 : i32
    %broadcast_in_dim3A_1091 = vector.broadcast %jit3A_1090 : i32 to vector<48x384xi32>
    %select_n3A_1092 = arith.select %gt3A_1086, %broadcast_in_dim3A_1091, %select_n3A_1083 : vector<48x384xi1>, vector<48x384xi32>
    %slice3A_1093 = vector.extract_strided_slice %get3A_935 {offsets = [18, 0, 0], sizes = [1, 48, 384], strides = [1, 1, 1]} : vector<19x48x384xf32> to vector<1x48x384xf32>
    %squeeze3A_1094 = vector.shape_cast %slice3A_1093 : vector<1x48x384xf32> to vector<48x384xf32>
    %gt3A_1095 = arith.cmpf ogt, %squeeze3A_1094, %select_n3A_1089 : vector<48x384xf32>
    %jit3A_1096 = arith.constant 18 : i32
    %broadcast_in_dim3A_1097 = vector.broadcast %jit3A_1096 : i32 to vector<48x384xi32>
    %select_n3A_1098 = arith.select %gt3A_1095, %broadcast_in_dim3A_1097, %select_n3A_1092 : vector<48x384xi1>, vector<48x384xi32>
    %swap3A_1099 = arith.constant 240 : index
    %swap3A_1100 = arith.constant 0 : index
    %swap3A_1101 = vector.load %arg8[%swap3A_1099, %swap3A_1100] : memref<384x384xi32, #tpu.memory_space<vmem>>, vector<48x384xi32>
    tpu.vector_store %arg8[%swap3A_1099, %swap3A_1100], %select_n3A_1098 {strides = array<i32>} : memref<384x384xi32, #tpu.memory_space<vmem>>, vector<48x384xi32>,
    %dma_start3A_1102 = arith.constant 0 : i32
    %dma_start3A_1103 = arith.constant 240 : i32
    %dma_start3A_1104 = arith.constant 0 : i32
    %dma_start3A_1105 = tpu.memref_slice %arg5[%dma_start3A_1102, %dma_start3A_1103, %dma_start3A_1104] : memref<19x384x384xf32, #tpu.memory_space<any>> -> memref<19x48x384xf32, #tpu.memory_space<any>>
    tpu.enqueue_dma source(%arg13 : memref<19x48x384xf32, #tpu.memory_space<vmem>>) target(%dma_start3A_1105 : memref<19x48x384xf32, #tpu.memory_space<any>>) target_semaphore(%arg17 : memref<!tpu.dma_semaphore, #tpu.memory_space<semaphore_mem>>)
    %dma_wait3A_1106 = arith.constant 0 : i32
    %dma_wait3A_1107 = arith.constant 240 : i32
    %dma_wait3A_1108 = arith.constant 0 : i32
    %dma_wait3A_1109 = tpu.memref_slice %arg5[%dma_wait3A_1106, %dma_wait3A_1107, %dma_wait3A_1108] : memref<19x384x384xf32, #tpu.memory_space<any>> -> memref<19x48x384xf32, #tpu.memory_space<any>>
    tpu.wait_dma2 semaphore(%arg17 : memref<!tpu.dma_semaphore, #tpu.memory_space<semaphore_mem>>) src(%arg13 : memref<19x48x384xf32, #tpu.memory_space<vmem>>) dst(%dma_wait3A_1109 : memref<19x48x384xf32, #tpu.memory_space<any>>)
    %dma_start3A_1110 = arith.constant 0 : i32
    %dma_start3A_1111 = arith.constant 336 : i32
    %dma_start3A_1112 = arith.constant 0 : i32
    %dma_start3A_1113 = tpu.memref_slice %arg0[%dma_start3A_1110, %dma_start3A_1111, %dma_start3A_1112] : memref<19x384x384xf32, #tpu.memory_space<any>> -> memref<19x48x384xf32, #tpu.memory_space<any>>
    tpu.enqueue_dma source(%dma_start3A_1113 : memref<19x48x384xf32, #tpu.memory_space<any>>) target(%arg13 : memref<19x48x384xf32, #tpu.memory_space<vmem>>) target_semaphore(%arg15 : memref<!tpu.dma_semaphore, #tpu.memory_space<semaphore_mem>>)
    %dma_wait3A_1114 = arith.constant 0 : i32
    %dma_wait3A_1115 = arith.constant 288 : i32
    %dma_wait3A_1116 = arith.constant 0 : i32
    %dma_wait3A_1117 = tpu.memref_slice %arg0[%dma_wait3A_1114, %dma_wait3A_1115, %dma_wait3A_1116] : memref<19x384x384xf32, #tpu.memory_space<any>> -> memref<19x48x384xf32, #tpu.memory_space<any>>
    tpu.wait_dma2 semaphore(%arg14 : memref<!tpu.dma_semaphore, #tpu.memory_space<semaphore_mem>>) src(%dma_wait3A_1117 : memref<19x48x384xf32, #tpu.memory_space<any>>) dst(%arg12 : memref<19x48x384xf32, #tpu.memory_space<vmem>>)
    %get3A_1118 = arith.constant 0 : index
    %get3A_1119 = arith.constant 0 : index
    %get3A_1120 = arith.constant 0 : index
    %get3A_1121 = vector.load %arg12[%get3A_1118, %get3A_1119, %get3A_1120] : memref<19x48x384xf32, #tpu.memory_space<vmem>>, vector<19x48x384xf32>
    %slice3A_1122 = vector.extract_strided_slice %get3A_1121 {offsets = [0, 0, 0], sizes = [1, 48, 384], strides = [1, 1, 1]} : vector<19x48x384xf32> to vector<1x48x384xf32>
    %squeeze3A_1123 = vector.shape_cast %slice3A_1122 : vector<1x48x384xf32> to vector<48x384xf32>
    %broadcast_in_dim3A_1124 = arith.constant 0 : i32
    %broadcast_in_dim3A_1125 = vector.broadcast %broadcast_in_dim3A_1124 : i32 to vector<48x384xi32>
    %slice3A_1126 = vector.extract_strided_slice %get3A_1121 {offsets = [1, 0, 0], sizes = [1, 48, 384], strides = [1, 1, 1]} : vector<19x48x384xf32> to vector<1x48x384xf32>
    %squeeze3A_1127 = vector.shape_cast %slice3A_1126 : vector<1x48x384xf32> to vector<48x384xf32>
    %gt3A_1128 = arith.cmpf ogt, %squeeze3A_1127, %squeeze3A_1123 : vector<48x384xf32>
    %slice3A_1129 = vector.extract_strided_slice %get3A_1121 {offsets = [1, 0, 0], sizes = [1, 48, 384], strides = [1, 1, 1]} : vector<19x48x384xf32> to vector<1x48x384xf32>
    %squeeze3A_1130 = vector.shape_cast %slice3A_1129 : vector<1x48x384xf32> to vector<48x384xf32>
    %select_n3A_1131 = arith.select %gt3A_1128, %squeeze3A_1130, %squeeze3A_1123 : vector<48x384xi1>, vector<48x384xf32>
    %jit3A_1132 = arith.constant 1 : i32
    %broadcast_in_dim3A_1133 = vector.broadcast %jit3A_1132 : i32 to vector<48x384xi32>
    %select_n3A_1134 = arith.select %gt3A_1128, %broadcast_in_dim3A_1133, %broadcast_in_dim3A_1125 : vector<48x384xi1>, vector<48x384xi32>
    %slice3A_1135 = vector.extract_strided_slice %get3A_1121 {offsets = [2, 0, 0], sizes = [1, 48, 384], strides = [1, 1, 1]} : vector<19x48x384xf32> to vector<1x48x384xf32>
    %squeeze3A_1136 = vector.shape_cast %slice3A_1135 : vector<1x48x384xf32> to vector<48x384xf32>
    %gt3A_1137 = arith.cmpf ogt, %squeeze3A_1136, %select_n3A_1131 : vector<48x384xf32>
    %slice3A_1138 = vector.extract_strided_slice %get3A_1121 {offsets = [2, 0, 0], sizes = [1, 48, 384], strides = [1, 1, 1]} : vector<19x48x384xf32> to vector<1x48x384xf32>
    %squeeze3A_1139 = vector.shape_cast %slice3A_1138 : vector<1x48x384xf32> to vector<48x384xf32>
    %select_n3A_1140 = arith.select %gt3A_1137, %squeeze3A_1139, %select_n3A_1131 : vector<48x384xi1>, vector<48x384xf32>
    %jit3A_1141 = arith.constant 2 : i32
    %broadcast_in_dim3A_1142 = vector.broadcast %jit3A_1141 : i32 to vector<48x384xi32>
    %select_n3A_1143 = arith.select %gt3A_1137, %broadcast_in_dim3A_1142, %select_n3A_1134 : vector<48x384xi1>, vector<48x384xi32>
    %slice3A_1144 = vector.extract_strided_slice %get3A_1121 {offsets = [3, 0, 0], sizes = [1, 48, 384], strides = [1, 1, 1]} : vector<19x48x384xf32> to vector<1x48x384xf32>
    %squeeze3A_1145 = vector.shape_cast %slice3A_1144 : vector<1x48x384xf32> to vector<48x384xf32>
    %gt3A_1146 = arith.cmpf ogt, %squeeze3A_1145, %select_n3A_1140 : vector<48x384xf32>
    %slice3A_1147 = vector.extract_strided_slice %get3A_1121 {offsets = [3, 0, 0], sizes = [1, 48, 384], strides = [1, 1, 1]} : vector<19x48x384xf32> to vector<1x48x384xf32>
    %squeeze3A_1148 = vector.shape_cast %slice3A_1147 : vector<1x48x384xf32> to vector<48x384xf32>
    %select_n3A_1149 = arith.select %gt3A_1146, %squeeze3A_1148, %select_n3A_1140 : vector<48x384xi1>, vector<48x384xf32>
    %jit3A_1150 = arith.constant 3 : i32
    %broadcast_in_dim3A_1151 = vector.broadcast %jit3A_1150 : i32 to vector<48x384xi32>
    %select_n3A_1152 = arith.select %gt3A_1146, %broadcast_in_dim3A_1151, %select_n3A_1143 : vector<48x384xi1>, vector<48x384xi32>
    %slice3A_1153 = vector.extract_strided_slice %get3A_1121 {offsets = [4, 0, 0], sizes = [1, 48, 384], strides = [1, 1, 1]} : vector<19x48x384xf32> to vector<1x48x384xf32>
    %squeeze3A_1154 = vector.shape_cast %slice3A_1153 : vector<1x48x384xf32> to vector<48x384xf32>
    %gt3A_1155 = arith.cmpf ogt, %squeeze3A_1154, %select_n3A_1149 : vector<48x384xf32>
    %slice3A_1156 = vector.extract_strided_slice %get3A_1121 {offsets = [4, 0, 0], sizes = [1, 48, 384], strides = [1, 1, 1]} : vector<19x48x384xf32> to vector<1x48x384xf32>
    %squeeze3A_1157 = vector.shape_cast %slice3A_1156 : vector<1x48x384xf32> to vector<48x384xf32>
    %select_n3A_1158 = arith.select %gt3A_1155, %squeeze3A_1157, %select_n3A_1149 : vector<48x384xi1>, vector<48x384xf32>
    %jit3A_1159 = arith.constant 4 : i32
    %broadcast_in_dim3A_1160 = vector.broadcast %jit3A_1159 : i32 to vector<48x384xi32>
    %select_n3A_1161 = arith.select %gt3A_1155, %broadcast_in_dim3A_1160, %select_n3A_1152 : vector<48x384xi1>, vector<48x384xi32>
    %slice3A_1162 = vector.extract_strided_slice %get3A_1121 {offsets = [5, 0, 0], sizes = [1, 48, 384], strides = [1, 1, 1]} : vector<19x48x384xf32> to vector<1x48x384xf32>
    %squeeze3A_1163 = vector.shape_cast %slice3A_1162 : vector<1x48x384xf32> to vector<48x384xf32>
    %gt3A_1164 = arith.cmpf ogt, %squeeze3A_1163, %select_n3A_1158 : vector<48x384xf32>
    %slice3A_1165 = vector.extract_strided_slice %get3A_1121 {offsets = [5, 0, 0], sizes = [1, 48, 384], strides = [1, 1, 1]} : vector<19x48x384xf32> to vector<1x48x384xf32>
    %squeeze3A_1166 = vector.shape_cast %slice3A_1165 : vector<1x48x384xf32> to vector<48x384xf32>
    %select_n3A_1167 = arith.select %gt3A_1164, %squeeze3A_1166, %select_n3A_1158 : vector<48x384xi1>, vector<48x384xf32>
    %jit3A_1168 = arith.constant 5 : i32
    %broadcast_in_dim3A_1169 = vector.broadcast %jit3A_1168 : i32 to vector<48x384xi32>
    %select_n3A_1170 = arith.select %gt3A_1164, %broadcast_in_dim3A_1169, %select_n3A_1161 : vector<48x384xi1>, vector<48x384xi32>
    %slice3A_1171 = vector.extract_strided_slice %get3A_1121 {offsets = [6, 0, 0], sizes = [1, 48, 384], strides = [1, 1, 1]} : vector<19x48x384xf32> to vector<1x48x384xf32>
    %squeeze3A_1172 = vector.shape_cast %slice3A_1171 : vector<1x48x384xf32> to vector<48x384xf32>
    %gt3A_1173 = arith.cmpf ogt, %squeeze3A_1172, %select_n3A_1167 : vector<48x384xf32>
    %slice3A_1174 = vector.extract_strided_slice %get3A_1121 {offsets = [6, 0, 0], sizes = [1, 48, 384], strides = [1, 1, 1]} : vector<19x48x384xf32> to vector<1x48x384xf32>
    %squeeze3A_1175 = vector.shape_cast %slice3A_1174 : vector<1x48x384xf32> to vector<48x384xf32>
    %select_n3A_1176 = arith.select %gt3A_1173, %squeeze3A_1175, %select_n3A_1167 : vector<48x384xi1>, vector<48x384xf32>
    %jit3A_1177 = arith.constant 6 : i32
    %broadcast_in_dim3A_1178 = vector.broadcast %jit3A_1177 : i32 to vector<48x384xi32>
    %select_n3A_1179 = arith.select %gt3A_1173, %broadcast_in_dim3A_1178, %select_n3A_1170 : vector<48x384xi1>, vector<48x384xi32>
    %slice3A_1180 = vector.extract_strided_slice %get3A_1121 {offsets = [7, 0, 0], sizes = [1, 48, 384], strides = [1, 1, 1]} : vector<19x48x384xf32> to vector<1x48x384xf32>
    %squeeze3A_1181 = vector.shape_cast %slice3A_1180 : vector<1x48x384xf32> to vector<48x384xf32>
    %gt3A_1182 = arith.cmpf ogt, %squeeze3A_1181, %select_n3A_1176 : vector<48x384xf32>
    %slice3A_1183 = vector.extract_strided_slice %get3A_1121 {offsets = [7, 0, 0], sizes = [1, 48, 384], strides = [1, 1, 1]} : vector<19x48x384xf32> to vector<1x48x384xf32>
    %squeeze3A_1184 = vector.shape_cast %slice3A_1183 : vector<1x48x384xf32> to vector<48x384xf32>
    %select_n3A_1185 = arith.select %gt3A_1182, %squeeze3A_1184, %select_n3A_1176 : vector<48x384xi1>, vector<48x384xf32>
    %jit3A_1186 = arith.constant 7 : i32
    %broadcast_in_dim3A_1187 = vector.broadcast %jit3A_1186 : i32 to vector<48x384xi32>
    %select_n3A_1188 = arith.select %gt3A_1182, %broadcast_in_dim3A_1187, %select_n3A_1179 : vector<48x384xi1>, vector<48x384xi32>
    %slice3A_1189 = vector.extract_strided_slice %get3A_1121 {offsets = [8, 0, 0], sizes = [1, 48, 384], strides = [1, 1, 1]} : vector<19x48x384xf32> to vector<1x48x384xf32>
    %squeeze3A_1190 = vector.shape_cast %slice3A_1189 : vector<1x48x384xf32> to vector<48x384xf32>
    %gt3A_1191 = arith.cmpf ogt, %squeeze3A_1190, %select_n3A_1185 : vector<48x384xf32>
    %slice3A_1192 = vector.extract_strided_slice %get3A_1121 {offsets = [8, 0, 0], sizes = [1, 48, 384], strides = [1, 1, 1]} : vector<19x48x384xf32> to vector<1x48x384xf32>
    %squeeze3A_1193 = vector.shape_cast %slice3A_1192 : vector<1x48x384xf32> to vector<48x384xf32>
    %select_n3A_1194 = arith.select %gt3A_1191, %squeeze3A_1193, %select_n3A_1185 : vector<48x384xi1>, vector<48x384xf32>
    %jit3A_1195 = arith.constant 8 : i32
    %broadcast_in_dim3A_1196 = vector.broadcast %jit3A_1195 : i32 to vector<48x384xi32>
    %select_n3A_1197 = arith.select %gt3A_1191, %broadcast_in_dim3A_1196, %select_n3A_1188 : vector<48x384xi1>, vector<48x384xi32>
    %slice3A_1198 = vector.extract_strided_slice %get3A_1121 {offsets = [9, 0, 0], sizes = [1, 48, 384], strides = [1, 1, 1]} : vector<19x48x384xf32> to vector<1x48x384xf32>
    %squeeze3A_1199 = vector.shape_cast %slice3A_1198 : vector<1x48x384xf32> to vector<48x384xf32>
    %gt3A_1200 = arith.cmpf ogt, %squeeze3A_1199, %select_n3A_1194 : vector<48x384xf32>
    %slice3A_1201 = vector.extract_strided_slice %get3A_1121 {offsets = [9, 0, 0], sizes = [1, 48, 384], strides = [1, 1, 1]} : vector<19x48x384xf32> to vector<1x48x384xf32>
    %squeeze3A_1202 = vector.shape_cast %slice3A_1201 : vector<1x48x384xf32> to vector<48x384xf32>
    %select_n3A_1203 = arith.select %gt3A_1200, %squeeze3A_1202, %select_n3A_1194 : vector<48x384xi1>, vector<48x384xf32>
    %jit3A_1204 = arith.constant 9 : i32
    %broadcast_in_dim3A_1205 = vector.broadcast %jit3A_1204 : i32 to vector<48x384xi32>
    %select_n3A_1206 = arith.select %gt3A_1200, %broadcast_in_dim3A_1205, %select_n3A_1197 : vector<48x384xi1>, vector<48x384xi32>
    %slice3A_1207 = vector.extract_strided_slice %get3A_1121 {offsets = [10, 0, 0], sizes = [1, 48, 384], strides = [1, 1, 1]} : vector<19x48x384xf32> to vector<1x48x384xf32>
    %squeeze3A_1208 = vector.shape_cast %slice3A_1207 : vector<1x48x384xf32> to vector<48x384xf32>
    %gt3A_1209 = arith.cmpf ogt, %squeeze3A_1208, %select_n3A_1203 : vector<48x384xf32>
    %slice3A_1210 = vector.extract_strided_slice %get3A_1121 {offsets = [10, 0, 0], sizes = [1, 48, 384], strides = [1, 1, 1]} : vector<19x48x384xf32> to vector<1x48x384xf32>
    %squeeze3A_1211 = vector.shape_cast %slice3A_1210 : vector<1x48x384xf32> to vector<48x384xf32>
    %select_n3A_1212 = arith.select %gt3A_1209, %squeeze3A_1211, %select_n3A_1203 : vector<48x384xi1>, vector<48x384xf32>
    %jit3A_1213 = arith.constant 10 : i32
    %broadcast_in_dim3A_1214 = vector.broadcast %jit3A_1213 : i32 to vector<48x384xi32>
    %select_n3A_1215 = arith.select %gt3A_1209, %broadcast_in_dim3A_1214, %select_n3A_1206 : vector<48x384xi1>, vector<48x384xi32>
    %slice3A_1216 = vector.extract_strided_slice %get3A_1121 {offsets = [11, 0, 0], sizes = [1, 48, 384], strides = [1, 1, 1]} : vector<19x48x384xf32> to vector<1x48x384xf32>
    %squeeze3A_1217 = vector.shape_cast %slice3A_1216 : vector<1x48x384xf32> to vector<48x384xf32>
    %gt3A_1218 = arith.cmpf ogt, %squeeze3A_1217, %select_n3A_1212 : vector<48x384xf32>
    %slice3A_1219 = vector.extract_strided_slice %get3A_1121 {offsets = [11, 0, 0], sizes = [1, 48, 384], strides = [1, 1, 1]} : vector<19x48x384xf32> to vector<1x48x384xf32>
    %squeeze3A_1220 = vector.shape_cast %slice3A_1219 : vector<1x48x384xf32> to vector<48x384xf32>
    %select_n3A_1221 = arith.select %gt3A_1218, %squeeze3A_1220, %select_n3A_1212 : vector<48x384xi1>, vector<48x384xf32>
    %jit3A_1222 = arith.constant 11 : i32
    %broadcast_in_dim3A_1223 = vector.broadcast %jit3A_1222 : i32 to vector<48x384xi32>
    %select_n3A_1224 = arith.select %gt3A_1218, %broadcast_in_dim3A_1223, %select_n3A_1215 : vector<48x384xi1>, vector<48x384xi32>
    %slice3A_1225 = vector.extract_strided_slice %get3A_1121 {offsets = [12, 0, 0], sizes = [1, 48, 384], strides = [1, 1, 1]} : vector<19x48x384xf32> to vector<1x48x384xf32>
    %squeeze3A_1226 = vector.shape_cast %slice3A_1225 : vector<1x48x384xf32> to vector<48x384xf32>
    %gt3A_1227 = arith.cmpf ogt, %squeeze3A_1226, %select_n3A_1221 : vector<48x384xf32>
    %slice3A_1228 = vector.extract_strided_slice %get3A_1121 {offsets = [12, 0, 0], sizes = [1, 48, 384], strides = [1, 1, 1]} : vector<19x48x384xf32> to vector<1x48x384xf32>
    %squeeze3A_1229 = vector.shape_cast %slice3A_1228 : vector<1x48x384xf32> to vector<48x384xf32>
    %select_n3A_1230 = arith.select %gt3A_1227, %squeeze3A_1229, %select_n3A_1221 : vector<48x384xi1>, vector<48x384xf32>
    %jit3A_1231 = arith.constant 12 : i32
    %broadcast_in_dim3A_1232 = vector.broadcast %jit3A_1231 : i32 to vector<48x384xi32>
    %select_n3A_1233 = arith.select %gt3A_1227, %broadcast_in_dim3A_1232, %select_n3A_1224 : vector<48x384xi1>, vector<48x384xi32>
    %slice3A_1234 = vector.extract_strided_slice %get3A_1121 {offsets = [13, 0, 0], sizes = [1, 48, 384], strides = [1, 1, 1]} : vector<19x48x384xf32> to vector<1x48x384xf32>
    %squeeze3A_1235 = vector.shape_cast %slice3A_1234 : vector<1x48x384xf32> to vector<48x384xf32>
    %gt3A_1236 = arith.cmpf ogt, %squeeze3A_1235, %select_n3A_1230 : vector<48x384xf32>
    %slice3A_1237 = vector.extract_strided_slice %get3A_1121 {offsets = [13, 0, 0], sizes = [1, 48, 384], strides = [1, 1, 1]} : vector<19x48x384xf32> to vector<1x48x384xf32>
    %squeeze3A_1238 = vector.shape_cast %slice3A_1237 : vector<1x48x384xf32> to vector<48x384xf32>
    %select_n3A_1239 = arith.select %gt3A_1236, %squeeze3A_1238, %select_n3A_1230 : vector<48x384xi1>, vector<48x384xf32>
    %jit3A_1240 = arith.constant 13 : i32
    %broadcast_in_dim3A_1241 = vector.broadcast %jit3A_1240 : i32 to vector<48x384xi32>
    %select_n3A_1242 = arith.select %gt3A_1236, %broadcast_in_dim3A_1241, %select_n3A_1233 : vector<48x384xi1>, vector<48x384xi32>
    %slice3A_1243 = vector.extract_strided_slice %get3A_1121 {offsets = [14, 0, 0], sizes = [1, 48, 384], strides = [1, 1, 1]} : vector<19x48x384xf32> to vector<1x48x384xf32>
    %squeeze3A_1244 = vector.shape_cast %slice3A_1243 : vector<1x48x384xf32> to vector<48x384xf32>
    %gt3A_1245 = arith.cmpf ogt, %squeeze3A_1244, %select_n3A_1239 : vector<48x384xf32>
    %slice3A_1246 = vector.extract_strided_slice %get3A_1121 {offsets = [14, 0, 0], sizes = [1, 48, 384], strides = [1, 1, 1]} : vector<19x48x384xf32> to vector<1x48x384xf32>
    %squeeze3A_1247 = vector.shape_cast %slice3A_1246 : vector<1x48x384xf32> to vector<48x384xf32>
    %select_n3A_1248 = arith.select %gt3A_1245, %squeeze3A_1247, %select_n3A_1239 : vector<48x384xi1>, vector<48x384xf32>
    %jit3A_1249 = arith.constant 14 : i32
    %broadcast_in_dim3A_1250 = vector.broadcast %jit3A_1249 : i32 to vector<48x384xi32>
    %select_n3A_1251 = arith.select %gt3A_1245, %broadcast_in_dim3A_1250, %select_n3A_1242 : vector<48x384xi1>, vector<48x384xi32>
    %slice3A_1252 = vector.extract_strided_slice %get3A_1121 {offsets = [15, 0, 0], sizes = [1, 48, 384], strides = [1, 1, 1]} : vector<19x48x384xf32> to vector<1x48x384xf32>
    %squeeze3A_1253 = vector.shape_cast %slice3A_1252 : vector<1x48x384xf32> to vector<48x384xf32>
    %gt3A_1254 = arith.cmpf ogt, %squeeze3A_1253, %select_n3A_1248 : vector<48x384xf32>
    %slice3A_1255 = vector.extract_strided_slice %get3A_1121 {offsets = [15, 0, 0], sizes = [1, 48, 384], strides = [1, 1, 1]} : vector<19x48x384xf32> to vector<1x48x384xf32>
    %squeeze3A_1256 = vector.shape_cast %slice3A_1255 : vector<1x48x384xf32> to vector<48x384xf32>
    %select_n3A_1257 = arith.select %gt3A_1254, %squeeze3A_1256, %select_n3A_1248 : vector<48x384xi1>, vector<48x384xf32>
    %jit3A_1258 = arith.constant 15 : i32
    %broadcast_in_dim3A_1259 = vector.broadcast %jit3A_1258 : i32 to vector<48x384xi32>
    %select_n3A_1260 = arith.select %gt3A_1254, %broadcast_in_dim3A_1259, %select_n3A_1251 : vector<48x384xi1>, vector<48x384xi32>
    %slice3A_1261 = vector.extract_strided_slice %get3A_1121 {offsets = [16, 0, 0], sizes = [1, 48, 384], strides = [1, 1, 1]} : vector<19x48x384xf32> to vector<1x48x384xf32>
    %squeeze3A_1262 = vector.shape_cast %slice3A_1261 : vector<1x48x384xf32> to vector<48x384xf32>
    %gt3A_1263 = arith.cmpf ogt, %squeeze3A_1262, %select_n3A_1257 : vector<48x384xf32>
    %slice3A_1264 = vector.extract_strided_slice %get3A_1121 {offsets = [16, 0, 0], sizes = [1, 48, 384], strides = [1, 1, 1]} : vector<19x48x384xf32> to vector<1x48x384xf32>
    %squeeze3A_1265 = vector.shape_cast %slice3A_1264 : vector<1x48x384xf32> to vector<48x384xf32>
    %select_n3A_1266 = arith.select %gt3A_1263, %squeeze3A_1265, %select_n3A_1257 : vector<48x384xi1>, vector<48x384xf32>
    %jit3A_1267 = arith.constant 16 : i32
    %broadcast_in_dim3A_1268 = vector.broadcast %jit3A_1267 : i32 to vector<48x384xi32>
    %select_n3A_1269 = arith.select %gt3A_1263, %broadcast_in_dim3A_1268, %select_n3A_1260 : vector<48x384xi1>, vector<48x384xi32>
    %slice3A_1270 = vector.extract_strided_slice %get3A_1121 {offsets = [17, 0, 0], sizes = [1, 48, 384], strides = [1, 1, 1]} : vector<19x48x384xf32> to vector<1x48x384xf32>
    %squeeze3A_1271 = vector.shape_cast %slice3A_1270 : vector<1x48x384xf32> to vector<48x384xf32>
    %gt3A_1272 = arith.cmpf ogt, %squeeze3A_1271, %select_n3A_1266 : vector<48x384xf32>
    %slice3A_1273 = vector.extract_strided_slice %get3A_1121 {offsets = [17, 0, 0], sizes = [1, 48, 384], strides = [1, 1, 1]} : vector<19x48x384xf32> to vector<1x48x384xf32>
    %squeeze3A_1274 = vector.shape_cast %slice3A_1273 : vector<1x48x384xf32> to vector<48x384xf32>
    %select_n3A_1275 = arith.select %gt3A_1272, %squeeze3A_1274, %select_n3A_1266 : vector<48x384xi1>, vector<48x384xf32>
    %jit3A_1276 = arith.constant 17 : i32
    %broadcast_in_dim3A_1277 = vector.broadcast %jit3A_1276 : i32 to vector<48x384xi32>
    %select_n3A_1278 = arith.select %gt3A_1272, %broadcast_in_dim3A_1277, %select_n3A_1269 : vector<48x384xi1>, vector<48x384xi32>
    %slice3A_1279 = vector.extract_strided_slice %get3A_1121 {offsets = [18, 0, 0], sizes = [1, 48, 384], strides = [1, 1, 1]} : vector<19x48x384xf32> to vector<1x48x384xf32>
    %squeeze3A_1280 = vector.shape_cast %slice3A_1279 : vector<1x48x384xf32> to vector<48x384xf32>
    %gt3A_1281 = arith.cmpf ogt, %squeeze3A_1280, %select_n3A_1275 : vector<48x384xf32>
    %jit3A_1282 = arith.constant 18 : i32
    %broadcast_in_dim3A_1283 = vector.broadcast %jit3A_1282 : i32 to vector<48x384xi32>
    %select_n3A_1284 = arith.select %gt3A_1281, %broadcast_in_dim3A_1283, %select_n3A_1278 : vector<48x384xi1>, vector<48x384xi32>
    %swap3A_1285 = arith.constant 288 : index
    %swap3A_1286 = arith.constant 0 : index
    %swap3A_1287 = vector.load %arg8[%swap3A_1285, %swap3A_1286] : memref<384x384xi32, #tpu.memory_space<vmem>>, vector<48x384xi32>
    tpu.vector_store %arg8[%swap3A_1285, %swap3A_1286], %select_n3A_1284 {strides = array<i32>} : memref<384x384xi32, #tpu.memory_space<vmem>>, vector<48x384xi32>,
    %dma_start3A_1288 = arith.constant 0 : i32
    %dma_start3A_1289 = arith.constant 288 : i32
    %dma_start3A_1290 = arith.constant 0 : i32
    %dma_start3A_1291 = tpu.memref_slice %arg5[%dma_start3A_1288, %dma_start3A_1289, %dma_start3A_1290] : memref<19x384x384xf32, #tpu.memory_space<any>> -> memref<19x48x384xf32, #tpu.memory_space<any>>
    tpu.enqueue_dma source(%arg12 : memref<19x48x384xf32, #tpu.memory_space<vmem>>) target(%dma_start3A_1291 : memref<19x48x384xf32, #tpu.memory_space<any>>) target_semaphore(%arg16 : memref<!tpu.dma_semaphore, #tpu.memory_space<semaphore_mem>>)
    %dma_wait3A_1292 = arith.constant 0 : i32
    %dma_wait3A_1293 = arith.constant 336 : i32
    %dma_wait3A_1294 = arith.constant 0 : i32
    %dma_wait3A_1295 = tpu.memref_slice %arg0[%dma_wait3A_1292, %dma_wait3A_1293, %dma_wait3A_1294] : memref<19x384x384xf32, #tpu.memory_space<any>> -> memref<19x48x384xf32, #tpu.memory_space<any>>
    tpu.wait_dma2 semaphore(%arg15 : memref<!tpu.dma_semaphore, #tpu.memory_space<semaphore_mem>>) src(%dma_wait3A_1295 : memref<19x48x384xf32, #tpu.memory_space<any>>) dst(%arg13 : memref<19x48x384xf32, #tpu.memory_space<vmem>>)
    %get3A_1296 = arith.constant 0 : index
    %get3A_1297 = arith.constant 0 : index
    %get3A_1298 = arith.constant 0 : index
    %get3A_1299 = vector.load %arg13[%get3A_1296, %get3A_1297, %get3A_1298] : memref<19x48x384xf32, #tpu.memory_space<vmem>>, vector<19x48x384xf32>
    %slice3A_1300 = vector.extract_strided_slice %get3A_1299 {offsets = [0, 0, 0], sizes = [1, 48, 384], strides = [1, 1, 1]} : vector<19x48x384xf32> to vector<1x48x384xf32>
    %squeeze3A_1301 = vector.shape_cast %slice3A_1300 : vector<1x48x384xf32> to vector<48x384xf32>
    %broadcast_in_dim3A_1302 = arith.constant 0 : i32
    %broadcast_in_dim3A_1303 = vector.broadcast %broadcast_in_dim3A_1302 : i32 to vector<48x384xi32>
    %slice3A_1304 = vector.extract_strided_slice %get3A_1299 {offsets = [1, 0, 0], sizes = [1, 48, 384], strides = [1, 1, 1]} : vector<19x48x384xf32> to vector<1x48x384xf32>
    %squeeze3A_1305 = vector.shape_cast %slice3A_1304 : vector<1x48x384xf32> to vector<48x384xf32>
    %gt3A_1306 = arith.cmpf ogt, %squeeze3A_1305, %squeeze3A_1301 : vector<48x384xf32>
    %slice3A_1307 = vector.extract_strided_slice %get3A_1299 {offsets = [1, 0, 0], sizes = [1, 48, 384], strides = [1, 1, 1]} : vector<19x48x384xf32> to vector<1x48x384xf32>
    %squeeze3A_1308 = vector.shape_cast %slice3A_1307 : vector<1x48x384xf32> to vector<48x384xf32>
    %select_n3A_1309 = arith.select %gt3A_1306, %squeeze3A_1308, %squeeze3A_1301 : vector<48x384xi1>, vector<48x384xf32>
    %jit3A_1310 = arith.constant 1 : i32
    %broadcast_in_dim3A_1311 = vector.broadcast %jit3A_1310 : i32 to vector<48x384xi32>
    %select_n3A_1312 = arith.select %gt3A_1306, %broadcast_in_dim3A_1311, %broadcast_in_dim3A_1303 : vector<48x384xi1>, vector<48x384xi32>
    %slice3A_1313 = vector.extract_strided_slice %get3A_1299 {offsets = [2, 0, 0], sizes = [1, 48, 384], strides = [1, 1, 1]} : vector<19x48x384xf32> to vector<1x48x384xf32>
    %squeeze3A_1314 = vector.shape_cast %slice3A_1313 : vector<1x48x384xf32> to vector<48x384xf32>
    %gt3A_1315 = arith.cmpf ogt, %squeeze3A_1314, %select_n3A_1309 : vector<48x384xf32>
    %slice3A_1316 = vector.extract_strided_slice %get3A_1299 {offsets = [2, 0, 0], sizes = [1, 48, 384], strides = [1, 1, 1]} : vector<19x48x384xf32> to vector<1x48x384xf32>
    %squeeze3A_1317 = vector.shape_cast %slice3A_1316 : vector<1x48x384xf32> to vector<48x384xf32>
    %select_n3A_1318 = arith.select %gt3A_1315, %squeeze3A_1317, %select_n3A_1309 : vector<48x384xi1>, vector<48x384xf32>
    %jit3A_1319 = arith.constant 2 : i32
    %broadcast_in_dim3A_1320 = vector.broadcast %jit3A_1319 : i32 to vector<48x384xi32>
    %select_n3A_1321 = arith.select %gt3A_1315, %broadcast_in_dim3A_1320, %select_n3A_1312 : vector<48x384xi1>, vector<48x384xi32>
    %slice3A_1322 = vector.extract_strided_slice %get3A_1299 {offsets = [3, 0, 0], sizes = [1, 48, 384], strides = [1, 1, 1]} : vector<19x48x384xf32> to vector<1x48x384xf32>
    %squeeze3A_1323 = vector.shape_cast %slice3A_1322 : vector<1x48x384xf32> to vector<48x384xf32>
    %gt3A_1324 = arith.cmpf ogt, %squeeze3A_1323, %select_n3A_1318 : vector<48x384xf32>
    %slice3A_1325 = vector.extract_strided_slice %get3A_1299 {offsets = [3, 0, 0], sizes = [1, 48, 384], strides = [1, 1, 1]} : vector<19x48x384xf32> to vector<1x48x384xf32>
    %squeeze3A_1326 = vector.shape_cast %slice3A_1325 : vector<1x48x384xf32> to vector<48x384xf32>
    %select_n3A_1327 = arith.select %gt3A_1324, %squeeze3A_1326, %select_n3A_1318 : vector<48x384xi1>, vector<48x384xf32>
    %jit3A_1328 = arith.constant 3 : i32
    %broadcast_in_dim3A_1329 = vector.broadcast %jit3A_1328 : i32 to vector<48x384xi32>
    %select_n3A_1330 = arith.select %gt3A_1324, %broadcast_in_dim3A_1329, %select_n3A_1321 : vector<48x384xi1>, vector<48x384xi32>
    %slice3A_1331 = vector.extract_strided_slice %get3A_1299 {offsets = [4, 0, 0], sizes = [1, 48, 384], strides = [1, 1, 1]} : vector<19x48x384xf32> to vector<1x48x384xf32>
    %squeeze3A_1332 = vector.shape_cast %slice3A_1331 : vector<1x48x384xf32> to vector<48x384xf32>
    %gt3A_1333 = arith.cmpf ogt, %squeeze3A_1332, %select_n3A_1327 : vector<48x384xf32>
    %slice3A_1334 = vector.extract_strided_slice %get3A_1299 {offsets = [4, 0, 0], sizes = [1, 48, 384], strides = [1, 1, 1]} : vector<19x48x384xf32> to vector<1x48x384xf32>
    %squeeze3A_1335 = vector.shape_cast %slice3A_1334 : vector<1x48x384xf32> to vector<48x384xf32>
    %select_n3A_1336 = arith.select %gt3A_1333, %squeeze3A_1335, %select_n3A_1327 : vector<48x384xi1>, vector<48x384xf32>
    %jit3A_1337 = arith.constant 4 : i32
    %broadcast_in_dim3A_1338 = vector.broadcast %jit3A_1337 : i32 to vector<48x384xi32>
    %select_n3A_1339 = arith.select %gt3A_1333, %broadcast_in_dim3A_1338, %select_n3A_1330 : vector<48x384xi1>, vector<48x384xi32>
    %slice3A_1340 = vector.extract_strided_slice %get3A_1299 {offsets = [5, 0, 0], sizes = [1, 48, 384], strides = [1, 1, 1]} : vector<19x48x384xf32> to vector<1x48x384xf32>
    %squeeze3A_1341 = vector.shape_cast %slice3A_1340 : vector<1x48x384xf32> to vector<48x384xf32>
    %gt3A_1342 = arith.cmpf ogt, %squeeze3A_1341, %select_n3A_1336 : vector<48x384xf32>
    %slice3A_1343 = vector.extract_strided_slice %get3A_1299 {offsets = [5, 0, 0], sizes = [1, 48, 384], strides = [1, 1, 1]} : vector<19x48x384xf32> to vector<1x48x384xf32>
    %squeeze3A_1344 = vector.shape_cast %slice3A_1343 : vector<1x48x384xf32> to vector<48x384xf32>
    %select_n3A_1345 = arith.select %gt3A_1342, %squeeze3A_1344, %select_n3A_1336 : vector<48x384xi1>, vector<48x384xf32>
    %jit3A_1346 = arith.constant 5 : i32
    %broadcast_in_dim3A_1347 = vector.broadcast %jit3A_1346 : i32 to vector<48x384xi32>
    %select_n3A_1348 = arith.select %gt3A_1342, %broadcast_in_dim3A_1347, %select_n3A_1339 : vector<48x384xi1>, vector<48x384xi32>
    %slice3A_1349 = vector.extract_strided_slice %get3A_1299 {offsets = [6, 0, 0], sizes = [1, 48, 384], strides = [1, 1, 1]} : vector<19x48x384xf32> to vector<1x48x384xf32>
    %squeeze3A_1350 = vector.shape_cast %slice3A_1349 : vector<1x48x384xf32> to vector<48x384xf32>
    %gt3A_1351 = arith.cmpf ogt, %squeeze3A_1350, %select_n3A_1345 : vector<48x384xf32>
    %slice3A_1352 = vector.extract_strided_slice %get3A_1299 {offsets = [6, 0, 0], sizes = [1, 48, 384], strides = [1, 1, 1]} : vector<19x48x384xf32> to vector<1x48x384xf32>
    %squeeze3A_1353 = vector.shape_cast %slice3A_1352 : vector<1x48x384xf32> to vector<48x384xf32>
    %select_n3A_1354 = arith.select %gt3A_1351, %squeeze3A_1353, %select_n3A_1345 : vector<48x384xi1>, vector<48x384xf32>
    %jit3A_1355 = arith.constant 6 : i32
    %broadcast_in_dim3A_1356 = vector.broadcast %jit3A_1355 : i32 to vector<48x384xi32>
    %select_n3A_1357 = arith.select %gt3A_1351, %broadcast_in_dim3A_1356, %select_n3A_1348 : vector<48x384xi1>, vector<48x384xi32>
    %slice3A_1358 = vector.extract_strided_slice %get3A_1299 {offsets = [7, 0, 0], sizes = [1, 48, 384], strides = [1, 1, 1]} : vector<19x48x384xf32> to vector<1x48x384xf32>
    %squeeze3A_1359 = vector.shape_cast %slice3A_1358 : vector<1x48x384xf32> to vector<48x384xf32>
    %gt3A_1360 = arith.cmpf ogt, %squeeze3A_1359, %select_n3A_1354 : vector<48x384xf32>
    %slice3A_1361 = vector.extract_strided_slice %get3A_1299 {offsets = [7, 0, 0], sizes = [1, 48, 384], strides = [1, 1, 1]} : vector<19x48x384xf32> to vector<1x48x384xf32>
    %squeeze3A_1362 = vector.shape_cast %slice3A_1361 : vector<1x48x384xf32> to vector<48x384xf32>
    %select_n3A_1363 = arith.select %gt3A_1360, %squeeze3A_1362, %select_n3A_1354 : vector<48x384xi1>, vector<48x384xf32>
    %jit3A_1364 = arith.constant 7 : i32
    %broadcast_in_dim3A_1365 = vector.broadcast %jit3A_1364 : i32 to vector<48x384xi32>
    %select_n3A_1366 = arith.select %gt3A_1360, %broadcast_in_dim3A_1365, %select_n3A_1357 : vector<48x384xi1>, vector<48x384xi32>
    %slice3A_1367 = vector.extract_strided_slice %get3A_1299 {offsets = [8, 0, 0], sizes = [1, 48, 384], strides = [1, 1, 1]} : vector<19x48x384xf32> to vector<1x48x384xf32>
    %squeeze3A_1368 = vector.shape_cast %slice3A_1367 : vector<1x48x384xf32> to vector<48x384xf32>
    %gt3A_1369 = arith.cmpf ogt, %squeeze3A_1368, %select_n3A_1363 : vector<48x384xf32>
    %slice3A_1370 = vector.extract_strided_slice %get3A_1299 {offsets = [8, 0, 0], sizes = [1, 48, 384], strides = [1, 1, 1]} : vector<19x48x384xf32> to vector<1x48x384xf32>
    %squeeze3A_1371 = vector.shape_cast %slice3A_1370 : vector<1x48x384xf32> to vector<48x384xf32>
    %select_n3A_1372 = arith.select %gt3A_1369, %squeeze3A_1371, %select_n3A_1363 : vector<48x384xi1>, vector<48x384xf32>
    %jit3A_1373 = arith.constant 8 : i32
    %broadcast_in_dim3A_1374 = vector.broadcast %jit3A_1373 : i32 to vector<48x384xi32>
    %select_n3A_1375 = arith.select %gt3A_1369, %broadcast_in_dim3A_1374, %select_n3A_1366 : vector<48x384xi1>, vector<48x384xi32>
    %slice3A_1376 = vector.extract_strided_slice %get3A_1299 {offsets = [9, 0, 0], sizes = [1, 48, 384], strides = [1, 1, 1]} : vector<19x48x384xf32> to vector<1x48x384xf32>
    %squeeze3A_1377 = vector.shape_cast %slice3A_1376 : vector<1x48x384xf32> to vector<48x384xf32>
    %gt3A_1378 = arith.cmpf ogt, %squeeze3A_1377, %select_n3A_1372 : vector<48x384xf32>
    %slice3A_1379 = vector.extract_strided_slice %get3A_1299 {offsets = [9, 0, 0], sizes = [1, 48, 384], strides = [1, 1, 1]} : vector<19x48x384xf32> to vector<1x48x384xf32>
    %squeeze3A_1380 = vector.shape_cast %slice3A_1379 : vector<1x48x384xf32> to vector<48x384xf32>
    %select_n3A_1381 = arith.select %gt3A_1378, %squeeze3A_1380, %select_n3A_1372 : vector<48x384xi1>, vector<48x384xf32>
    %jit3A_1382 = arith.constant 9 : i32
    %broadcast_in_dim3A_1383 = vector.broadcast %jit3A_1382 : i32 to vector<48x384xi32>
    %select_n3A_1384 = arith.select %gt3A_1378, %broadcast_in_dim3A_1383, %select_n3A_1375 : vector<48x384xi1>, vector<48x384xi32>
    %slice3A_1385 = vector.extract_strided_slice %get3A_1299 {offsets = [10, 0, 0], sizes = [1, 48, 384], strides = [1, 1, 1]} : vector<19x48x384xf32> to vector<1x48x384xf32>
    %squeeze3A_1386 = vector.shape_cast %slice3A_1385 : vector<1x48x384xf32> to vector<48x384xf32>
    %gt3A_1387 = arith.cmpf ogt, %squeeze3A_1386, %select_n3A_1381 : vector<48x384xf32>
    %slice3A_1388 = vector.extract_strided_slice %get3A_1299 {offsets = [10, 0, 0], sizes = [1, 48, 384], strides = [1, 1, 1]} : vector<19x48x384xf32> to vector<1x48x384xf32>
    %squeeze3A_1389 = vector.shape_cast %slice3A_1388 : vector<1x48x384xf32> to vector<48x384xf32>
    %select_n3A_1390 = arith.select %gt3A_1387, %squeeze3A_1389, %select_n3A_1381 : vector<48x384xi1>, vector<48x384xf32>
    %jit3A_1391 = arith.constant 10 : i32
    %broadcast_in_dim3A_1392 = vector.broadcast %jit3A_1391 : i32 to vector<48x384xi32>
    %select_n3A_1393 = arith.select %gt3A_1387, %broadcast_in_dim3A_1392, %select_n3A_1384 : vector<48x384xi1>, vector<48x384xi32>
    %slice3A_1394 = vector.extract_strided_slice %get3A_1299 {offsets = [11, 0, 0], sizes = [1, 48, 384], strides = [1, 1, 1]} : vector<19x48x384xf32> to vector<1x48x384xf32>
    %squeeze3A_1395 = vector.shape_cast %slice3A_1394 : vector<1x48x384xf32> to vector<48x384xf32>
    %gt3A_1396 = arith.cmpf ogt, %squeeze3A_1395, %select_n3A_1390 : vector<48x384xf32>
    %slice3A_1397 = vector.extract_strided_slice %get3A_1299 {offsets = [11, 0, 0], sizes = [1, 48, 384], strides = [1, 1, 1]} : vector<19x48x384xf32> to vector<1x48x384xf32>
    %squeeze3A_1398 = vector.shape_cast %slice3A_1397 : vector<1x48x384xf32> to vector<48x384xf32>
    %select_n3A_1399 = arith.select %gt3A_1396, %squeeze3A_1398, %select_n3A_1390 : vector<48x384xi1>, vector<48x384xf32>
    %jit3A_1400 = arith.constant 11 : i32
    %broadcast_in_dim3A_1401 = vector.broadcast %jit3A_1400 : i32 to vector<48x384xi32>
    %select_n3A_1402 = arith.select %gt3A_1396, %broadcast_in_dim3A_1401, %select_n3A_1393 : vector<48x384xi1>, vector<48x384xi32>
    %slice3A_1403 = vector.extract_strided_slice %get3A_1299 {offsets = [12, 0, 0], sizes = [1, 48, 384], strides = [1, 1, 1]} : vector<19x48x384xf32> to vector<1x48x384xf32>
    %squeeze3A_1404 = vector.shape_cast %slice3A_1403 : vector<1x48x384xf32> to vector<48x384xf32>
    %gt3A_1405 = arith.cmpf ogt, %squeeze3A_1404, %select_n3A_1399 : vector<48x384xf32>
    %slice3A_1406 = vector.extract_strided_slice %get3A_1299 {offsets = [12, 0, 0], sizes = [1, 48, 384], strides = [1, 1, 1]} : vector<19x48x384xf32> to vector<1x48x384xf32>
    %squeeze3A_1407 = vector.shape_cast %slice3A_1406 : vector<1x48x384xf32> to vector<48x384xf32>
    %select_n3A_1408 = arith.select %gt3A_1405, %squeeze3A_1407, %select_n3A_1399 : vector<48x384xi1>, vector<48x384xf32>
    %jit3A_1409 = arith.constant 12 : i32
    %broadcast_in_dim3A_1410 = vector.broadcast %jit3A_1409 : i32 to vector<48x384xi32>
    %select_n3A_1411 = arith.select %gt3A_1405, %broadcast_in_dim3A_1410, %select_n3A_1402 : vector<48x384xi1>, vector<48x384xi32>
    %slice3A_1412 = vector.extract_strided_slice %get3A_1299 {offsets = [13, 0, 0], sizes = [1, 48, 384], strides = [1, 1, 1]} : vector<19x48x384xf32> to vector<1x48x384xf32>
    %squeeze3A_1413 = vector.shape_cast %slice3A_1412 : vector<1x48x384xf32> to vector<48x384xf32>
    %gt3A_1414 = arith.cmpf ogt, %squeeze3A_1413, %select_n3A_1408 : vector<48x384xf32>
    %slice3A_1415 = vector.extract_strided_slice %get3A_1299 {offsets = [13, 0, 0], sizes = [1, 48, 384], strides = [1, 1, 1]} : vector<19x48x384xf32> to vector<1x48x384xf32>
    %squeeze3A_1416 = vector.shape_cast %slice3A_1415 : vector<1x48x384xf32> to vector<48x384xf32>
    %select_n3A_1417 = arith.select %gt3A_1414, %squeeze3A_1416, %select_n3A_1408 : vector<48x384xi1>, vector<48x384xf32>
    %jit3A_1418 = arith.constant 13 : i32
    %broadcast_in_dim3A_1419 = vector.broadcast %jit3A_1418 : i32 to vector<48x384xi32>
    %select_n3A_1420 = arith.select %gt3A_1414, %broadcast_in_dim3A_1419, %select_n3A_1411 : vector<48x384xi1>, vector<48x384xi32>
    %slice3A_1421 = vector.extract_strided_slice %get3A_1299 {offsets = [14, 0, 0], sizes = [1, 48, 384], strides = [1, 1, 1]} : vector<19x48x384xf32> to vector<1x48x384xf32>
    %squeeze3A_1422 = vector.shape_cast %slice3A_1421 : vector<1x48x384xf32> to vector<48x384xf32>
    %gt3A_1423 = arith.cmpf ogt, %squeeze3A_1422, %select_n3A_1417 : vector<48x384xf32>
    %slice3A_1424 = vector.extract_strided_slice %get3A_1299 {offsets = [14, 0, 0], sizes = [1, 48, 384], strides = [1, 1, 1]} : vector<19x48x384xf32> to vector<1x48x384xf32>
    %squeeze3A_1425 = vector.shape_cast %slice3A_1424 : vector<1x48x384xf32> to vector<48x384xf32>
    %select_n3A_1426 = arith.select %gt3A_1423, %squeeze3A_1425, %select_n3A_1417 : vector<48x384xi1>, vector<48x384xf32>
    %jit3A_1427 = arith.constant 14 : i32
    %broadcast_in_dim3A_1428 = vector.broadcast %jit3A_1427 : i32 to vector<48x384xi32>
    %select_n3A_1429 = arith.select %gt3A_1423, %broadcast_in_dim3A_1428, %select_n3A_1420 : vector<48x384xi1>, vector<48x384xi32>
    %slice3A_1430 = vector.extract_strided_slice %get3A_1299 {offsets = [15, 0, 0], sizes = [1, 48, 384], strides = [1, 1, 1]} : vector<19x48x384xf32> to vector<1x48x384xf32>
    %squeeze3A_1431 = vector.shape_cast %slice3A_1430 : vector<1x48x384xf32> to vector<48x384xf32>
    %gt3A_1432 = arith.cmpf ogt, %squeeze3A_1431, %select_n3A_1426 : vector<48x384xf32>
    %slice3A_1433 = vector.extract_strided_slice %get3A_1299 {offsets = [15, 0, 0], sizes = [1, 48, 384], strides = [1, 1, 1]} : vector<19x48x384xf32> to vector<1x48x384xf32>
    %squeeze3A_1434 = vector.shape_cast %slice3A_1433 : vector<1x48x384xf32> to vector<48x384xf32>
    %select_n3A_1435 = arith.select %gt3A_1432, %squeeze3A_1434, %select_n3A_1426 : vector<48x384xi1>, vector<48x384xf32>
    %jit3A_1436 = arith.constant 15 : i32
    %broadcast_in_dim3A_1437 = vector.broadcast %jit3A_1436 : i32 to vector<48x384xi32>
    %select_n3A_1438 = arith.select %gt3A_1432, %broadcast_in_dim3A_1437, %select_n3A_1429 : vector<48x384xi1>, vector<48x384xi32>
    %slice3A_1439 = vector.extract_strided_slice %get3A_1299 {offsets = [16, 0, 0], sizes = [1, 48, 384], strides = [1, 1, 1]} : vector<19x48x384xf32> to vector<1x48x384xf32>
    %squeeze3A_1440 = vector.shape_cast %slice3A_1439 : vector<1x48x384xf32> to vector<48x384xf32>
    %gt3A_1441 = arith.cmpf ogt, %squeeze3A_1440, %select_n3A_1435 : vector<48x384xf32>
    %slice3A_1442 = vector.extract_strided_slice %get3A_1299 {offsets = [16, 0, 0], sizes = [1, 48, 384], strides = [1, 1, 1]} : vector<19x48x384xf32> to vector<1x48x384xf32>
    %squeeze3A_1443 = vector.shape_cast %slice3A_1442 : vector<1x48x384xf32> to vector<48x384xf32>
    %select_n3A_1444 = arith.select %gt3A_1441, %squeeze3A_1443, %select_n3A_1435 : vector<48x384xi1>, vector<48x384xf32>
    %jit3A_1445 = arith.constant 16 : i32
    %broadcast_in_dim3A_1446 = vector.broadcast %jit3A_1445 : i32 to vector<48x384xi32>
    %select_n3A_1447 = arith.select %gt3A_1441, %broadcast_in_dim3A_1446, %select_n3A_1438 : vector<48x384xi1>, vector<48x384xi32>
    %slice3A_1448 = vector.extract_strided_slice %get3A_1299 {offsets = [17, 0, 0], sizes = [1, 48, 384], strides = [1, 1, 1]} : vector<19x48x384xf32> to vector<1x48x384xf32>
    %squeeze3A_1449 = vector.shape_cast %slice3A_1448 : vector<1x48x384xf32> to vector<48x384xf32>
    %gt3A_1450 = arith.cmpf ogt, %squeeze3A_1449, %select_n3A_1444 : vector<48x384xf32>
    %slice3A_1451 = vector.extract_strided_slice %get3A_1299 {offsets = [17, 0, 0], sizes = [1, 48, 384], strides = [1, 1, 1]} : vector<19x48x384xf32> to vector<1x48x384xf32>
    %squeeze3A_1452 = vector.shape_cast %slice3A_1451 : vector<1x48x384xf32> to vector<48x384xf32>
    %select_n3A_1453 = arith.select %gt3A_1450, %squeeze3A_1452, %select_n3A_1444 : vector<48x384xi1>, vector<48x384xf32>
    %jit3A_1454 = arith.constant 17 : i32
    %broadcast_in_dim3A_1455 = vector.broadcast %jit3A_1454 : i32 to vector<48x384xi32>
    %select_n3A_1456 = arith.select %gt3A_1450, %broadcast_in_dim3A_1455, %select_n3A_1447 : vector<48x384xi1>, vector<48x384xi32>
    %slice3A_1457 = vector.extract_strided_slice %get3A_1299 {offsets = [18, 0, 0], sizes = [1, 48, 384], strides = [1, 1, 1]} : vector<19x48x384xf32> to vector<1x48x384xf32>
    %squeeze3A_1458 = vector.shape_cast %slice3A_1457 : vector<1x48x384xf32> to vector<48x384xf32>
    %gt3A_1459 = arith.cmpf ogt, %squeeze3A_1458, %select_n3A_1453 : vector<48x384xf32>
    %jit3A_1460 = arith.constant 18 : i32
    %broadcast_in_dim3A_1461 = vector.broadcast %jit3A_1460 : i32 to vector<48x384xi32>
    %select_n3A_1462 = arith.select %gt3A_1459, %broadcast_in_dim3A_1461, %select_n3A_1456 : vector<48x384xi1>, vector<48x384xi32>
    %swap3A_1463 = arith.constant 336 : index
    %swap3A_1464 = arith.constant 0 : index
    %swap3A_1465 = vector.load %arg8[%swap3A_1463, %swap3A_1464] : memref<384x384xi32, #tpu.memory_space<vmem>>, vector<48x384xi32>
    tpu.vector_store %arg8[%swap3A_1463, %swap3A_1464], %select_n3A_1462 {strides = array<i32>} : memref<384x384xi32, #tpu.memory_space<vmem>>, vector<48x384xi32>,
    %dma_start3A_1466 = arith.constant 0 : i32
    %dma_start3A_1467 = arith.constant 336 : i32
    %dma_start3A_1468 = arith.constant 0 : i32
    %dma_start3A_1469 = tpu.memref_slice %arg5[%dma_start3A_1466, %dma_start3A_1467, %dma_start3A_1468] : memref<19x384x384xf32, #tpu.memory_space<any>> -> memref<19x48x384xf32, #tpu.memory_space<any>>
    tpu.enqueue_dma source(%arg13 : memref<19x48x384xf32, #tpu.memory_space<vmem>>) target(%dma_start3A_1469 : memref<19x48x384xf32, #tpu.memory_space<any>>) target_semaphore(%arg17 : memref<!tpu.dma_semaphore, #tpu.memory_space<semaphore_mem>>)
    %get3A_1470 = arith.constant 0 : index
    %get3A_1471 = arith.constant 0 : index
    %get3A_1472 = vector.load %arg1[%get3A_1470, %get3A_1471] : memref<384x384xf32, #tpu.memory_space<vmem>>, vector<384x384xf32>
    %broadcast_in_dim3A_1473 = arith.constant 0xFF800000 : f32
    %broadcast_in_dim3A_1474 = vector.broadcast %broadcast_in_dim3A_1473 : f32 to vector<3x384xf32>
    %concatenate3A = tpu.concatenate %broadcast_in_dim3A_1474, %get3A_1472, %broadcast_in_dim3A_1474 in 0 : vector<3x384xf32>, vector<384x384xf32>, vector<3x384xf32> -> vector<390x384xf32>
    %slice3A_1475 = vector.extract_strided_slice %concatenate3A {offsets = [0, 0], sizes = [384, 384], strides = [1, 1]} : vector<390x384xf32> to vector<384x384xf32>
    %slice3A_1476 = vector.extract_strided_slice %concatenate3A {offsets = [1, 0], sizes = [384, 384], strides = [1, 1]} : vector<390x384xf32> to vector<384x384xf32>
    %max3A = arith.maximumf %slice3A_1475, %slice3A_1476 : vector<384x384xf32>
    %slice3A_1477 = vector.extract_strided_slice %concatenate3A {offsets = [2, 0], sizes = [384, 384], strides = [1, 1]} : vector<390x384xf32> to vector<384x384xf32>
    %max3A_1478 = arith.maximumf %max3A, %slice3A_1477 : vector<384x384xf32>
    %slice3A_1479 = vector.extract_strided_slice %concatenate3A {offsets = [3, 0], sizes = [384, 384], strides = [1, 1]} : vector<390x384xf32> to vector<384x384xf32>
    %max3A_1480 = arith.maximumf %max3A_1478, %slice3A_1479 : vector<384x384xf32>
    %slice3A_1481 = vector.extract_strided_slice %concatenate3A {offsets = [4, 0], sizes = [384, 384], strides = [1, 1]} : vector<390x384xf32> to vector<384x384xf32>
    %max3A_1482 = arith.maximumf %max3A_1480, %slice3A_1481 : vector<384x384xf32>
    %slice3A_1483 = vector.extract_strided_slice %concatenate3A {offsets = [5, 0], sizes = [384, 384], strides = [1, 1]} : vector<390x384xf32> to vector<384x384xf32>
    %max3A_1484 = arith.maximumf %max3A_1482, %slice3A_1483 : vector<384x384xf32>
    %slice3A_1485 = vector.extract_strided_slice %concatenate3A {offsets = [6, 0], sizes = [384, 384], strides = [1, 1]} : vector<390x384xf32> to vector<384x384xf32>
    %max3A_1486 = arith.maximumf %max3A_1484, %slice3A_1485 : vector<384x384xf32>
    %broadcast_in_dim3A_1487 = arith.constant 0xFF800000 : f32
    %broadcast_in_dim3A_1488 = vector.broadcast %broadcast_in_dim3A_1487 : f32 to vector<384x3xf32>
    %concatenate3A_1489 = tpu.concatenate %broadcast_in_dim3A_1488, %max3A_1486, %broadcast_in_dim3A_1488 in 1 : vector<384x3xf32>, vector<384x384xf32>, vector<384x3xf32> -> vector<384x390xf32>
    %slice3A_1490 = vector.extract_strided_slice %concatenate3A_1489 {offsets = [0, 0], sizes = [384, 384], strides = [1, 1]} : vector<384x390xf32> to vector<384x384xf32>
    %slice3A_1491 = vector.extract_strided_slice %concatenate3A_1489 {offsets = [0, 1], sizes = [384, 384], strides = [1, 1]} : vector<384x390xf32> to vector<384x384xf32>
    %max3A_1492 = arith.maximumf %slice3A_1490, %slice3A_1491 : vector<384x384xf32>
    %slice3A_1493 = vector.extract_strided_slice %concatenate3A_1489 {offsets = [0, 2], sizes = [384, 384], strides = [1, 1]} : vector<384x390xf32> to vector<384x384xf32>
    %max3A_1494 = arith.maximumf %max3A_1492, %slice3A_1493 : vector<384x384xf32>
    %slice3A_1495 = vector.extract_strided_slice %concatenate3A_1489 {offsets = [0, 3], sizes = [384, 384], strides = [1, 1]} : vector<384x390xf32> to vector<384x384xf32>
    %max3A_1496 = arith.maximumf %max3A_1494, %slice3A_1495 : vector<384x384xf32>
    %slice3A_1497 = vector.extract_strided_slice %concatenate3A_1489 {offsets = [0, 4], sizes = [384, 384], strides = [1, 1]} : vector<384x390xf32> to vector<384x384xf32>
    %max3A_1498 = arith.maximumf %max3A_1496, %slice3A_1497 : vector<384x384xf32>
    %slice3A_1499 = vector.extract_strided_slice %concatenate3A_1489 {offsets = [0, 5], sizes = [384, 384], strides = [1, 1]} : vector<384x390xf32> to vector<384x384xf32>
    %max3A_1500 = arith.maximumf %max3A_1498, %slice3A_1499 : vector<384x384xf32>
    %slice3A_1501 = vector.extract_strided_slice %concatenate3A_1489 {offsets = [0, 6], sizes = [384, 384], strides = [1, 1]} : vector<384x390xf32> to vector<384x384xf32>
    %max3A_1502 = arith.maximumf %max3A_1500, %slice3A_1501 : vector<384x384xf32>
    %gt3A_1503 = arith.constant 1.000000e-01 : f32
    %gt3A_1504 = vector.broadcast %gt3A_1503 : f32 to vector<384x384xf32>
    %gt3A_1505 = arith.cmpf ogt, %get3A_1472, %gt3A_1504 : vector<384x384xf32>
    %eq3A = arith.cmpf oeq, %get3A_1472, %max3A_1502 : vector<384x384xf32>
    %and3A = arith.andi %gt3A_1505, %eq3A : vector<384x384xi1>
    %jit3A_1506 = arith.constant 0xFF800000 : f32
    %broadcast_in_dim3A_1507 = vector.broadcast %jit3A_1506 : f32 to vector<384x384xf32>
    %select_n3A_1508 = arith.select %and3A, %get3A_1472, %broadcast_in_dim3A_1507 : vector<384x384xi1>, vector<384x384xf32>
    %get3A_1509 = arith.constant 0 : index
    %get3A_1510 = arith.constant 0 : index
    %get3A_1511 = vector.load %arg8[%get3A_1509, %get3A_1510] : memref<384x384xi32, #tpu.memory_space<vmem>>, vector<384x384xi32>
    %get3A_1512 = arith.constant 0 : index
    %get3A_1513 = arith.constant 0 : index
    %get3A_1514 = arith.constant 0 : index
    %get3A_1515 = vector.load %arg3[%get3A_1512, %get3A_1513, %get3A_1514] : memref<2x384x384xi32, #tpu.memory_space<vmem>>, vector<1x384x384xi32>
    %get3A_1516 = vector.shape_cast %get3A_1515 : vector<1x384x384xi32> to vector<384x384xi32>
    %get3A_1517 = arith.constant 1 : index
    %get3A_1518 = arith.constant 0 : index
    %get3A_1519 = arith.constant 0 : index
    %get3A_1520 = vector.load %arg3[%get3A_1517, %get3A_1518, %get3A_1519] : memref<2x384x384xi32, #tpu.memory_space<vmem>>, vector<1x384x384xi32>
    %get3A_1521 = vector.shape_cast %get3A_1520 : vector<1x384x384xi32> to vector<384x384xi32>
    %add3A = arith.addi %get3A_1516, %get3A_1521 : vector<384x384xi32>
    %ge3A = arith.constant 11 : i32
    %ge3A_1522 = vector.broadcast %ge3A : i32 to vector<384x384xi32>
    %ge3A_1523 = arith.cmpi sge, %get3A_1511, %ge3A_1522 : vector<384x384xi32>
    %le3A = arith.constant 18 : i32
    %le3A_1524 = vector.broadcast %le3A : i32 to vector<384x384xi32>
    %le3A_1525 = arith.cmpi sle, %get3A_1511, %le3A_1524 : vector<384x384xi32>
    %and3A_1526 = arith.andi %ge3A_1523, %le3A_1525 : vector<384x384xi1>
    %lt3A = arith.constant 0x7F800000 : f32
    %lt3A_1527 = vector.broadcast %lt3A : f32 to vector<384x384xf32>
    %lt3A_1528 = arith.cmpf olt, %get3A_1472, %lt3A_1527 : vector<384x384xf32>
    %and3A_1529 = arith.andi %and3A, %lt3A_1528 : vector<384x384xi1>
    %ge3A_1530 = arith.constant 32 : i32
    %ge3A_1531 = vector.broadcast %ge3A_1530 : i32 to vector<384x384xi32>
    %ge3A_1532 = arith.cmpi sge, %add3A, %ge3A_1531 : vector<384x384xi32>
    %and3A_1533 = arith.andi %and3A_1529, %ge3A_1532 : vector<384x384xi1>
    %and3A_1534 = arith.andi %and3A_1533, %and3A_1526 : vector<384x384xi1>
    %convert_element_type3A = arith.extui %and3A_1534 : vector<384x384xi1> to vector<384x384xi32>
    %reduce_sum3A = vector.shape_cast %convert_element_type3A : vector<384x384xi32> to vector<1x384x384xi32>
    %reduce_sum3A_1535 = arith.constant dense<0> : vector<1xi32>
    %reduce_sum3A_1536 = vector.multi_reduction <add>, %reduce_sum3A, %reduce_sum3A_1535 [1, 2] : vector<1x384x384xi32> to vector<1xi32>
    %reduce_sum3A_1537 = vector.shape_cast %reduce_sum3A_1536 : vector<1xi32> to vector<1x1x1xi32>
    %reduce_sum3A_1538 = vector.extract %reduce_sum3A_1537[0, 0, 0] : i32 from vector<1x1x1xi32>
    %swap3A_1539 = arith.constant 0 : index
    %swap3A_1540 = arith.constant 0 : index
    %swap3A_1541 = vector.load %arg4[%swap3A_1539, %swap3A_1540] : memref<384x384xi32, #tpu.memory_space<vmem>>, vector<384x384xi32>
    tpu.vector_store %arg4[%swap3A_1539, %swap3A_1540], %get3A_1511 {strides = array<i32>} : memref<384x384xi32, #tpu.memory_space<vmem>>, vector<384x384xi32>,
    %gt3A_1542 = arith.constant 0 : i32
    %gt3A_1543 = arith.cmpi sgt, %reduce_sum3A_1538, %gt3A_1542 : i32
    %convert_element_type3A_1544 = arith.extui %gt3A_1543 : i1 to i32
    %cond3A = arith.constant 0 : i32
    %cond3A_1545 = arith.cmpi ne, %convert_element_type3A_1544, %cond3A : i32
    scf.if %cond3A_1545 {
      %iota3A = tpu.iota {dimensions = array<i32: 0>} : vector<384x384xi32>
      %iota3A_1554 = tpu.iota {dimensions = array<i32: 1>} : vector<384x384xi32>
      %mul3A = arith.constant 384 : i32
      %mul3A_1555 = vector.broadcast %mul3A : i32 to vector<384x384xi32>
      %mul3A_1556 = arith.muli %iota3A, %mul3A_1555 : vector<384x384xi32>
      %add3A_1557 = arith.addi %mul3A_1556, %iota3A_1554 : vector<384x384xi32>
      %convert_element_type3A_1558 = arith.sitofp %iota3A : vector<384x384xi32> to vector<384x384xf32>
      %get3A_1559 = arith.constant 0 : index
      %get3A_1560 = arith.constant 0 : index
      %get3A_1561 = arith.constant 0 : index
      %get3A_1562 = vector.load %arg2[%get3A_1559, %get3A_1560, %get3A_1561] : memref<2x384x384xf32, #tpu.memory_space<vmem>>, vector<1x384x384xf32>
      %get3A_1563 = vector.shape_cast %get3A_1562 : vector<1x384x384xf32> to vector<384x384xf32>
      %add3A_1564 = arith.addf %convert_element_type3A_1558, %get3A_1563 : vector<384x384xf32>
      %swap3A_1565 = arith.constant 0 : index
      %swap3A_1566 = arith.constant 0 : index
      %swap3A_1567 = vector.load %arg10[%swap3A_1565, %swap3A_1566] : memref<384x384xf32, #tpu.memory_space<vmem>>, vector<384x384xf32>
      tpu.vector_store %arg10[%swap3A_1565, %swap3A_1566], %add3A_1564 {strides = array<i32>} : memref<384x384xf32, #tpu.memory_space<vmem>>, vector<384x384xf32>,
      %convert_element_type3A_1568 = arith.sitofp %iota3A_1554 : vector<384x384xi32> to vector<384x384xf32>
      %get3A_1569 = arith.constant 1 : index
      %get3A_1570 = arith.constant 0 : index
      %get3A_1571 = arith.constant 0 : index
      %get3A_1572 = vector.load %arg2[%get3A_1569, %get3A_1570, %get3A_1571] : memref<2x384x384xf32, #tpu.memory_space<vmem>>, vector<1x384x384xf32>
      %get3A_1573 = vector.shape_cast %get3A_1572 : vector<1x384x384xf32> to vector<384x384xf32>
      %add3A_1574 = arith.addf %convert_element_type3A_1568, %get3A_1573 : vector<384x384xf32>
      %swap3A_1575 = arith.constant 0 : index
      %swap3A_1576 = arith.constant 0 : index
      %swap3A_1577 = vector.load %arg11[%swap3A_1575, %swap3A_1576] : memref<384x384xf32, #tpu.memory_space<vmem>>, vector<384x384xf32>
      tpu.vector_store %arg11[%swap3A_1575, %swap3A_1576], %add3A_1574 {strides = array<i32>} : memref<384x384xf32, #tpu.memory_space<vmem>>, vector<384x384xf32>,
      %jit3A_1578 = arith.constant 0xFF800000 : f32
      %broadcast_in_dim3A_1579 = vector.broadcast %jit3A_1578 : f32 to vector<384x384xf32>
      %select_n3A_1580 = arith.select %and3A_1534, %select_n3A_1508, %broadcast_in_dim3A_1579 : vector<384x384xi1>, vector<384x384xf32>
      %swap3A_1581 = arith.constant 0 : index
      %swap3A_1582 = arith.constant 0 : index
      %swap3A_1583 = vector.load %arg9[%swap3A_1581, %swap3A_1582] : memref<384x384xf32, #tpu.memory_space<vmem>>, vector<384x384xf32>
      tpu.vector_store %arg9[%swap3A_1581, %swap3A_1582], %select_n3A_1580 {strides = array<i32>} : memref<384x384xf32, #tpu.memory_space<vmem>>, vector<384x384xf32>,
      %get3A_1584 = arith.constant 0 : index
      %get3A_1585 = arith.constant 0 : index
      %get3A_1586 = arith.constant 0 : index
      %get3A_1587 = vector.load %arg2[%get3A_1584, %get3A_1585, %get3A_1586] : memref<2x384x384xf32, #tpu.memory_space<vmem>>, vector<1x384x384xf32>
      %get3A_1588 = vector.shape_cast %get3A_1587 : vector<1x384x384xf32> to vector<384x384xf32>
      %abs3A = math.absf %get3A_1588 : vector<384x384xf32>
      %reduce_max3A = vector.shape_cast %abs3A : vector<384x384xf32> to vector<1x384x384xf32>
      %reduce_max3A_1589 = arith.constant dense<0xFF800000> : vector<1xf32>
      %reduce_max3A_1590 = vector.multi_reduction <maximumf>, %reduce_max3A, %reduce_max3A_1589 [1, 2] : vector<1x384x384xf32> to vector<1xf32>
      %reduce_max3A_1591 = vector.shape_cast %reduce_max3A_1590 : vector<1xf32> to vector<1x1x1xf32>
      %reduce_max3A_1592 = vector.extract %reduce_max3A_1591[0, 0, 0] : f32 from vector<1x1x1xf32>
      %gt3A_1593 = arith.constant 1.400000e+01 : f32
      %gt3A_1594 = arith.cmpf ogt, %reduce_max3A_1592, %gt3A_1593 : f32
      %while3A = arith.constant 1073741824 : i32
      %while3A_1595 = arith.constant 1 : i32
      %while3A_1596 = arith.constant 1000 : i32
      %while3A_1597:2 = scf.while (%while3A_1598 = %while3A_1595, %while3A_1599 = %while3A_1596) : (i32, i32) -> (i32, i32) {
        %eq3A_1600 = arith.constant 1 : i32
        %eq3A_1601 = arith.cmpi eq, %while3A_1598, %eq3A_1600 : i32
        scf.condition(%eq3A_1601) %while3A_1598, %while3A_1599 : i32, i32
      } do {
      ^bb0(%while3A_1598: i32, %while3A_1599: i32):
        %get3A_1600 = arith.constant 0 : index
        %get3A_1601 = arith.constant 0 : index
        %get3A_1602 = vector.load %arg9[%get3A_1600, %get3A_1601] : memref<384x384xf32, #tpu.memory_space<vmem>>, vector<384x384xf32>
        %reduce_max3A_1603 = vector.shape_cast %get3A_1602 : vector<384x384xf32> to vector<1x384x384xf32>
        %reduce_max3A_1604 = arith.constant dense<0xFF800000> : vector<1xf32>
        %reduce_max3A_1605 = vector.multi_reduction <maximumf>, %reduce_max3A_1603, %reduce_max3A_1604 [1, 2] : vector<1x384x384xf32> to vector<1xf32>
        %reduce_max3A_1606 = vector.shape_cast %reduce_max3A_1605 : vector<1xf32> to vector<1x1x1xf32>
        %reduce_max3A_1607 = vector.extract %reduce_max3A_1606[0, 0, 0] : f32 from vector<1x1x1xf32>
        %eq3A_1608 = vector.broadcast %reduce_max3A_1607 : f32 to vector<384x384xf32>
        %eq3A_1609 = arith.cmpf oeq, %get3A_1602, %eq3A_1608 : vector<384x384xf32>
        %broadcast_in_dim3A_1610 = vector.broadcast %while3A : i32 to vector<384x384xi32>
        %select_n3A_1611 = arith.select %eq3A_1609, %add3A_1557, %broadcast_in_dim3A_1610 : vector<384x384xi1>, vector<384x384xi32>
        %reduce_min3A = vector.shape_cast %select_n3A_1611 : vector<384x384xi32> to vector<1x384x384xi32>
        %reduce_min3A_1612 = arith.constant dense<2147483647> : vector<1xi32>
        %reduce_min3A_1613 = vector.multi_reduction <minsi>, %reduce_min3A, %reduce_min3A_1612 [1, 2] : vector<1x384x384xi32> to vector<1xi32>
        %reduce_min3A_1614 = vector.shape_cast %reduce_min3A_1613 : vector<1xi32> to vector<1x1x1xi32>
        %reduce_min3A_1615 = vector.extract %reduce_min3A_1614[0, 0, 0] : i32 from vector<1x1x1xi32>
        %jit3A_1616 = arith.constant 384 : i32
        %div3A = arith.divsi %reduce_min3A_1615, %jit3A_1616 : i32
        %sign3A = arith.constant 0 : i32
        %sign3A_1617 = arith.cmpi sgt, %reduce_min3A_1615, %sign3A : i32
        %sign3A_1618 = arith.extui %sign3A_1617 : i1 to i32
        %sign3A_1619 = arith.constant 0 : i32
        %sign3A_1620 = arith.cmpi slt, %reduce_min3A_1615, %sign3A_1619 : i32
        %sign3A_1621 = arith.extui %sign3A_1620 : i1 to i32
        %sign3A_1622 = arith.subi %sign3A_1618, %sign3A_1621 : i32
        %sign3A_1623 = arith.constant 0 : i32
        %sign3A_1624 = arith.cmpi sgt, %jit3A_1616, %sign3A_1623 : i32
        %sign3A_1625 = arith.extui %sign3A_1624 : i1 to i32
        %sign3A_1626 = arith.constant 0 : i32
        %sign3A_1627 = arith.cmpi slt, %jit3A_1616, %sign3A_1626 : i32
        %sign3A_1628 = arith.extui %sign3A_1627 : i1 to i32
        %sign3A_1629 = arith.subi %sign3A_1625, %sign3A_1628 : i32
        %ne3A = arith.cmpi ne, %sign3A_1622, %sign3A_1629 : i32
        %rem3A = arith.remsi %reduce_min3A_1615, %jit3A_1616 : i32
        %ne3A_1630 = arith.constant 0 : i32
        %ne3A_1631 = arith.cmpi ne, %rem3A, %ne3A_1630 : i32
        %and3A_1632 = arith.andi %ne3A, %ne3A_1631 : i1
        %sub3A = arith.constant 1 : i32
        %sub3A_1633 = arith.subi %div3A, %sub3A : i32
        %select_n3A_1634 = arith.select %and3A_1632, %sub3A_1633, %div3A : i32
        %jit3A_1635 = arith.constant 384 : i32
        %eq3A_1636 = arith.constant 0 : i32
        %eq3A_1637 = arith.cmpi eq, %jit3A_1635, %eq3A_1636 : i32
        %jit3A_1638 = arith.constant 1 : i32
        %select_n3A_1639 = arith.select %eq3A_1637, %jit3A_1638, %jit3A_1635 : i32
        %rem3A_1640 = arith.remsi %reduce_min3A_1615, %select_n3A_1639 : i32
        %ne3A_1641 = arith.constant 0 : i32
        %ne3A_1642 = arith.cmpi ne, %rem3A_1640, %ne3A_1641 : i32
        %lt3A_1643 = arith.constant 0 : i32
        %lt3A_1644 = arith.cmpi slt, %rem3A_1640, %lt3A_1643 : i32
        %lt3A_1645 = arith.constant 0 : i32
        %lt3A_1646 = arith.cmpi slt, %select_n3A_1639, %lt3A_1645 : i32
        %ne3A_1647 = arith.xori %lt3A_1644, %lt3A_1646 : i1
        %and3A_1648 = arith.andi %ne3A_1647, %ne3A_1642 : i1
        %add3A_1649 = arith.addi %rem3A_1640, %select_n3A_1639 : i32
        %select_n3A_1650 = arith.select %and3A_1648, %add3A_1649, %rem3A_1640 : i32
        %eq3A_1651 = vector.broadcast %reduce_min3A_1615 : i32 to vector<384x384xi32>
        %eq3A_1652 = arith.cmpi eq, %add3A_1557, %eq3A_1651 : vector<384x384xi32>
        %jit3A_1653 = arith.constant 0xFF800000 : f32
        %broadcast_in_dim3A_1654 = vector.broadcast %jit3A_1653 : f32 to vector<384x384xf32>
        %select_n3A_1655 = arith.select %eq3A_1652, %broadcast_in_dim3A_1654, %get3A_1602 : vector<384x384xi1>, vector<384x384xf32>
        %swap3A_1656 = arith.constant 0 : index
        %swap3A_1657 = arith.constant 0 : index
        %swap3A_1658 = vector.load %arg9[%swap3A_1656, %swap3A_1657] : memref<384x384xf32, #tpu.memory_space<vmem>>, vector<384x384xf32>
        tpu.vector_store %arg9[%swap3A_1656, %swap3A_1657], %select_n3A_1655 {strides = array<i32>} : memref<384x384xf32, #tpu.memory_space<vmem>>, vector<384x384xf32>,
        %gt3A_1659 = vector.broadcast %reduce_max3A_1607 : f32 to vector<384x384xf32>
        %gt3A_1660 = arith.cmpf ogt, %select_n3A_1508, %gt3A_1659 : vector<384x384xf32>
        %convert_element_type3A_1661 = arith.extui %gt3A_1660 : vector<384x384xi1> to vector<384x384xi32>
        %reduce_sum3A_1662 = vector.shape_cast %convert_element_type3A_1661 : vector<384x384xi32> to vector<1x384x384xi32>
        %reduce_sum3A_1663 = arith.constant dense<0> : vector<1xi32>
        %reduce_sum3A_1664 = vector.multi_reduction <add>, %reduce_sum3A_1662, %reduce_sum3A_1663 [1, 2] : vector<1x384x384xi32> to vector<1xi32>
        %reduce_sum3A_1665 = vector.shape_cast %reduce_sum3A_1664 : vector<1xi32> to vector<1x1x1xi32>
        %reduce_sum3A_1666 = vector.extract %reduce_sum3A_1665[0, 0, 0] : i32 from vector<1x1x1xi32>
        %eq3A_1667 = vector.broadcast %reduce_max3A_1607 : f32 to vector<384x384xf32>
        %eq3A_1668 = arith.cmpf oeq, %select_n3A_1508, %eq3A_1667 : vector<384x384xf32>
        %lt3A_1669 = vector.broadcast %reduce_min3A_1615 : i32 to vector<384x384xi32>
        %lt3A_1670 = arith.cmpi slt, %add3A_1557, %lt3A_1669 : vector<384x384xi32>
        %and3A_1671 = arith.andi %eq3A_1668, %lt3A_1670 : vector<384x384xi1>
        %convert_element_type3A_1672 = arith.extui %and3A_1671 : vector<384x384xi1> to vector<384x384xi32>
        %reduce_sum3A_1673 = vector.shape_cast %convert_element_type3A_1672 : vector<384x384xi32> to vector<1x384x384xi32>
        %reduce_sum3A_1674 = arith.constant dense<0> : vector<1xi32>
        %reduce_sum3A_1675 = vector.multi_reduction <add>, %reduce_sum3A_1673, %reduce_sum3A_1674 [1, 2] : vector<1x384x384xi32> to vector<1xi32>
        %reduce_sum3A_1676 = vector.shape_cast %reduce_sum3A_1675 : vector<1xi32> to vector<1x1x1xi32>
        %reduce_sum3A_1677 = vector.extract %reduce_sum3A_1676[0, 0, 0] : i32 from vector<1x1x1xi32>
        %add3A_1678 = arith.addi %reduce_sum3A_1666, %reduce_sum3A_1677 : i32
        %gt3A_1679 = arith.constant 0xFF800000 : f32
        %gt3A_1680 = arith.cmpf ogt, %reduce_max3A_1607, %gt3A_1679 : f32
        %lt3A_1681 = arith.constant 200 : i32
        %lt3A_1682 = arith.cmpi slt, %add3A_1678, %lt3A_1681 : i32
        %and3A_1683 = arith.andi %gt3A_1680, %lt3A_1682 : i1
        %convert_element_type3A_1684 = arith.sitofp %select_n3A_1634 : i32 to f32
        %convert_element_type3A_1685 = arith.sitofp %select_n3A_1650 : i32 to f32
        %not3A = arith.constant true
        %not3A_1686 = arith.xori %gt3A_1594, %not3A : i1
        %and3A_1687 = arith.andi %and3A_1683, %not3A_1686 : i1
        %convert_element_type3A_1688 = arith.extui %and3A_1687 : i1 to i32
        %cond3A_1689 = arith.constant 0 : i32
        %cond3A_1690 = arith.cmpi ne, %convert_element_type3A_1688, %cond3A_1689 : i32
        scf.if %cond3A_1690 {
          %jit3A_1698 = arith.constant 8 : i32
          %div3A_1699 = arith.divsi %select_n3A_1634, %jit3A_1698 : i32
          %sign3A_1700 = arith.constant 0 : i32
          %sign3A_1701 = arith.cmpi sgt, %select_n3A_1634, %sign3A_1700 : i32
          %sign3A_1702 = arith.extui %sign3A_1701 : i1 to i32
          %sign3A_1703 = arith.constant 0 : i32
          %sign3A_1704 = arith.cmpi slt, %select_n3A_1634, %sign3A_1703 : i32
          %sign3A_1705 = arith.extui %sign3A_1704 : i1 to i32
          %sign3A_1706 = arith.subi %sign3A_1702, %sign3A_1705 : i32
          %sign3A_1707 = arith.constant 0 : i32
          %sign3A_1708 = arith.cmpi sgt, %jit3A_1698, %sign3A_1707 : i32
          %sign3A_1709 = arith.extui %sign3A_1708 : i1 to i32
          %sign3A_1710 = arith.constant 0 : i32
          %sign3A_1711 = arith.cmpi slt, %jit3A_1698, %sign3A_1710 : i32
          %sign3A_1712 = arith.extui %sign3A_1711 : i1 to i32
          %sign3A_1713 = arith.subi %sign3A_1709, %sign3A_1712 : i32
          %ne3A_1714 = arith.cmpi ne, %sign3A_1706, %sign3A_1713 : i32
          %rem3A_1715 = arith.remsi %select_n3A_1634, %jit3A_1698 : i32
          %ne3A_1716 = arith.constant 0 : i32
          %ne3A_1717 = arith.cmpi ne, %rem3A_1715, %ne3A_1716 : i32
          %and3A_1718 = arith.andi %ne3A_1714, %ne3A_1717 : i1
          %sub3A_1719 = arith.constant 1 : i32
          %sub3A_1720 = arith.subi %div3A_1699, %sub3A_1719 : i32
          %select_n3A_1721 = arith.select %and3A_1718, %sub3A_1720, %div3A_1699 : i32
          %mul3A_1722 = arith.constant 8 : i32
          %mul3A_1723 = arith.muli %select_n3A_1721, %mul3A_1722 : i32
          %sub3A_1724 = arith.constant 16 : i32
          %sub3A_1725 = arith.subi %mul3A_1723, %sub3A_1724 : i32
          %jit3A_1726 = arith.constant 0 : i32
          %jit3A_1727 = arith.constant 344 : i32
          %max3A_1728 = arith.maxsi %jit3A_1726, %sub3A_1725 : i32
          %min3A = arith.minsi %jit3A_1727, %max3A_1728 : i32
          %multiple_of3A = tpu.assume_multiple %min3A, 8 : i32
          %get3A_1729 = arith.index_cast %multiple_of3A : i32 to index
          %get3A_1730 = arith.constant 0 : index
          %get3A_1731 = vector.load %arg10[%get3A_1729, %get3A_1730] : memref<384x384xf32, #tpu.memory_space<vmem>>, vector<40x384xf32>
          %sub3A_1732 = vector.broadcast %convert_element_type3A_1684 : f32 to vector<40x384xf32>
          %sub3A_1733 = arith.subf %get3A_1731, %sub3A_1732 : vector<40x384xf32>
          %get3A_1734 = arith.index_cast %multiple_of3A : i32 to index
          %get3A_1735 = arith.constant 0 : index
          %get3A_1736 = vector.load %arg11[%get3A_1734, %get3A_1735] : memref<384x384xf32, #tpu.memory_space<vmem>>, vector<40x384xf32>
          %sub3A_1737 = vector.broadcast %convert_element_type3A_1685 : f32 to vector<40x384xf32>
          %sub3A_1738 = arith.subf %get3A_1736, %sub3A_1737 : vector<40x384xf32>
          %mul3A_1739 = arith.mulf %sub3A_1733, %sub3A_1733 : vector<40x384xf32>
          %mul3A_1740 = arith.mulf %sub3A_1738, %sub3A_1738 : vector<40x384xf32>
          %add3A_1741 = arith.addf %mul3A_1739, %mul3A_1740 : vector<40x384xf32>
          %lt3A_1742 = arith.constant 1.000000e+00 : f32
          %lt3A_1743 = vector.broadcast %lt3A_1742 : f32 to vector<40x384xf32>
          %lt3A_1744 = arith.cmpf olt, %add3A_1741, %lt3A_1743 : vector<40x384xf32>
          %get3A_1745 = arith.index_cast %multiple_of3A : i32 to index
          %get3A_1746 = arith.constant 0 : index
          %get3A_1747 = vector.load %arg4[%get3A_1745, %get3A_1746] : memref<384x384xi32, #tpu.memory_space<vmem>>, vector<40x384xi32>
          %broadcast_in_dim3A_1748 = vector.broadcast %while3A_1599 : i32 to vector<40x384xi32>
          %select_n3A_1749 = arith.select %lt3A_1744, %broadcast_in_dim3A_1748, %get3A_1747 : vector<40x384xi1>, vector<40x384xi32>
          %swap3A_1750 = arith.index_cast %multiple_of3A : i32 to index
          %swap3A_1751 = arith.constant 0 : index
          %swap3A_1752 = vector.load %arg4[%swap3A_1750, %swap3A_1751] : memref<384x384xi32, #tpu.memory_space<vmem>>, vector<40x384xi32>
          tpu.vector_store %arg4[%swap3A_1750, %swap3A_1751], %select_n3A_1749 {strides = array<i32>} : memref<384x384xi32, #tpu.memory_space<vmem>>, vector<40x384xi32>,
        } else {
        }
        %and3A_1691 = arith.andi %and3A_1683, %gt3A_1594 : i1
        %convert_element_type3A_1692 = arith.extui %and3A_1691 : i1 to i32
        %cond3A_1693 = arith.constant 0 : i32
        %cond3A_1694 = arith.cmpi ne, %convert_element_type3A_1692, %cond3A_1693 : i32
        scf.if %cond3A_1694 {
          %get3A_1698 = arith.constant 0 : index
          %get3A_1699 = arith.constant 0 : index
          %get3A_1700 = vector.load %arg10[%get3A_1698, %get3A_1699] : memref<384x384xf32, #tpu.memory_space<vmem>>, vector<384x384xf32>
          %sub3A_1701 = vector.broadcast %convert_element_type3A_1684 : f32 to vector<384x384xf32>
          %sub3A_1702 = arith.subf %get3A_1700, %sub3A_1701 : vector<384x384xf32>
          %get3A_1703 = arith.constant 0 : index
          %get3A_1704 = arith.constant 0 : index
          %get3A_1705 = vector.load %arg11[%get3A_1703, %get3A_1704] : memref<384x384xf32, #tpu.memory_space<vmem>>, vector<384x384xf32>
          %sub3A_1706 = vector.broadcast %convert_element_type3A_1685 : f32 to vector<384x384xf32>
          %sub3A_1707 = arith.subf %get3A_1705, %sub3A_1706 : vector<384x384xf32>
          %mul3A_1708 = arith.mulf %sub3A_1702, %sub3A_1702 : vector<384x384xf32>
          %mul3A_1709 = arith.mulf %sub3A_1707, %sub3A_1707 : vector<384x384xf32>
          %add3A_1710 = arith.addf %mul3A_1708, %mul3A_1709 : vector<384x384xf32>
          %lt3A_1711 = arith.constant 1.000000e+00 : f32
          %lt3A_1712 = vector.broadcast %lt3A_1711 : f32 to vector<384x384xf32>
          %lt3A_1713 = arith.cmpf olt, %add3A_1710, %lt3A_1712 : vector<384x384xf32>
          %get3A_1714 = arith.constant 0 : index
          %get3A_1715 = arith.constant 0 : index
          %get3A_1716 = vector.load %arg4[%get3A_1714, %get3A_1715] : memref<384x384xi32, #tpu.memory_space<vmem>>, vector<384x384xi32>
          %broadcast_in_dim3A_1717 = vector.broadcast %while3A_1599 : i32 to vector<384x384xi32>
          %select_n3A_1718 = arith.select %lt3A_1713, %broadcast_in_dim3A_1717, %get3A_1716 : vector<384x384xi1>, vector<384x384xi32>
          %swap3A_1719 = arith.constant 0 : index
          %swap3A_1720 = arith.constant 0 : index
          %swap3A_1721 = vector.load %arg4[%swap3A_1719, %swap3A_1720] : memref<384x384xi32, #tpu.memory_space<vmem>>, vector<384x384xi32>
          tpu.vector_store %arg4[%swap3A_1719, %swap3A_1720], %select_n3A_1718 {strides = array<i32>} : memref<384x384xi32, #tpu.memory_space<vmem>>, vector<384x384xi32>,
        } else {
        }
        %convert_element_type3A_1695 = arith.extui %and3A_1683 : i1 to i32
        %convert_element_type3A_1696 = arith.extui %and3A_1683 : i1 to i32
        %add3A_1697 = arith.addi %while3A_1599, %convert_element_type3A_1696 : i32
        scf.yield %convert_element_type3A_1695, %add3A_1697 : i32, i32
      }
    } else {
    }
    %dma_wait3A_1546 = arith.constant 0 : i32
    %dma_wait3A_1547 = arith.constant 288 : i32
    %dma_wait3A_1548 = arith.constant 0 : i32
    %dma_wait3A_1549 = tpu.memref_slice %arg5[%dma_wait3A_1546, %dma_wait3A_1547, %dma_wait3A_1548] : memref<19x384x384xf32, #tpu.memory_space<any>> -> memref<19x48x384xf32, #tpu.memory_space<any>>
    tpu.wait_dma2 semaphore(%arg16 : memref<!tpu.dma_semaphore, #tpu.memory_space<semaphore_mem>>) src(%arg12 : memref<19x48x384xf32, #tpu.memory_space<vmem>>) dst(%dma_wait3A_1549 : memref<19x48x384xf32, #tpu.memory_space<any>>)
    %dma_wait3A_1550 = arith.constant 0 : i32
    %dma_wait3A_1551 = arith.constant 336 : i32
    %dma_wait3A_1552 = arith.constant 0 : i32
    %dma_wait3A_1553 = tpu.memref_slice %arg5[%dma_wait3A_1550, %dma_wait3A_1551, %dma_wait3A_1552] : memref<19x384x384xf32, #tpu.memory_space<any>> -> memref<19x48x384xf32, #tpu.memory_space<any>>
    tpu.wait_dma2 semaphore(%arg17 : memref<!tpu.dma_semaphore, #tpu.memory_space<semaphore_mem>>) src(%arg13 : memref<19x48x384xf32, #tpu.memory_space<vmem>>) dst(%dma_wait3A_1553 : memref<19x48x384xf32, #tpu.memory_space<any>>)
    tpu.wait_dma2 semaphore(%arg18 : memref<!tpu.dma_semaphore, #tpu.memory_space<semaphore_mem>>) src(%arg1 : memref<384x384xf32, #tpu.memory_space<vmem>>) dst(%arg6 : memref<384x384xf32, #tpu.memory_space<any>>)
    tpu.wait_dma2 semaphore(%arg18 : memref<!tpu.dma_semaphore, #tpu.memory_space<semaphore_mem>>) src(%arg2 : memref<2x384x384xf32, #tpu.memory_space<vmem>>) dst(%arg7 : memref<2x384x384xf32, #tpu.memory_space<any>>)
    return
  }
}

</mosaic_0001>

<sc_bundles>
// kernel: kernel.4.cloned.1.call-start
scs
__scs_entry_jumppad:
0x0: {  	(pc) =	sbr.rel $0x88, $3  }
0x1: {  	(tag) =	ssettag $0x0;
	lr =	simm.s32 $0x1  }
0x2: {  	[smem:$0x3F9E] =	sst lr;
	_ =	strace $0xD0000000  }
0x3: {  	_ = 	snop  }
0x4: {  	_ = 	snop  }
0x5: {  	_ = 	snop  }
0x6: {  	_ = 	snop  }
0x7: {  	_ = 	snop  }
__scs_overlays_trampoline_lowered:
0x8: {  	[smem:$0x3FAD] =	sst s0  }
0x9: {  	[smem:$0x3FAE] =	sst s1  }
0xa: {  	[smem:$0x3FAF] =	sst s2  }
0xb: {  	[smem:$0x3FB0] =	sst s3  }
0xc: {  	[smem:$0x3FB1] =	sst s4  }
0xd: {  	[smem:$0x3FB2] =	sst s5  }
0xe: {  	[smem:$0x3FB3] =	sst s6  }
0xf: {  	[smem:$0x3FB4] =	sst s7  }
0x10: {  	[smem:$0x3FB5] =	sst s8  }
0x11: {  	[smem:$0x3FB6] =	sst s9;
	s0 =	simm.s32 @!p0 $0x0  }
0x12: {  	s1 =	sld [smem:$0x3F9C];
	s0 =	simm.s32 @p0 $0x1  }
0x13: {  	[smem:$0x3FB7] =	sst s0;
	s0 =	simm.s32 @!p1 $0x0  }
0x14: {  	s2 =	sld [smem:$0x3F9B];
	s0 =	simm.s32 @p1 $0x1  }
0x15: {  	[smem:$0x3FB8] =	sst s0;
	s0 =	simm.s32 @!p2 $0x0  }
0x16: {  	s3 =	sld [smem:$0x3FDB];
	s0 =	simm.s32 @p2 $0x1  }
0x17: {  	s4 =	simm.s32 $0x1BF5;
	[smem:$0x3FBA] =	sst s0  }
0x18: {  	s0 =	sld [smem:$0x3F9D];
	_ =	swait.ge [sflag:s4], $0x0  }
0x19: {  	s7 =	sld [smem:$0x3F9E]  }
0x1a: {  	s8 =	sadd.s32 $0xFFFFE003, lr  }
0x1b: {  	s9 =	sadd.s32 $0xFFFFFEF7, lr;
	s5 =	simm.s32 $0xFFFFFFFF;
	p2 =	slt.u32 s8, $0xFFFFF086  }
0x1c: {  	p1 =	slt.u32 s9, $0xF7A;
	s5 =	simm.s32 @!p2 $0x0  }
0x1d: {  	s5 =	simm.s32 @p1 $0x1;
	p0 =	seq.s32 s7, s2  }
0x1e: {  	s7 =	smul.u32 @!p0 $0xF7A, s2;
	p2 =	seq.s32 @!p0 s5, $0x0  }
0x1f: {  	s9 =	smul.u32 $0xF7A, s1;
	s8 =	simm.s32 @!p0 $0x1BF5;
	p2 =	por !p2, p0  }
0x20: {  	[sflag:s8] =	ssyncset.s32 @!p0 $0xFFFFF086;
	s6 =	sadd.s32 @!p0 s3, s7;
	s7 =	simm.s32 @!p0 $0x108  }
0x21: {  	s3 =	sadd.s32 s3, s9;
	s6 =	sadd.s32 @!p0 $0x88, s6;
	s7 =	simm.s32 @p2 $0x1082  }
0x22: {  	[simem:s7], [sflag:s8] =	dma.local @!p0 [hbm:s6], $0xF7A  }
0x23: {  	s9 =	sor.u32 $0xD0000000, s2;
	s6 =	simm.s32 $0x108;
	_ =	swait.ge @!p0 [sflag:s8], $0x0  }
0x24: {  	s3 =	sadd.s32 $0x88, s3;
	s6 =	simm.s32 @!p1 $0x1082;
	[sflag:s4] =	ssyncset.s32 $0xFFFFF086  }
0x25: {  	[simem:s6], [sflag:s4] =	dma.local [hbm:s3], $0xF7A  }
0x26: {  	[smem:$0x3F9E] =	sst s1;
	(tag) =	ssettag s2;
	_ =	strace s9  }
0x27: {  	s1 =	sld [smem:$0x3FAE]  }
0x28: {  	s2 =	sld [smem:$0x3FAF]  }
0x29: {  	s4 =	sld [smem:$0x3FB1]  }
0x2a: {  	p0 =	seq.s32 s5, $0x0;
	s5 =	sld [smem:$0x3FB2]  }
0x2b: {  	s6 =	sld [smem:$0x3FB3]  }
0x2c: {  	s7 =	sld [smem:$0x3FB4]  }
0x2d: {  	s3 =	simm.s32 $0x108;
	s8 =	sld [smem:$0x3FB5]  }
0x2e: {  	s3 =	simm.s32 @!p0 $0x1082;
	s9 =	sld [smem:$0x3FB6]  }
0x2f: {  	lr =	sadd.s32 s0, s3;
	s0 =	sld [smem:$0x3FAD]  }
0x30: {  	s3 =	sld [smem:$0x3FB0]  }
0x31: {  	[smem:$0x3FB9] =	sst s10  }
0x32: {  	s10 =	sld [smem:$0x3FB7];
	_ =	sdelay $0x3  }
0x33: {  	p0 =	seq.s32 s10, $0x1;
	s10 =	sld [smem:$0x3FB9];
	_ =	sdelay $0x3  }
0x34: {  	[smem:$0x3FB9] =	sst s10  }
0x35: {  	s10 =	sld [smem:$0x3FB8];
	_ =	sdelay $0x3  }
0x36: {  	p1 =	seq.s32 s10, $0x1;
	s10 =	sld [smem:$0x3FB9];
	_ =	sdelay $0x3  }
0x37: {  	[smem:$0x3FB9] =	sst s10  }
0x38: {  	s10 =	sld [smem:$0x3FBA]  }
0x39: {  	_ = 	snop;
	(pc) =	sbr.ind lr, $3  }
0x3a: {  	_ = 	snop  }
0x3b: {  	_ = 	snop  }
0x3c: {  	p2 =	seq.s32 s10, $0x1;
	s10 =	sld [smem:$0x3FB9]  }
0x3d: {  	_ =	shalt  }
0x3e: {  	_ =	shalt  }
0x3f: {  	_ =	shalt  }
0x40: {  	_ =	shalt  }
0x41: {  	_ =	shalt  }
0x42: {  	_ =	shalt  }
0x43: {  	_ =	shalt  }
0x44: {  	_ =	shalt  }
0x45: {  	_ =	shalt  }
0x46: {  	_ =	shalt  }
0x47: {  	_ =	shalt  }
0x48: {  	_ =	shalt  }
0x49: {  	_ =	shalt  }
0x4a: {  	_ =	shalt  }
0x4b: {  	_ =	shalt  }
0x4c: {  	_ =	shalt  }
0x4d: {  	_ =	shalt  }
0x4e: {  	_ =	shalt  }
0x4f: {  	_ =	shalt  }
0x50: {  	_ =	shalt  }
0x51: {  	_ =	shalt  }
0x52: {  	_ =	shalt  }
0x53: {  	_ =	shalt  }
0x54: {  	_ =	shalt  }
0x55: {  	_ =	shalt  }
0x56: {  	_ =	shalt  }
0x57: {  	_ =	shalt  }
0x58: {  	_ =	shalt  }
0x59: {  	_ =	shalt  }
0x5a: {  	_ =	shalt  }
0x5b: {  	_ =	shalt  }
0x5c: {  	_ =	shalt  }
0x5d: {  	_ =	shalt  }
0x5e: {  	_ =	shalt  }
0x5f: {  	_ =	shalt  }
0x60: {  	_ =	shalt  }
0x61: {  	_ =	shalt  }
0x62: {  	_ =	shalt  }
0x63: {  	_ =	shalt  }
0x64: {  	_ =	shalt  }
0x65: {  	_ =	shalt  }
0x66: {  	_ =	shalt  }
0x67: {  	_ =	shalt  }
0x68: {  	_ =	shalt  }
0x69: {  	_ =	shalt  }
0x6a: {  	_ =	shalt  }
0x6b: {  	_ =	shalt  }
0x6c: {  	_ =	shalt  }
0x6d: {  	_ =	shalt  }
0x6e: {  	_ =	shalt  }
0x6f: {  	_ =	shalt  }
0x70: {  	_ =	shalt  }
0x71: {  	_ =	shalt  }
0x72: {  	_ =	shalt  }
0x73: {  	_ =	shalt  }
0x74: {  	_ =	shalt  }
0x75: {  	_ =	shalt  }
0x76: {  	_ =	shalt  }
0x77: {  	_ =	shalt  }
0x78: {  	_ =	shalt  }
0x79: {  	_ =	shalt  }
0x7a: {  	_ =	shalt  }
0x7b: {  	_ =	shalt  }
0x7c: {  	_ =	shalt  }
0x7d: {  	_ =	shalt  }
0x7e: {  	_ =	shalt  }
0x7f: {  	_ =	shalt  }
0x80: {  	_ =	shalt  }
0x81: {  	_ =	shalt  }
0x82: {  	_ =	shalt  }
0x83: {  	_ =	shalt  }
0x84: {  	_ =	shalt  }
0x85: {  	_ =	shalt  }
0x86: {  	_ =	shalt  }
0x87: {  	_ =	shalt  }
.Lfunc_end0:
.L_simem_size_0:
called_computation_lowered:
.L_overlay_start_0:
0x88: {  	s2 =	sld [smem:$0x3FD9]  }
0x89: {  	s3 =	sld [smem:$0x3FFE];
	_ =	sdelay $0x1  }
0x8a: {  	s1 =	srdreg.scid  }
0x8b: {  	s0 =	sand.u32 $0x1, s1  }
0x8c: {  	s15 =	sshll.u32 s0, $0xA;
	s2 =	sadd.s32 s3, s2  }
0x8d: {  	s2 =	sadd.s32 s2, s15  }
0x8e: {  	[smem:$0x3FC5] =	sst s2  }
0x8f: {  	_ = 	snop  }
0x90: {  	s2 =	sld [smem:$0x3FD0];
	_ =	sdelay $0x2  }
0x91: {  	s16 =	simm.s32 $0xA;
	s4 =	simm.s32 $0x10  }
0x92: {  	[smem:s4], [sflag:s16] =	dma.local [hbm:s2], $0x1  }
0x93: {  	_ =	swait.eq [sflag:s16], $0x1  }
0x94: {  	s17 =	sld [smem:$0x11];
	[sflag:s16] =	ssyncset.done $0x0  }
0x95: {  	s18 =	sld [smem:$0x12];
	[sflag:s16] =	ssyncadd.s32 $0xFFFFFFFF  }
0x96: {  	s19 =	sld [smem:$0x13];
	(tm) =	ssettm $0x1  }
0x97: {  	s5 =	sld [smem:$0x3FFB];
	_ =	sdelay $0x3  }
0x98: {  	_ =	strace s5  }
0x99: {  	s5 =	sld [smem:$0x3FFC];
	_ =	sdelay $0x3  }
0x9a: {  	_ =	strace s5  }
0x9b: {  	s5 =	sld [smem:$0x3FFD];
	_ =	sdelay $0x3  }
0x9c: {  	_ =	strace s5  }
0x9d: {  	_ =	strace $0x8FFFFFFF  }
0x9e: {  	s20 =	sld [smem:$0x3FDB];
	_ =	sdelay $0x1  }
0x9f: {  	s6 =	simm.s32 $_scs_section_size  }
0xa0: {  	s7 =	simm.s32 $_size__tile_overlayer_lowered;
	s8 =	simm.s32 $_tile_overlayer_lowered  }
0xa1: {  	s23 =	simm.s32 $0x1BFF;
	s22 =	sshll.u32 s8, $0x1;
	s5 =	sadd.s32 s6, s20  }
0xa2: {  	s9 =	simm.s32 $0x0;
	s21 =	sshll.u32 s7, $0x1;
	s7 =	sadd.s32 s22, s5  }
0xa3: {  	[timem:s9], [sflag:s23] =	dma.local [hbm:s7], s21  }
0xa4: {  	_ =	swait.ge [sflag:s23], s21  }
0xa5: {  	s6 =	ssub.s32 $0x0, s21;
	[sflag:s23] =	ssyncset.done $0x0  }
0xa6: {  	[sflag:s23] =	ssyncadd.s32 s6;
	_ =	sdelay $0x1  }
0xa7: {  	s24 =	simm.s32 $0x1B8B  }
0xa8: {  	_ =	swait.ge [sflag:s24], $0x1  }
0xa9: {  	[sflag:s24] =	ssyncset.done $0x0  }
0xaa: {  	s25 =	simm.s32 $0x1B8E;
	[sflag:s24] =	ssyncadd.s32 $0xFFFFFFFF  }
0xab: {  	s26 =	simm.s32 $execute0_lowered;
	[smem:$0x3FD2] =	sst s25  }
0xac: {  	s6 =	sshll.u32 s26, $0x1;
	_ =	strace $0x80000046;
	[dreg:$0x1] =	wrdreg $0xFFFFFFFF  }
0xad: {  	s28 =	simm.s32 $_size_execute0_lowered;
	s5 =	sadd.s32 s5, s6;
	[dreg:$0x0] =	wrdreg $0x0  }
0xae: {  	s6 =	sshll.u32 s28, $0x1;
	[dreg:$0x2] =	wrdreg s5  }
0xaf: {  	[dreg:$0x3] =	wrdreg s6  }
0xb0: {  	[dreg:$0x4] =	wrdreg $0xC0  }
0xb1: {  	_ =	task [dreg:s9], $0x5FFFF  }
0xb2: {  	[dreg:$0x1] =	wrdreg $0xFFFFFFFF  }
0xb3: {  	[dreg:$0x0] =	wrdreg $0x60  }
0xb4: {  	[dreg:$0x2] =	wrdreg s17  }
0xb5: {  	[dreg:$0x3] =	wrdreg s19  }
0xb6: {  	[dreg:$0x4] =	wrdreg s18  }
0xb7: {  	[dreg:$0x5] =	wrdreg $0xD8000  }
0xb8: {  	[dreg:$0x6] =	wrdreg $0x9  }
0xb9: {  	_ =	task.clear_ibuf [dreg:s9], $0x7FFFF;
	_ =	strace $0x90000046  }
0xba: {  	s29 =	simm.s32 $0x9;
	_ =	strace $0x80000048  }
0xbb: {  	_ =	swait.ge [sflag:s29], $0x1  }
0xbc: {  	[sflag:s29] =	ssyncadd.s32 $0xFFFFFFFF  }
0xbd: {  	_ =	strace $0x90000048  }
0xbe: {  	_ =	sfence  }
0xbf: {  	s30 =	sld [smem:$0x0];
	_ =	sdelay $0x2  }
0xc0: {  	s31 =	sshll.u32 s1, $0xD;
	s1 =	sshrl.u32 s1, $0x2  }
0xc1: {  	s3 =	sand.u32 $0x4000, s31;
	s1 =	sadd.s32 s1, s30  }
0xc2: {  	s0 =	sor.u32 s3, s0;
	s1 =	sshll.u32 s1, $0x11  }
0xc3: {  	s0 =	sor.u32 s1, s0  }
0xc4: {  	s0 =	sadd.s32 $0x8F2B, s0  }
0xc5: {  	[sflag:s0] =	ssyncadd.remote.s32 $0x1  }
0xc6: {  	_ =	sfence.sel $0xFFFF  }
0xc7: {  	[dreg:$0x0] =	wrdreg $0xFFFFFFFF;
	(pc) =	sbr.abs _section_cstart, $3  }
0xc8: {  	[dreg:$0x1] =	wrdreg $0xFFFFFFFF  }
0xc9: {  	_ =	task.clear_ibuf [dreg:s9], $0x2FFFF;
	_ =	strace $0x9FFFFFFF  }
0xca: {  	(tm) =	ssettm $0x7FFFFFFF  }
0xcb: {  	_ =	shalt  }
tec
execute0_lowered:
.L_overlay_start_1:
0x0: {  	(tag) =	ssettag $0x1  }
0x1: {  	s5 =	rddreg [dreg:$0x0]  }
0x2: {  	s6 =	rddreg [dreg:$0x1]  }
0x3: {  	s0 =	srdreg.scid;
	s7 =	rddreg [dreg:$0x2]  }
0x4: {  	s2 =	rddreg [dreg:$0x3];
	s1 =	stileid.u32;
	s14 =	simm.s32 $0x80  }
0x5: {  	s15 =	simm.s32 $0x1;
	s16 =	simm.s32 $0x20;
	s11 =	smul.u32 $0x9000, s1  }
0x6: {  	s17 =	simm.s32 $0x10;
	s4 =	sand.u32 $0x1, s0;
	s30 =	smul.u32 $0x4800, s1  }
0x7: {  	s0 =	rddreg [dreg:$0x4];
	s31 =	smul.u32 $0x1200, s1;
	s3 =	sshll.u32 s4, $0x4  }
0x8: {  	s9 =	ssub.s32 $0x2, s4;
	s12 =	sshll.u32 s4, $0x7;
	s13 =	smul.u32 $0x12000, s4  }
0x9: {  	s8 =	sor.u32 s1, s3;
	s3 =	simm.s32 $0x0;
	s10 =	sshrl.u32 s9, $0x1  }
0xa: {  	s11 =	sshrl.u32 s11, $0x2;
	s8 =	smul.u32 $0x1200, s8;
	[smem:$0x7FF] =	sst s3  }
0xb: {  	s9 =	ssub.s32 s9, s10;
	s10 =	sor.u32 s12, s30;
	s4 =	sadd.s32 s11, s2  }
0xc: {  	s11 =	simm.s32 $0xB400;
	s12 =	simm.s32 $0x2;
	_ =	strace $0x80000047  }
0xd: {  	s10 =	sshrl.u32 s10, $0x3;
	s9 =	smax.u32 s9, $0x1;
	s8 =	sshrl.u32 s8, $0x3  }
0xe: {  	s5 =	sadd.s32 s5, s8;
	s6 =	sadd.s32 s6, s8;
	s8 =	sadd.s32 s31, s13  }
0xf: {  	v0 =	vimm.s32 $0x0;
	v1 =	vlaneseq.u32;
	s7 =	sadd.s32 s7, s10;
	s13 =	simm.s32 $0x1200;
	s10 =	sor.u32 $0x10, s8  }
.LBB2_1:
0x10: {  	s18 =	simm.s32 $0x40;
	s19 =	simm.s32 $0x0  }
.LBB2_2:
0x11: {  	p0 =	sne.s32 s18, $0x8FC0;
	[tilespmem:s19+$0xB400] =	vst v0;
	s19 =	smov.u32 s18;
	s18 =	sadd.s32 $0x40, s18  }
.Ltmp0:
0x12: {  	(pc) =	sbr.rel @p0 .LBB2_2-.Ltmp0, $2  }
0x13: {  	_ =	sdelay $0x2  }
0x14: {  	s19 =	sshra.s32 s19, $0x2  }
0x15: {  	[tilespmem:s19+$0xB400] =	vst v0  }
0x16: {  	[spmem:s4] =	stream.linear.scatter [tilespmem:s11], [sflag:$0x2], $0x2400, $0x38;
	[tilespmem:$0xFC00] =	vst v63  }
0x17: {  	_ =	swait.ge [sflag:s12], $0x2400  }
0x18: {  	[sflag:s12] =	ssyncset.done $0x0  }
0x19: {  	[sflag:s12] =	ssyncadd.s32 $0xFFFFDC00  }
0x1a: {  	s18 =	simm.s32 $0x0;
	[bflag:$0x0] =	sbarrier.arrive $0xFFFF  }
0x1b: {  	[tilespmem:s18], [sflag:$0x2] =	stream.linear.gather [hbm4b:s5+s18], $0x1200, $0x38;
	[tilespmem:$0xFC00] =	vst v63  }
0x1c: {  	_ =	swait.ge [sflag:s12], $0x1200  }
0x1d: {  	[sflag:s12] =	ssyncset.done $0x0  }
0x1e: {  	s31 =	smulhi.u32 $0xAAAAAAAB, s8;
	[sflag:s12] =	ssyncadd.s32 $0xFFFFEE00  }
0x1f: {  	[tilespmem:s13], [sflag:$0x2] =	stream.linear.gather [hbm4b:s6+s18], $0x1200, $0x38;
	[tilespmem:$0xFC00] =	vst v63  }
0x20: {  	_ =	swait.ge [sflag:s12], $0x1200  }
0x21: {  	s20 =	sshrl.u32 s31, $0x8;
	[sflag:s12] =	ssyncset.done $0x0  }
0x22: {  	s21 =	smul.u32 $0xFFFFFE80, s20;
	s18 =	simm.s32 $0x1210;
	[sflag:s12] =	ssyncadd.s32 $0xFFFFEE00  }
0x23: {  	s19 =	simm.s32 $0x10;
	v2 =	vld [tilespmem:s18+$0xFFFFFFF0]  }
0x24: {  	s21 =	sadd.s32 s21, s8;
	v3 =	vld [tilespmem:s19+$0xFFFFFFF0]  }
0x25: {  	v4 =	vor.u32 s21, v1  }
0x26: {  	v4 =	vcvt.s32.f32 v4  }
0x27: {  	s20 =	scvt.s32.f32 s20  }
0x28: {  	v2 =	vadd.f32 v4, v2  }
0x29: {  	v3 =	vadd.f32 s20, v3  }
0x2a: {  	v4 =	vtrunc.f32 v2  }
0x2b: {  	v5 =	vtrunc.f32 v3;
	v6 =	vcvt.f32.s32 v4;
	vm0 =	vlt.f32 v2, v4  }
0x2c: {  	v4 =	vcvt.f32.s32 v5;
	vm1 =	vlt.f32 v3, v5;
	v5 =	vsel vm0, $0xFFFFFFFF, v0  }
0x2d: {  	v7 =	vsel vm1, $0xFFFFFFFF, v0;
	v5 =	vadd.s32 v6, v5  }
0x2e: {  	v4 =	vadd.s32 v4, v7;
	v6 =	vadd.s32 $0x1, v5  }
0x2f: {  	v59 =	vcvt.s32.f32 v5;
	v8 =	vcvt.s32.f32 v4;
	vm2 =	vgt.s32 v4, $0x0  }
0x30: {  	v9 =	vadd.s32 $0x1, v4;
	vm3 =	vgt.s32 v5, $0x0;
	vm6 =	vlt.u32 v5, $0x180  }
0x31: {  	vm8 =	vlt.u32 v4, $0x180;
	vm14 =	vlt.u32 v6, $0x180;
	vm15 =	vgt.s32 v6, $0x0  }
0x32: {  	vm4 =	vlt.u32 v9, $0x180;
	vm5 =	vgt.s32 v9, $0x0;
	v10 =	vnsel vm2, $0x0, v4  }
0x33: {  	v11 =	vcvt.s32.f32 v9;
	vm9 =	vmand vm6, vm8;
	v5 =	vnsel vm3, $0x0, v5  }
0x34: {  	v8 =	vsub.f32 v3, v8;
	v4 =	vsub.f32 v2, v59;
	v60 =	vnsel vm15, $0x0, v6  }
0x35: {  	v10 =	vmin.u32 v10, $0x17F;
	v6 =	vcvt.s32.f32 v6;
	v9 =	vnsel vm5, $0x0, v9  }
0x36: {  	vm2 =	vmand vm14, vm8;
	vm1 =	vmand vm14, vm4;
	v3 =	vsub.f32 v3, v11  }
0x37: {  	vm10 =	vmand vm6, vm4;
	v5 =	vmin.u32 v5, $0x17F;
	v9 =	vmin.u32 v9, $0x17F  }
0x38: {  	v4 =	vmul.f32 v4, v4;
	v2 =	vsub.f32 v2, v6;
	v3 =	vmul.f32 v3, v3  }
0x39: {  	v61 =	vmul.u32 $0x180, v10;
	v8 =	vmul.f32 v8, v8;
	v9 =	vmul.u32 $0x180, v9  }
0x3a: {  	v7 =	vmin.u32 v60, $0x17F;
	v2 =	vmul.f32 v2, v2;
	v62 =	vadd.f32 v4, v3  }
0x3b: {  	s20 =	simm.s32 $0x0;
	v63 =	vadd.s32 v61, v7;
	v7 =	vadd.s32 v7, v9;
	v4 =	vadd.f32 v4, v8  }
0x3c: {  	[tilespmem:s20+$0x2410] =	vst v63;
	v8 =	vadd.f32 v2, v8;
	v2 =	vadd.f32 v2, v3;
	vm11 =	vlt.f32 v62, $1.000000000e+00  }
0x3d: {  	[tilespmem:s20+$0x2430] =	vst v7;
	vm12 =	vlt.f32 v4, $1.000000000e+00;
	v4 =	vadd.s32 v5, v61;
	vm3 =	vmand vm10, vm11  }
0x3e: {  	vm13 =	vlt.f32 v8, $1.000000000e+00;
	vm0 =	vmand vm9, vm12;
	[tilespmem:s20+$0x2400] =	vst v4;
	v3 =	vsel vm3, $0x1, v0  }
0x3f: {  	vm14 =	vlt.f32 v2, $1.000000000e+00;
	vm2 =	vmand vm2, vm13;
	v2 =	vsel vm0, $0x1, v0;
	[tilespmem:s20+$0x6C20] =	vst v3  }
0x40: {  	s28 =	smulhi.u32 $0xAAAAAAAB, s10;
	s26 =	sadd.s32 $0x10, s8;
	s23 =	sadd.s32 $0x20, s10;
	vm15 =	vmand vm1, vm14;
	v4 =	vsel vm2, $0x1, v0;
	[tilespmem:s20+$0x6C00] =	vst v2  }
0x41: {  	s24 =	smov.u32 s8;
	s22 =	simm.s32 $0x10;
	s21 =	simm.s32 $0x200;
	v2 =	vsel vm15, $0x1, v0;
	v3 =	vadd.s32 v5, v9;
	[tilespmem:s20+$0x6C10] =	vst v4  }
.LBB2_4:
0x42: {  	s29 =	smulhi.u32 $0xAAAAAAAB, s26  }
0x43: {  	[tilespmem:s20+$0x2420] =	vst v3;
	s24 =	sadd.s32 $0x20, s24;
	s19 =	sadd.s32 $0x20, s19;
	s25 =	smov.u32 s21  }
0x44: {  	p0 =	sne.s32 s21, $0x11E00;
	s21 =	sadd.s32 $0x200, s21;
	s28 =	sshrl.u32 s28, $0x8;
	[tilespmem:s20+$0x6C30] =	vst v2  }
0x45: {  	s28 =	smul.u32 $0xFFFFFE80, s28;
	s29 =	sshrl.u32 s29, $0x8;
	v2 =	vld [tilespmem:s22+$0x0];
	s22 =	smov.u32 s19  }
0x46: {  	v3 =	vld [tilespmem:s18+$0x0]  }
0x47: {  	s26 =	sadd.s32 s28, s26  }
0x48: {  	s28 =	scvt.s32.f32 s29;
	v4 =	vor.u32 s26, v1  }
0x49: {  	v4 =	vcvt.s32.f32 v4  }
0x4a: {  	v2 =	vadd.f32 s28, v2  }
0x4b: {  	v3 =	vadd.f32 v4, v3  }
0x4c: {  	v4 =	vtrunc.f32 v2  }
0x4d: {  	v5 =	vcvt.f32.s32 v4;
	vm0 =	vlt.f32 v2, v4;
	v4 =	vtrunc.f32 v3  }
0x4e: {  	v6 =	vsel vm0, $0xFFFFFFFF, v0;
	v7 =	vcvt.f32.s32 v4;
	vm0 =	vlt.f32 v3, v4  }
0x4f: {  	v4 =	vadd.s32 v5, v6;
	v5 =	vsel vm0, $0xFFFFFFFF, v0  }
0x50: {  	v5 =	vadd.s32 v7, v5;
	vm0 =	vlt.u32 v4, $0x180;
	v6 =	vadd.s32 $0x1, v4  }
0x51: {  	v7 =	vcvt.s32.f32 v5;
	v8 =	vadd.s32 $0x1, v5;
	v9 =	vcvt.s32.f32 v6  }
0x52: {  	vm4 =	vgt.s32 v4, $0x0;
	vm3 =	vlt.u32 v6, $0x180;
	v10 =	vcvt.s32.f32 v8  }
0x53: {  	vm6 =	vgt.s32 v6, $0x0;
	vm5 =	vlt.u32 v8, $0x180;
	v9 =	vsub.f32 v2, v9  }
0x54: {  	v7 =	vsub.f32 v3, v7;
	vm1 =	vmand vm5, vm0;
	v3 =	vsub.f32 v3, v10  }
0x55: {  	s26 =	smulhi.u32 $0xAAAAAAAB, s24;
	vm2 =	vlt.u32 v5, $0x180;
	vm7 =	vgt.s32 v5, $0x0;
	vm5 =	vmand vm5, vm3  }
0x56: {  	vm3 =	vmand vm2, vm3;
	v9 =	vmul.f32 v9, v9;
	v3 =	vmul.f32 v3, v3  }
0x57: {  	s26 =	sshrl.u32 s26, $0x8;
	vm8 =	vgt.s32 v8, $0x0;
	v6 =	vnsel vm6, $0x0, v6;
	v7 =	vmul.f32 v7, v7  }
0x58: {  	s28 =	smul.u32 $0xFFFFFE80, s26;
	s26 =	scvt.s32.f32 s26;
	v6 =	vmin.u32 v6, $0x17F;
	v10 =	vnsel vm4, $0x0, v4;
	v11 =	vadd.f32 v3, v9  }
0x59: {  	v4 =	vcvt.s32.f32 v4;
	v6 =	vmul.u32 $0x180, v6;
	v9 =	vadd.f32 v7, v9  }
0x5a: {  	s28 =	sadd.s32 s28, s24;
	v5 =	vnsel vm7, $0x0, v5;
	v10 =	vmin.u32 v10, $0x17F;
	vm4 =	vlt.f32 v11, $1.000000000e+00  }
0x5b: {  	v2 =	vsub.f32 v2, v4;
	v11 =	vor.u32 s28, v1;
	vm4 =	vmand vm5, vm4  }
0x5c: {  	v5 =	vmin.u32 v5, $0x17F;
	v4 =	vcvt.s32.f32 v11;
	v11 =	vsel vm4, $0x1, v0  }
0x5d: {  	v10 =	vmul.u32 $0x180, v10;
	v2 =	vmul.f32 v2, v2;
	vm4 =	vlt.f32 v9, $1.000000000e+00  }
0x5e: {  	v8 =	vnsel vm8, $0x0, v8;
	v9 =	vadd.s32 v5, v6;
	vm3 =	vmand vm3, vm4;
	[tilespmem:s20+$0x6C70] =	vst v11  }
0x5f: {  	v8 =	vmin.u32 v8, $0x17F;
	v7 =	vadd.f32 v7, v2;
	v11 =	vsel vm3, $0x1, v0;
	[tilespmem:s20+$0x2460] =	vst v9  }
0x60: {  	v5 =	vadd.s32 v5, v10;
	v6 =	vadd.s32 v8, v6;
	v9 =	vadd.s32 v10, v8;
	[tilespmem:s20+$0x6C60] =	vst v11  }
0x61: {  	vm0 =	vmand vm2, vm0;
	v2 =	vadd.f32 v3, v2;
	vm3 =	vlt.f32 v7, $1.000000000e+00;
	[tilespmem:s20+$0x2440] =	vst v5  }
0x62: {  	vm0 =	vmand vm0, vm3;
	[tilespmem:s20+$0x2450] =	vst v9  }
0x63: {  	v3 =	vsel vm0, $0x1, v0;
	vm0 =	vlt.f32 v2, $1.000000000e+00;
	[tilespmem:s20+$0x2470] =	vst v6  }
0x64: {  	vm0 =	vmand vm1, vm0;
	[tilespmem:s20+$0x6C40] =	vst v3  }
0x65: {  	v2 =	vsel vm0, $0x1, v0  }
0x66: {  	s18 =	sadd.s32 $0x20, s18;
	s29 =	sadd.s32 $0x6C00, s20;
	s28 =	sadd.s32 $0x2400, s20;
	[tilespmem:s20+$0x6C50] =	vst v2  }
0x67: {  	[spmem:s2] =	stream.indirect.scatter.add.s32 [tilespmem:s29], [sflag:$0x1], $0x1, s28, s14, $0xb8;
	[tilespmem:$0xFC00] =	vst v63  }
0x68: {  	v2 =	vld [tilespmem:s18+$0xFFFFFFF0]  }
0x69: {  	v3 =	vld [tilespmem:s19+$0xFFFFFFF0];
	_ =	sdelay $0x3  }
0x6a: {  	v2 =	vadd.f32 v4, v2  }
0x6b: {  	v3 =	vadd.f32 s26, v3  }
0x6c: {  	v4 =	vtrunc.f32 v2  }
0x6d: {  	v5 =	vtrunc.f32 v3;
	v6 =	vcvt.f32.s32 v4;
	vm0 =	vlt.f32 v2, v4  }
0x6e: {  	v4 =	vcvt.f32.s32 v5;
	vm1 =	vlt.f32 v3, v5;
	v5 =	vsel vm0, $0xFFFFFFFF, v0  }
0x6f: {  	v7 =	vsel vm1, $0xFFFFFFFF, v0;
	v5 =	vadd.s32 v6, v5  }
0x70: {  	v4 =	vadd.s32 v4, v7;
	v6 =	vcvt.s32.f32 v5;
	v7 =	vadd.s32 $0x1, v5  }
0x71: {  	v8 =	vcvt.s32.f32 v4;
	vm2 =	vlt.u32 v7, $0x180;
	vm0 =	vgt.s32 v7, $0x0  }
0x72: {  	vm5 =	vgt.s32 v5, $0x0;
	vm4 =	vgt.s32 v4, $0x0;
	v9 =	vadd.s32 $0x1, v4  }
0x73: {  	vm1 =	vlt.u32 v9, $0x180;
	vm6 =	vgt.s32 v9, $0x0;
	v8 =	vsub.f32 v3, v8  }
0x74: {  	vm3 =	vlt.u32 v5, $0x180;
	v10 =	vnsel vm4, $0x0, v4;
	v11 =	vcvt.s32.f32 v9  }
0x75: {  	vm4 =	vlt.u32 v4, $0x180;
	v4 =	vsub.f32 v2, v6;
	v6 =	vnsel vm0, $0x0, v7  }
0x76: {  	v5 =	vnsel vm5, $0x0, v5;
	vm0 =	vmand vm3, vm4;
	v10 =	vmin.u32 v10, $0x17F  }
0x77: {  	v7 =	vcvt.s32.f32 v7;
	v9 =	vnsel vm6, $0x0, v9;
	v8 =	vmul.f32 v8, v8  }
0x78: {  	vm4 =	vmand vm2, vm4;
	v4 =	vmul.f32 v4, v4;
	v3 =	vsub.f32 v3, v11  }
0x79: {  	v10 =	vmul.u32 $0x180, v10;
	v2 =	vsub.f32 v2, v7;
	v7 =	vmin.u32 v9, $0x17F  }
0x7a: {  	v6 =	vmin.u32 v6, $0x17F;
	vm2 =	vmand vm2, vm1;
	v3 =	vmul.f32 v3, v3  }
0x7b: {  	s20 =	sshra.s32 s25, $0x2;
	v7 =	vmul.u32 $0x180, v7;
	v2 =	vmul.f32 v2, v2;
	v9 =	vadd.s32 v10, v6  }
0x7c: {  	vm1 =	vmand vm3, vm1;
	v11 =	vadd.f32 v4, v8;
	v4 =	vadd.f32 v4, v3;
	[tilespmem:s20+$0x2410] =	vst v9  }
0x7d: {  	v5 =	vmin.u32 v5, $0x17F;
	v8 =	vadd.f32 v2, v8;
	v2 =	vadd.f32 v2, v3  }
0x7e: {  	v3 =	vadd.s32 v6, v7;
	vm3 =	vlt.f32 v11, $1.000000000e+00;
	vm5 =	vlt.f32 v4, $1.000000000e+00  }
0x7f: {  	vm6 =	vlt.f32 v8, $1.000000000e+00;
	vm1 =	vmand vm1, vm5;
	vm5 =	vlt.f32 v2, $1.000000000e+00;
	[tilespmem:s20+$0x2430] =	vst v3  }
0x80: {  	vm0 =	vmand vm0, vm3;
	vm3 =	vmand vm4, vm6;
	vm2 =	vmand vm2, vm5  }
.Ltmp1:
0x81: {  	v4 =	vsel vm3, $0x1, v0;
	v6 =	vsel vm1, $0x1, v0;
	v2 =	vsel vm2, $0x1, v0;
	(pc) =	sbr.rel @p0 .LBB2_4-.Ltmp1, $4  }
0x82: {  	v8 =	vsel vm0, $0x1, v0;
	v9 =	vadd.s32 v5, v10;
	v3 =	vadd.s32 v5, v7;
	[tilespmem:s20+$0x6C20] =	vst v6  }
0x83: {  	[tilespmem:s20+$0x2400] =	vst v9  }
0x84: {  	[tilespmem:s20+$0x6C00] =	vst v8  }
0x85: {  	s28 =	smulhi.u32 $0xAAAAAAAB, s23;
	s23 =	sadd.s32 $0x20, s23;
	s26 =	sadd.s32 $0x10, s24;
	[tilespmem:s20+$0x6C10] =	vst v4  }
0x86: {  	[tilespmem:s20+$0x2420] =	vst v3  }
0x87: {  	s19 =	smulhi.u32 $0xAAAAAAAB, s26;
	[tilespmem:s20+$0x6C30] =	vst v2;
	s21 =	sshrl.u32 s28, $0x8  }
0x88: {  	v2 =	vld [tilespmem:s22+$0x0];
	s21 =	smul.u32 $0xFFFFFE80, s21  }
0x89: {  	v3 =	vld [tilespmem:s18+$0x0]  }
0x8a: {  	s28 =	sshrl.u32 s19, $0x8;
	s29 =	sadd.s32 s21, s26  }
0x8b: {  	s18 =	scvt.s32.f32 s28;
	v4 =	vor.u32 s29, v1  }
0x8c: {  	v4 =	vcvt.s32.f32 v4  }
0x8d: {  	v2 =	vadd.f32 s18, v2  }
0x8e: {  	v3 =	vadd.f32 v4, v3  }
0x8f: {  	v54 =	vtrunc.f32 v2  }
0x90: {  	v5 =	vcvt.f32.s32 v54;
	vm0 =	vlt.f32 v2, v54;
	v55 =	vtrunc.f32 v3  }
0x91: {  	v6 =	vsel vm0, $0xFFFFFFFF, v0;
	vm8 =	vlt.f32 v3, v55  }
0x92: {  	v7 =	vcvt.f32.s32 v55;
	v56 =	vadd.s32 v5, v6;
	v57 =	vsel vm8, $0xFFFFFFFF, v0  }
0x93: {  	vm9 =	vlt.u32 v56, $0x180;
	v6 =	vadd.s32 $0x1, v56;
	vm3 =	vgt.s32 v56, $0x0  }
0x94: {  	v4 =	vcvt.s32.f32 v56;
	v5 =	vadd.s32 v7, v57;
	v9 =	vcvt.s32.f32 v6  }
0x95: {  	vm4 =	vlt.u32 v6, $0x180;
	vm6 =	vgt.s32 v6, $0x0;
	v58 =	vnsel vm3, $0x0, v56  }
0x96: {  	v7 =	vcvt.s32.f32 v5;
	v8 =	vadd.s32 $0x1, v5;
	vm2 =	vlt.u32 v5, $0x180  }
0x97: {  	vm7 =	vgt.s32 v5, $0x0;
	v6 =	vnsel vm6, $0x0, v6;
	v59 =	vmin.u32 v58, $0x17F  }
0x98: {  	v10 =	vcvt.s32.f32 v8;
	vm5 =	vlt.u32 v8, $0x180;
	v9 =	vsub.f32 v2, v9  }
0x99: {  	v6 =	vmin.u32 v6, $0x17F;
	vm10 =	vgt.s32 v8, $0x0;
	v5 =	vnsel vm7, $0x0, v5  }
0x9a: {  	v2 =	vsub.f32 v2, v4;
	v4 =	vmul.u32 $0x180, v59;
	vm0 =	vmand vm2, vm9  }
0x9b: {  	v7 =	vsub.f32 v3, v7;
	vm1 =	vmand vm5, vm9;
	v3 =	vsub.f32 v3, v10  }
0x9c: {  	vm5 =	vmand vm5, vm4;
	vm4 =	vmand vm2, vm4;
	v6 =	vmul.u32 $0x180, v6  }
0x9d: {  	v5 =	vmin.u32 v5, $0x17F;
	v9 =	vmul.f32 v9, v9;
	v3 =	vmul.f32 v3, v3  }
0x9e: {  	v8 =	vnsel vm10, $0x0, v8;
	v2 =	vmul.f32 v2, v2;
	v7 =	vmul.f32 v7, v7  }
0x9f: {  	v8 =	vmin.u32 v8, $0x17F;
	v61 =	vadd.s32 v5, v6;
	v11 =	vadd.f32 v3, v9  }
0xa0: {  	v5 =	vadd.s32 v5, v4;
	v63 =	vadd.s32 v8, v6;
	[tilespmem:s20+$0x2460] =	vst v61;
	v9 =	vadd.f32 v7, v9  }
0xa1: {  	[tilespmem:s20+$0x2440] =	vst v5;
	v7 =	vadd.f32 v7, v2;
	v2 =	vadd.f32 v3, v2;
	vm11 =	vlt.f32 v11, $1.000000000e+00  }
0xa2: {  	[tilespmem:s20+$0x2470] =	vst v63;
	v3 =	vadd.s32 v4, v8;
	vm12 =	vlt.f32 v9, $1.000000000e+00;
	vm5 =	vmand vm5, vm11  }
0xa3: {  	[tilespmem:s20+$0x2450] =	vst v3;
	vm13 =	vlt.f32 v7, $1.000000000e+00;
	vm4 =	vmand vm4, vm12;
	v60 =	vsel vm5, $0x1, v0  }
0xa4: {  	vm14 =	vlt.f32 v2, $1.000000000e+00;
	vm0 =	vmand vm0, vm13;
	v62 =	vsel vm4, $0x1, v0;
	[tilespmem:s20+$0x6C70] =	vst v60  }
0xa5: {  	vm15 =	vmand vm1, vm14;
	v2 =	vsel vm0, $0x1, v0;
	[tilespmem:s20+$0x6C60] =	vst v62  }
0xa6: {  	[tilespmem:s20+$0x6C40] =	vst v2;
	v2 =	vsel vm15, $0x1, v0  }
0xa7: {  	s30 =	sadd.s32 $0x2400, s20;
	s31 =	sadd.s32 $0x6C00, s20;
	[tilespmem:s20+$0x6C50] =	vst v2  }
0xa8: {  	[spmem:s2] =	stream.indirect.scatter.add.s32 [tilespmem:s31], [sflag:$0x1], $0x1, s30, s14, $0xb8;
	[tilespmem:$0xFC00] =	vst v63  }
0xa9: {  	_ =	swait.ge [sflag:s15], $0x80  }
0xaa: {  	s18 =	simm.s32 $0x8F;
	[sflag:s15] =	ssyncset.done $0x0  }
.LBB2_6:
0xab: {  	p0 =	sne.s32 s18, $0x1;
	s18 =	sadd.s32 $0xFFFFFFFF, s18;
	[sflag:s15] =	ssyncadd.s32 $0xFFFFFF80  }
.Ltmp2:
0xac: {  	(pc) =	sbr.rel @p0 .LBB2_6-.Ltmp2, $3  }
0xad: {  	_ =	sdelay $0x1  }
0xae: {  	_ =	swait.ge [sflag:s15], $0x80  }
0xaf: {  	[sflag:s15] =	ssyncset.done $0x0  }
0xb0: {  	[sflag:s15] =	ssyncadd.s32 $0xFFFFFF80;
	s3 =	sadd.s32 $0x1, s3  }
0xb1: {  	s18 =	sshll.u32 s1, $0x6;
	s19 =	sshrl.u32 s4, $0x3;
	p0 =	sne.s32 s3, s9  }
.Ltmp3:
0xb2: {  	[bflag:$0x0] =	sbarrier.arrive $0xFFFF;
	s18 =	sor.u32 $0x1C02, s18;
	(pc) =	sbr.rel @p0 .LBB2_1-.Ltmp3, $4  }
0xb3: {  	[hbm:s7@s16], [sflag:s18] =	dma.strided [spmem:s19@s17], $0x480, s15, $0x10   }
0xb4: {  	_ =	swait.ge [sflag:s12], $0x480  }
0xb5: {  	[sflag:s12] =	ssyncset.done $0x0  }
0xb6: {  	[sflag:s12] =	ssyncadd.s32 $0xFFFFFB80  }
0xb7: {  	_ =	sfence.sel $0x180000  }
0xb8: {  	[bflag:$0x0] =	sbarrier.arrive $0xFFFF  }
0xb9: {  	p0 =	sne.s32 s1, $0x0;
	_ =	strace $0x90000047  }
0xba: {  	s0 =	sadd.s32 @!p0 $0x100000, s0;
	[bflag:$0x2] =	sbarrier.arrive $0xFFFF  }
0xbb: {  	[sflag:s0] =	ssyncadd.tile.s32 @!p0 $0x1;
	_ =	shalt  }
.Lfunc_end2:
_tile_overlayer_lowered:
.L_overlay_start_2:
0xbc: {  	(tag) =	ssettag $0x2  }
0xbd: {  	s0 =	rddreg [dreg:$0x0];
	s2 =	stileid.u32  }
0xbe: {  	s1 =	rddreg [dreg:$0x1];
	p0 =	sne.s32 s2, $0x0  }
0xbf: {  	s3 =	rddreg [dreg:$0x2];
	[bflag:$0x3] =	sbarrier.arrive $0xFFFF;
	s2 =	simm.s32 @!p0 $0x1C02  }
0xc0: {  	[timem:s3], [sflag:s2] =	dma.local @!p0 [hbm:s0], s1  }
0xc1: {  	s0 =	simm.s32 @!p0 $0x2  }
0xc2: {  	_ =	swait.ge @!p0 [sflag:s0], s1  }
0xc3: {  	s1 =	ssub.s32 @!p0 $0x0, s1;
	[sflag:s0] =	ssyncset.done @!p0 $0x0  }
0xc4: {  	[sflag:s0] =	ssyncadd.s32 @!p0 s1  }
0xc5: {  	[bflag:$0x3] =	sbarrier.arrive $0xFFFF  }
0xc6: {  	_ =	shalt  }

</sc_bundles>
